<compile_context>
chip_gen: v7x
topology: tpu7x:2x2x1
jax: 0.10.2.dev20260603
libtpu: 0.0.44.dev20260713+nightly
codegen_flags: <defaults>
</compile_context>

<pallas_src>
import functools

import jax
import jax.numpy as jnp
from jax import lax
from jax.experimental import pallas as pl
from jax.experimental.pallas import tpu as pltpu
from jax.experimental.pallas import tpu_sc as plsc

N = 10000
E = 640000
INP = 128
EMB = 64
R = 16
B = 4096
PATH = 10
NDIST = 11
RELD = 32

NC = 2
NS = 16
NW = NC * NS

CH = 128
EPW = 20096
E_PAD = EPW * NW
N_PAD = 10112

LPW = B // NW
MROWS = (B * PATH) // (NW * CH)

_sds = jax.ShapeDtypeStruct


def _make_edge_agg(with_deg, ge):
    groups = EPW // ge
    mesh = plsc.VectorSubcoreMesh(core_axis_name="c", subcore_axis_name="s")
    out_type = [_sds((NC, N_PAD, EMB), jnp.float32)]
    scratch = [
        pltpu.VMEM((groups, ge), jnp.int32),
        pltpu.VMEM((groups, ge), jnp.int32),
        pltpu.VMEM((ge, EMB), jnp.float32),
        pltpu.VMEM_SHARED((N_PAD, EMB), jnp.float32),
        pltpu.SemaphoreType.DMA,
    ]
    if with_deg:
        out_type.append(_sds((NC, N_PAD, 16), jnp.float32))
        scratch += [
            pltpu.VMEM((ge, 16), jnp.float32),
            pltpu.VMEM_SHARED((N_PAD, 16), jnp.float32),
        ]

    def body_deg(table_hbm, idx_hbm, dst_hbm, zagg_hbm, zdeg_hbm, ones_hbm,
                 agg_out, deg_out, idx_v, dst_v, rows_v, agg_sh, sem,
                 ones_v, deg_sh):
        c = lax.axis_index("c")
        s = lax.axis_index("s")
        wid = s * NC + c
        zr = N_PAD // NS
        pltpu.sync_copy(zagg_hbm.at[pl.ds(s * zr, zr)],
                        agg_sh.at[pl.ds(s * zr, zr)])
        pltpu.sync_copy(zdeg_hbm.at[pl.ds(s * zr, zr)],
                        deg_sh.at[pl.ds(s * zr, zr)])
        pltpu.sync_copy(ones_hbm, ones_v)
        pltpu.sync_copy(idx_hbm.at[wid], idx_v)
        pltpu.sync_copy(dst_hbm.at[wid], dst_v)
        plsc.subcore_barrier()

        def step(i, carry):
            pltpu.async_copy(table_hbm.at[idx_v.at[i]], rows_v, sem).wait()
            pltpu.sync_copy(rows_v, agg_sh.at[dst_v.at[i]], add=True)
            pltpu.sync_copy(ones_v, deg_sh.at[dst_v.at[i]], add=True)
            return carry

        lax.fori_loop(0, groups, step, 0)
        plsc.subcore_barrier()
        pltpu.sync_copy(agg_sh.at[pl.ds(s * zr, zr)],
                        agg_out.at[c, pl.ds(s * zr, zr)])
        pltpu.sync_copy(deg_sh.at[pl.ds(s * zr, zr)],
                        deg_out.at[c, pl.ds(s * zr, zr)])

    def body_nodeg(table_hbm, idx_hbm, dst_hbm, zagg_hbm,
                   agg_out, idx_v, dst_v, rows_v, agg_sh, sem):
        c = lax.axis_index("c")
        s = lax.axis_index("s")
        wid = s * NC + c
        zr = N_PAD // NS
        pltpu.sync_copy(zagg_hbm.at[pl.ds(s * zr, zr)],
                        agg_sh.at[pl.ds(s * zr, zr)])
        pltpu.sync_copy(idx_hbm.at[wid], idx_v)
        pltpu.sync_copy(dst_hbm.at[wid], dst_v)
        plsc.subcore_barrier()

        def step(i, carry):
            pltpu.async_copy(table_hbm.at[idx_v.at[i]], rows_v, sem).wait()
            pltpu.sync_copy(rows_v, agg_sh.at[dst_v.at[i]], add=True)
            return carry

        lax.fori_loop(0, groups, step, 0)
        plsc.subcore_barrier()
        pltpu.sync_copy(agg_sh.at[pl.ds(s * zr, zr)],
                        agg_out.at[c, pl.ds(s * zr, zr)])

    body = body_deg if with_deg else body_nodeg
    return functools.partial(
        pl.kernel, out_type=out_type, mesh=mesh, scratch_types=scratch,
        compiler_params=pltpu.CompilerParams(use_tc_tiling_on_sc=False),
    )(body)


GE_DEG = 128
GE_PLAIN = 128
_edge_agg_deg = _make_edge_agg(True, GE_DEG)
_edge_agg = _make_edge_agg(False, GE_PLAIN)


def _make_decoder_gather():
    mesh = plsc.VectorSubcoreMesh(core_axis_name="c", subcore_axis_name="s")
    out_type = [
        _sds((B, INP), jnp.float32),
        _sds((B, INP), jnp.float32),
        _sds((B, INP), jnp.float32),
        _sds((B, INP), jnp.float32),
        _sds((NC, B, INP), jnp.float32),
    ]
    scratch = [
        pltpu.VMEM((CH,), jnp.int32),
        pltpu.VMEM((CH,), jnp.int32),
        pltpu.VMEM((MROWS, CH), jnp.int32),
        pltpu.VMEM((MROWS, CH), jnp.int32),
        pltpu.VMEM((CH, INP), jnp.float32),
        pltpu.VMEM_SHARED((B, INP), jnp.float32),
        pltpu.SemaphoreType.DMA,
    ]

    def body(repr_hbm, feat_hbm, heads_hbm, tails_hbm, inter_hbm, rep_hbm,
             zmid_hbm, hr_out, tr_out, hi_out, ti_out, mid_out,
             hid_v, tid_v, iid_v, rid_v, rows_v, mid_sh, sem):
        c = lax.axis_index("c")
        s = lax.axis_index("s")
        wid = s * NC + c
        zr = B // NS
        pltpu.sync_copy(zmid_hbm.at[pl.ds(s * zr, zr)],
                        mid_sh.at[pl.ds(s * zr, zr)])
        pltpu.sync_copy(heads_hbm.at[pl.ds(wid * CH, CH)], hid_v)
        pltpu.sync_copy(tails_hbm.at[pl.ds(wid * CH, CH)], tid_v)
        pltpu.sync_copy(inter_hbm.at[wid], iid_v)
        pltpu.sync_copy(rep_hbm.at[wid], rid_v)
        plsc.subcore_barrier()

        def step(j, carry):
            pltpu.async_copy(repr_hbm.at[iid_v.at[j]], rows_v, sem).wait()
            pltpu.sync_copy(rows_v, mid_sh.at[rid_v.at[j]], add=True)
            return carry

        lax.fori_loop(0, MROWS, step, 0)

        base = wid * LPW
        pltpu.async_copy(repr_hbm.at[hid_v], rows_v, sem).wait()
        pltpu.sync_copy(rows_v, hr_out.at[pl.ds(base, LPW)])
        pltpu.async_copy(repr_hbm.at[tid_v], rows_v, sem).wait()
        pltpu.sync_copy(rows_v, tr_out.at[pl.ds(base, LPW)])
        pltpu.async_copy(feat_hbm.at[hid_v], rows_v, sem).wait()
        pltpu.sync_copy(rows_v, hi_out.at[pl.ds(base, LPW)])
        pltpu.async_copy(feat_hbm.at[tid_v], rows_v, sem).wait()
        pltpu.sync_copy(rows_v, ti_out.at[pl.ds(base, LPW)])

        plsc.subcore_barrier()
        cr = B // NS
        pltpu.sync_copy(mid_sh.at[pl.ds(s * cr, cr)],
                        mid_out.at[c, pl.ds(s * cr, cr)])

    return functools.partial(
        pl.kernel, out_type=out_type, mesh=mesh, scratch_types=scratch,
        compiler_params=pltpu.CompilerParams(use_tc_tiling_on_sc=False),
    )(body)


_decoder_gather = _make_decoder_gather()


_NBLK = 1000
_NGRID = N // _NBLK


def _trans_body(h_ref, w_ref, out_ref):
    out_ref[...] = jnp.dot(h_ref[...], w_ref[...],
                           preferred_element_type=jnp.float32)


def _trans0_call(feat, w0r):
    return pl.pallas_call(
        _trans_body,
        grid=(_NGRID,),
        in_specs=[pl.BlockSpec((_NBLK, INP), lambda i: (i, 0)),
                  pl.BlockSpec((INP, R * EMB), lambda i: (0, 0))],
        out_specs=pl.BlockSpec((_NBLK, R * EMB), lambda i: (i, 0)),
        out_shape=_sds((N, R * EMB), jnp.float32),
    )(feat, w0r)


def _combine1_body(agg_ref, deg_ref, feat_ref, ws_ref, w1r_ref,
                   h1_ref, tr_ref):
    aggs = agg_ref[0] + agg_ref[1]
    degs = deg_ref[0][:, 0:1] + deg_ref[1][:, 0:1]
    inv = 1.0 / jnp.maximum(degs, 1.0)
    h1 = jnp.maximum(
        aggs * inv + jnp.dot(feat_ref[...], ws_ref[...],
                             preferred_element_type=jnp.float32), 0.0)
    h1_ref[...] = h1
    tr_ref[...] = jnp.dot(h1, w1r_ref[...],
                          preferred_element_type=jnp.float32)


def _combine1_call(agg0, deg, feat, wself0, w1r):
    return pl.pallas_call(
        _combine1_body,
        grid=(_NGRID,),
        in_specs=[pl.BlockSpec((NC, _NBLK, EMB), lambda i: (0, i, 0)),
                  pl.BlockSpec((NC, _NBLK, 16), lambda i: (0, i, 0)),
                  pl.BlockSpec((_NBLK, INP), lambda i: (i, 0)),
                  pl.BlockSpec((INP, EMB), lambda i: (0, 0)),
                  pl.BlockSpec((EMB, R * EMB), lambda i: (0, 0))],
        out_specs=[pl.BlockSpec((_NBLK, EMB), lambda i: (i, 0)),
                   pl.BlockSpec((_NBLK, R * EMB), lambda i: (i, 0))],
        out_shape=[_sds((N, EMB), jnp.float32),
                   _sds((N, R * EMB), jnp.float32)],
    )(agg0, deg, feat, wself0, w1r)


def _combine2_body(agg_ref, deg_ref, h1_ref, ws_ref, out_ref):
    aggs = agg_ref[0] + agg_ref[1]
    degs = deg_ref[0][:, 0:1] + deg_ref[1][:, 0:1]
    inv = 1.0 / jnp.maximum(degs, 1.0)
    h1 = h1_ref[...]
    h2 = jnp.maximum(
        aggs * inv + jnp.dot(h1, ws_ref[...],
                             preferred_element_type=jnp.float32), 0.0)
    out_ref[...] = jnp.concatenate([h1, h2], axis=1)


def _combine2_call(agg1, deg, h1, wself1):
    return pl.pallas_call(
        _combine2_body,
        grid=(_NGRID,),
        in_specs=[pl.BlockSpec((NC, _NBLK, EMB), lambda i: (0, i, 0)),
                  pl.BlockSpec((NC, _NBLK, 16), lambda i: (0, i, 0)),
                  pl.BlockSpec((_NBLK, EMB), lambda i: (i, 0)),
                  pl.BlockSpec((EMB, EMB), lambda i: (0, 0))],
        out_specs=pl.BlockSpec((_NBLK, 2 * EMB), lambda i: (i, 0)),
        out_shape=_sds((N, 2 * EMB), jnp.float32),
    )(agg1, deg, h1, wself1)


_BBLK = 1024
_BGRID = B // _BBLK


def _decoder_body(hr_ref, tr_ref, hi_ref, ti_ref, mid2_ref, rels_ref,
                  dist_ref, relt_ref, distt_ref, w1h_ref, w1t_ref, w1r_ref,
                  w1m_ref, w1hi_ref, w1ti_ref, w1d_ref, b1_ref, w2_ref,
                  b2_ref, w3_ref, b3_ref, hwm_ref, hwd_ref, hb_ref,
                  twm_ref, twd_ref, tb_ref, out_ref, hp_ref, tp_ref):
    f32 = jnp.float32
    mid = (mid2_ref[0] + mid2_ref[1]) * (1.0 / PATH)
    rels = rels_ref[...]
    dist = dist_ref[...]
    r_oh = (rels == lax.broadcasted_iota(jnp.int32, (_BBLK, R), 1)
            .astype(f32)).astype(f32)
    relrep = jnp.dot(r_oh, relt_ref[...], preferred_element_type=f32)
    d_oh = (dist == lax.broadcasted_iota(jnp.int32, (_BBLK, NDIST), 1)
            .astype(f32)).astype(f32)
    distrep = jnp.dot(d_oh, distt_ref[...], preferred_element_type=f32)

    def mm(a, w_ref):
        return jnp.dot(a, w_ref[...], preferred_element_type=f32)

    x = (mm(hr_ref[...], w1h_ref) + mm(tr_ref[...], w1t_ref)
         + mm(relrep, w1r_ref) + mm(mid, w1m_ref)
         + mm(hi_ref[...], w1hi_ref) + mm(ti_ref[...], w1ti_ref)
         + dist * w1d_ref[...] + b1_ref[...])
    x = jnp.maximum(x, 0.0)
    x = jnp.maximum(mm(x, w2_ref) + b2_ref[...], 0.0)
    out_ref[...] = jnp.sum(x * w3_ref[...], axis=1, keepdims=True) + b3_ref[...]
    hp_ref[...] = mm(mid, hwm_ref) + mm(distrep, hwd_ref) + hb_ref[...]
    tp_ref[...] = mm(mid, twm_ref) + mm(distrep, twd_ref) + tb_ref[...]


def _decoder_call(hr, tr, hi, ti, mid2, rels_f, dist_f, p):
    def full(shape):
        return pl.BlockSpec(shape, lambda i: tuple(0 for _ in shape))

    w1 = p['link_W1']
    specs = [
        pl.BlockSpec((_BBLK, INP), lambda i: (i, 0)),
        pl.BlockSpec((_BBLK, INP), lambda i: (i, 0)),
        pl.BlockSpec((_BBLK, INP), lambda i: (i, 0)),
        pl.BlockSpec((_BBLK, INP), lambda i: (i, 0)),
        pl.BlockSpec((NC, _BBLK, INP), lambda i: (0, i, 0)),
        pl.BlockSpec((_BBLK, 1), lambda i: (i, 0)),
        pl.BlockSpec((_BBLK, 1), lambda i: (i, 0)),
        full((R, RELD)), full((NDIST, EMB)),
        full((INP, 128)), full((INP, 128)), full((RELD, 128)),
        full((INP, 128)), full((INP, 128)), full((INP, 128)),
        full((1, 128)), full((1, 128)),
        full((128, 64)), full((1, 64)), full((1, 64)), full((1, 1)),
        full((INP, INP)), full((EMB, INP)), full((1, INP)),
        full((INP, INP)), full((EMB, INP)), full((1, INP)),
    ]
    args = [
        hr, tr, hi, ti, mid2, rels_f, dist_f,
        p['rel_table'], p['dist_table'],
        w1[0:128], w1[128:256], w1[256:288], w1[288:416], w1[416:544],
        w1[544:672], w1[672:673], p['link_b1'].reshape(1, 128),
        p['link_W2'], p['link_b2'].reshape(1, 64),
        p['link_W3'].reshape(1, 64), p['link_b3'].reshape(1, 1),
        p['head_W'][0:128], p['head_W'][128:192], p['head_b'].reshape(1, INP),
        p['tail_W'][0:128], p['tail_W'][128:192], p['tail_b'].reshape(1, INP),
    ]
    return pl.pallas_call(
        _decoder_body,
        grid=(_BGRID,),
        in_specs=specs,
        out_specs=[pl.BlockSpec((_BBLK, 1), lambda i: (i, 0)),
                   pl.BlockSpec((_BBLK, INP), lambda i: (i, 0)),
                   pl.BlockSpec((_BBLK, INP), lambda i: (i, 0))],
        out_shape=[_sds((B, 1), jnp.float32),
                   _sds((B, INP), jnp.float32),
                   _sds((B, INP), jnp.float32)],
    )(*args)


def kernel(feat, edge_index, edge_type, link_heads, link_tails, link_rels,
           dist, inter_count, params):
    i32 = jnp.int32
    f32 = jnp.float32
    src = edge_index[0].astype(i32)
    dst = edge_index[1].astype(i32)
    etype = edge_type.astype(i32)

    gidx = src * R + etype
    pad = E_PAD - E
    gidx_p = jnp.concatenate([gidx, jnp.zeros((pad,), i32)])
    pad_rows = N + (jnp.arange(pad, dtype=i32) % (N_PAD - N))
    dst_p = jnp.concatenate([dst, pad_rows])
    idx3d_d = gidx_p.reshape(NW, EPW // GE_DEG, GE_DEG)
    dst3d_d = dst_p.reshape(NW, EPW // GE_DEG, GE_DEG)
    idx3d_p = gidx_p.reshape(NW, EPW // GE_PLAIN, GE_PLAIN)
    dst3d_p = dst_p.reshape(NW, EPW // GE_PLAIN, GE_PLAIN)

    zagg = jnp.zeros((N_PAD, EMB), f32)
    zdeg = jnp.zeros((N_PAD, 16), f32)
    ones_blk = jnp.ones((GE_DEG, 16), f32)
    zmid = jnp.zeros((B, INP), f32)

    w0r = params['Wrel0'].transpose(1, 0, 2).reshape(INP, R * EMB)
    w1r = params['Wrel1'].transpose(1, 0, 2).reshape(EMB, R * EMB)

    trans0 = _trans0_call(feat, w0r).reshape(N * R, EMB)
    agg0, deg = _edge_agg_deg(trans0, idx3d_d, dst3d_d, zagg, zdeg, ones_blk)
    h1, trans1 = _combine1_call(agg0, deg, feat, params['Wself0'], w1r)

    agg1, = _edge_agg(trans1.reshape(N * R, EMB), idx3d_p, dst3d_p, zagg)
    repr_flat = _combine2_call(agg1, deg, h1, params['Wself1'])

    heads1d = link_heads.astype(i32)
    tails1d = link_tails.astype(i32)
    inter3d = inter_count.astype(i32).reshape(NW, MROWS, CH)
    rep3d = jnp.repeat(jnp.arange(B, dtype=i32), PATH).reshape(NW, MROWS, CH)
    hr, tr, hi, ti, mid2 = _decoder_gather(
        repr_flat, feat, heads1d, tails1d, inter3d, rep3d, zmid)

    rels_f = link_rels.astype(f32).reshape(B, 1)
    dist_f = dist.astype(f32).reshape(B, 1)
    out, head_pred, tail_pred = _decoder_call(
        hr, tr, hi, ti, mid2, rels_f, dist_f, params)

    return (out, head_pred, tail_pred, hi, ti)

# --- scband reference (transcript-rebuilt; emitter-appended) ---
"""Pipeline reference for scband-graph-classifier-whole-28656021798992 (READ-ONLY COPY).

The authoritative reference and input builder live on the scoring server;
editing this copy changes nothing except your own understanding.
"""

import jax, jax.numpy as jnp
import numpy as np

N = 10000
E = 640000
INP = 128
EMB = 64
R = 16
B = 4096
PATH = 10
NDIST = 11
RELD = 32


def setup_inputs(seed: int = 0):
    key = jax.random.key(seed)
    ks = jax.random.split(key, 20)
    feat = jax.random.normal(ks[0], (N, INP), dtype=jnp.float32)
    edge_index = jax.random.randint(ks[1], (2, E), 0, N)
    edge_type = jax.random.randint(ks[2], (E,), 0, R)
    link_heads = jax.random.randint(ks[3], (B,), 0, N)
    link_tails = jax.random.randint(ks[4], (B,), 0, N)
    link_rels = jax.random.randint(ks[5], (B,), 0, R)
    dist = jax.random.randint(ks[6], (B,), 0, NDIST)
    inter_count = jax.random.randint(ks[7], (B, PATH), 0, N)

    def w(k, shape, fan_in):
        return jax.random.normal(k, shape, dtype=jnp.float32) / np.sqrt(float(fan_in))

    params = {
        'Wrel0': w(ks[8], (R, INP, EMB), INP),
        'Wself0': w(ks[9], (INP, EMB), INP),
        'Wrel1': w(ks[10], (R, EMB, EMB), EMB),
        'Wself1': w(ks[11], (EMB, EMB), EMB),
        'rel_table': w(ks[12], (R, RELD), 1),
        'dist_table': w(ks[13], (NDIST, EMB), 1),
        'link_W1': w(ks[14], (673, 128), 673),
        'link_b1': jnp.zeros((128,), jnp.float32),
        'link_W2': w(ks[15], (128, 64), 128),
        'link_b2': jnp.zeros((64,), jnp.float32),
        'link_W3': w(ks[16], (64, 1), 64),
        'link_b3': jnp.zeros((1,), jnp.float32),
        'head_W': w(ks[17], (192, INP), 192),
        'head_b': jnp.zeros((INP,), jnp.float32),
        'tail_W': w(ks[18], (192, INP), 192),
        'tail_b': jnp.zeros((INP,), jnp.float32),
    }
    return {'feat': feat, 'edge_index': edge_index, 'edge_type': edge_type,
            'link_heads': link_heads, 'link_tails': link_tails, 'link_rels': link_rels,
            'dist': dist, 'inter_count': inter_count, 'params': params}


def _rgcn_layer(h, src, dst, etype, Wrel, Wself):
    # relational GCN layer: per-relation transform, gather by (src, etype), scatter-add by dst
    trans = jnp.einsum('nd,rdo->nro', h, Wrel)
    msg = trans[src, etype]
    agg = jax.ops.segment_sum(msg, dst, num_segments=N)
    deg = jax.ops.segment_sum(jnp.ones((src.shape[0], 1), jnp.float32), dst, num_segments=N)
    return jax.nn.relu(agg / jnp.clip(deg, 1.0, None) + h @ Wself)


def _forward(feat, edge_index, edge_type, link_heads, link_tails, link_rels, dist, inter_count, params):
    src, dst = edge_index[0], edge_index[1]
    h1 = _rgcn_layer(feat, src, dst, edge_type, params['Wrel0'], params['Wself0'])
    h2 = _rgcn_layer(h1, src, dst, edge_type, params['Wrel1'], params['Wself1'])
    repr_flat = jnp.concatenate([h1, h2], axis=1)  # [N, param_set_dim=128]
    head_repr = repr_flat[link_heads]
    tail_repr = repr_flat[link_tails]
    rel_repr = params['rel_table'][link_rels]
    mid = repr_flat[jnp.abs(inter_count)] * jnp.sign(inter_count + 1)[:, :, None].astype(jnp.float32)
    cnt = jnp.clip(jnp.sum(inter_count != -1, axis=1), 1, None)
    mid = mid.sum(axis=1) / cnt[:, None].astype(jnp.float32)
    dist_repr = params['dist_table'][dist]
    hp_in = jnp.concatenate([mid, dist_repr], axis=1)
    head_pred = hp_in @ params['head_W'] + params['head_b']
    tail_pred = hp_in @ params['tail_W'] + params['tail_b']
    head_init = feat[link_heads]
    tail_init = feat[link_tails]
    g_rep = jnp.concatenate([head_repr, tail_repr, rel_repr, mid, head_init, tail_init,
                             dist[:, None].astype(jnp.float32)], axis=1)
    x = jax.nn.relu(g_rep @ params['link_W1'] + params['link_b1'])
    x = jax.nn.relu(x @ params['link_W2'] + params['link_b2'])
    out = x @ params['link_W3'] + params['link_b3']
    return (out, head_pred, tail_pred, head_init, tail_init)


def reference(feat, edge_index, edge_type, link_heads, link_tails, link_rels, dist, inter_count, params):
    return _forward(feat, edge_index, edge_type, link_heads, link_tails, link_rels, dist, inter_count, params)

if __name__ == "__main__":
    import jax
    _d = setup_inputs()
    print(jax.jit(kernel)(*tuple(_d.values())))

</pallas_src>

<mosaic_0001>
#map = affine_map<(d0, d1) -> (0, 0)>
#map1 = affine_map<(d0, d1) -> (0, 0, 0)>
module attributes {stable_mosaic.version = 14 : i64} {
  func.func @body_nodeg(%arg0: i32, %arg1: i32, %arg2: memref<160000x64xf32, #tpu.memory_space<hbm>>, %arg3: memref<32x157x128xi32, #tpu.memory_space<hbm>>, %arg4: memref<32x157x128xi32, #tpu.memory_space<hbm>>, %arg5: memref<10112x64xf32, #tpu.memory_space<hbm>>, %arg6: memref<2x10112x64xf32, #tpu.memory_space<hbm>>, %arg7: memref<157x128xi32, #tpu.memory_space<vmem>>, %arg8: memref<157x128xi32, #tpu.memory_space<vmem>>, %arg9: memref<128x64xf32, #tpu.memory_space<vmem>>, %arg10: memref<10112x64xf32, #tpu.memory_space<vmem_shared>>, %arg11: memref<!tpu.dma_semaphore, #tpu.memory_space<semaphore_mem>>) attributes {dimension_semantics = [#tpu.dimension_semantics<core_parallel>, #tpu.dimension_semantics<subcore_parallel>], iteration_bounds = array<i64: 2, 16>, scalar_prefetch = 0 : i64, scratch_operands = 5 : i64, tpu.core_type = #tpu.core_type<sc_vector_subcore>, window_params = [{transform_indices = #map}, {transform_indices = #map1}, {transform_indices = #map1}, {transform_indices = #map}, {transform_indices = #map1}]} {
    %mul3A = arith.constant 2 : i32
    %mul3A_0 = arith.muli %arg1, %mul3A : i32
    %add3A = arith.addi %mul3A_0, %arg0 : i32
    %mul3A_1 = arith.constant 632 : i32
    %mul3A_2 = arith.muli %arg1, %mul3A_1 : i32
    %mul3A_3 = arith.constant 632 : i32
    %mul3A_4 = arith.muli %arg1, %mul3A_3 : i32
    "tpu.region"() ({
      %run_scoped3A = tpu.sem_alloc : memref<!tpu.dma_semaphore, #tpu.memory_space<semaphore_mem>>
      %dma_start3A = arith.constant 0 : i32
      %dma_start3A_15 = tpu.memref_slice %arg10[%mul3A_4, %dma_start3A] : memref<10112x64xf32, #tpu.memory_space<vmem_shared>> -> memref<632x64xf32, #tpu.memory_space<vmem_shared>>
      %dma_start3A_16 = arith.constant 0 : i32
      %dma_start3A_17 = tpu.memref_slice %arg5[%mul3A_2, %dma_start3A_16] : memref<10112x64xf32, #tpu.memory_space<hbm>> -> memref<632x64xf32, #tpu.memory_space<hbm>>
      tpu.enqueue_dma source(%dma_start3A_17 : memref<632x64xf32, #tpu.memory_space<hbm>>) target(%dma_start3A_15 : memref<632x64xf32, #tpu.memory_space<vmem_shared>>) target_semaphore(%run_scoped3A : memref<!tpu.dma_semaphore, #tpu.memory_space<semaphore_mem>>)
      %dma_wait3A = arith.constant 0 : i32
      %dma_wait3A_18 = tpu.memref_slice %arg10[%mul3A_4, %dma_wait3A] : memref<10112x64xf32, #tpu.memory_space<vmem_shared>> -> memref<632x64xf32, #tpu.memory_space<vmem_shared>>
      %dma_wait3A_19 = arith.constant 0 : i32
      %dma_wait3A_20 = tpu.memref_slice %arg5[%mul3A_2, %dma_wait3A_19] : memref<10112x64xf32, #tpu.memory_space<hbm>> -> memref<632x64xf32, #tpu.memory_space<hbm>>
      tpu.wait_dma2 semaphore(%run_scoped3A : memref<!tpu.dma_semaphore, #tpu.memory_space<semaphore_mem>>) src(%dma_wait3A_20 : memref<632x64xf32, #tpu.memory_space<hbm>>) dst(%dma_wait3A_18 : memref<632x64xf32, #tpu.memory_space<vmem_shared>>)
      tpu.yield
    }) : () -> ()
    "tpu.region"() ({
      %run_scoped3A = tpu.sem_alloc : memref<!tpu.dma_semaphore, #tpu.memory_space<semaphore_mem>>
      %dma_start3A = arith.constant 0 : i32
      %dma_start3A_15 = arith.constant 0 : i32
      %dma_start3A_16 = tpu.memref_slice %arg3[%add3A, %dma_start3A, %dma_start3A_15] : memref<32x157x128xi32, #tpu.memory_space<hbm>> -> memref<1x157x128xi32, #tpu.memory_space<hbm>>
      %dma_start3A_17 = tpu.memref_squeeze %dma_start3A_16 : memref<1x157x128xi32, #tpu.memory_space<hbm>> -> memref<157x128xi32, #tpu.memory_space<hbm>>
      %dma_start3A_18 = arith.constant 0 : i32
      %dma_start3A_19 = arith.constant 0 : i32
      %dma_start3A_20 = tpu.memref_slice %arg3[%add3A, %dma_start3A_18, %dma_start3A_19] : memref<32x157x128xi32, #tpu.memory_space<hbm>> -> memref<1x157x128xi32, #tpu.memory_space<hbm>>
      %dma_start3A_21 = tpu.memref_squeeze %dma_start3A_20 : memref<1x157x128xi32, #tpu.memory_space<hbm>> -> memref<157x128xi32, #tpu.memory_space<hbm>>
      tpu.enqueue_dma source(%dma_start3A_21 : memref<157x128xi32, #tpu.memory_space<hbm>>) target(%arg7 : memref<157x128xi32, #tpu.memory_space<vmem>>) target_semaphore(%run_scoped3A : memref<!tpu.dma_semaphore, #tpu.memory_space<semaphore_mem>>)
      %dma_wait3A = arith.constant 0 : i32
      %dma_wait3A_22 = arith.constant 0 : i32
      %dma_wait3A_23 = tpu.memref_slice %arg3[%add3A, %dma_wait3A, %dma_wait3A_22] : memref<32x157x128xi32, #tpu.memory_space<hbm>> -> memref<1x157x128xi32, #tpu.memory_space<hbm>>
      %dma_wait3A_24 = tpu.memref_squeeze %dma_wait3A_23 : memref<1x157x128xi32, #tpu.memory_space<hbm>> -> memref<157x128xi32, #tpu.memory_space<hbm>>
      %dma_wait3A_25 = arith.constant 0 : i32
      %dma_wait3A_26 = arith.constant 0 : i32
      %dma_wait3A_27 = tpu.memref_slice %arg3[%add3A, %dma_wait3A_25, %dma_wait3A_26] : memref<32x157x128xi32, #tpu.memory_space<hbm>> -> memref<1x157x128xi32, #tpu.memory_space<hbm>>
      %dma_wait3A_28 = tpu.memref_squeeze %dma_wait3A_27 : memref<1x157x128xi32, #tpu.memory_space<hbm>> -> memref<157x128xi32, #tpu.memory_space<hbm>>
      tpu.wait_dma2 semaphore(%run_scoped3A : memref<!tpu.dma_semaphore, #tpu.memory_space<semaphore_mem>>) src(%dma_wait3A_28 : memref<157x128xi32, #tpu.memory_space<hbm>>) dst(%arg7 : memref<157x128xi32, #tpu.memory_space<vmem>>)
      tpu.yield
    }) : () -> ()
    "tpu.region"() ({
      %run_scoped3A = tpu.sem_alloc : memref<!tpu.dma_semaphore, #tpu.memory_space<semaphore_mem>>
      %dma_start3A = arith.constant 0 : i32
      %dma_start3A_15 = arith.constant 0 : i32
      %dma_start3A_16 = tpu.memref_slice %arg4[%add3A, %dma_start3A, %dma_start3A_15] : memref<32x157x128xi32, #tpu.memory_space<hbm>> -> memref<1x157x128xi32, #tpu.memory_space<hbm>>
      %dma_start3A_17 = tpu.memref_squeeze %dma_start3A_16 : memref<1x157x128xi32, #tpu.memory_space<hbm>> -> memref<157x128xi32, #tpu.memory_space<hbm>>
      %dma_start3A_18 = arith.constant 0 : i32
      %dma_start3A_19 = arith.constant 0 : i32
      %dma_start3A_20 = tpu.memref_slice %arg4[%add3A, %dma_start3A_18, %dma_start3A_19] : memref<32x157x128xi32, #tpu.memory_space<hbm>> -> memref<1x157x128xi32, #tpu.memory_space<hbm>>
      %dma_start3A_21 = tpu.memref_squeeze %dma_start3A_20 : memref<1x157x128xi32, #tpu.memory_space<hbm>> -> memref<157x128xi32, #tpu.memory_space<hbm>>
      tpu.enqueue_dma source(%dma_start3A_21 : memref<157x128xi32, #tpu.memory_space<hbm>>) target(%arg8 : memref<157x128xi32, #tpu.memory_space<vmem>>) target_semaphore(%run_scoped3A : memref<!tpu.dma_semaphore, #tpu.memory_space<semaphore_mem>>)
      %dma_wait3A = arith.constant 0 : i32
      %dma_wait3A_22 = arith.constant 0 : i32
      %dma_wait3A_23 = tpu.memref_slice %arg4[%add3A, %dma_wait3A, %dma_wait3A_22] : memref<32x157x128xi32, #tpu.memory_space<hbm>> -> memref<1x157x128xi32, #tpu.memory_space<hbm>>
      %dma_wait3A_24 = tpu.memref_squeeze %dma_wait3A_23 : memref<1x157x128xi32, #tpu.memory_space<hbm>> -> memref<157x128xi32, #tpu.memory_space<hbm>>
      %dma_wait3A_25 = arith.constant 0 : i32
      %dma_wait3A_26 = arith.constant 0 : i32
      %dma_wait3A_27 = tpu.memref_slice %arg4[%add3A, %dma_wait3A_25, %dma_wait3A_26] : memref<32x157x128xi32, #tpu.memory_space<hbm>> -> memref<1x157x128xi32, #tpu.memory_space<hbm>>
      %dma_wait3A_28 = tpu.memref_squeeze %dma_wait3A_27 : memref<1x157x128xi32, #tpu.memory_space<hbm>> -> memref<157x128xi32, #tpu.memory_space<hbm>>
      tpu.wait_dma2 semaphore(%run_scoped3A : memref<!tpu.dma_semaphore, #tpu.memory_space<semaphore_mem>>) src(%dma_wait3A_28 : memref<157x128xi32, #tpu.memory_space<hbm>>) dst(%arg8 : memref<157x128xi32, #tpu.memory_space<vmem>>)
      tpu.yield
    }) : () -> ()
    %barrier3A = arith.constant 0 : index
    tpu.barrier barrier_id(%barrier3A)
    %scan3A = arith.constant 0 : i32
    %scan3A_5 = arith.constant 0 : i32
    %scan3A_6 = arith.constant 157 : i32
    %scan3A_7 = arith.addi %scan3A_5, %scan3A_6 : i32
    %scan3A_8 = arith.constant 1 : i32
    scf.for %scan3A_15 = %scan3A_5 to %scan3A_7 step %scan3A_8  : i32 {
      %dma_start3A = arith.constant 0 : i32
      %dma_start3A_16 = tpu.memref_slice %arg7[%scan3A_15, %dma_start3A] : memref<157x128xi32, #tpu.memory_space<vmem>> -> memref<1x128xi32, #tpu.memory_space<vmem>>
      %dma_start3A_17 = tpu.memref_squeeze %dma_start3A_16 : memref<1x128xi32, #tpu.memory_space<vmem>> -> memref<128xi32, #tpu.memory_space<vmem>>
      %dma_start3A_18 = arith.constant 0 : i32
      %dma_start3A_19 = arith.constant 0 : i32
      %dma_start3A_20 = tpu.memref_slice %arg2[%dma_start3A_18, %dma_start3A_19] : memref<160000x64xf32, #tpu.memory_space<hbm>> -> memref<160000x64xf32, #tpu.memory_space<hbm>>
      tpu.enqueue_indirect_dma source(%dma_start3A_20 : memref<160000x64xf32, #tpu.memory_space<hbm>>) target(%arg9 : memref<128x64xf32, #tpu.memory_space<vmem>>) offsets(%dma_start3A_17 : memref<128xi32, #tpu.memory_space<vmem>>) semaphore(%arg11 : memref<!tpu.dma_semaphore, #tpu.memory_space<semaphore_mem>>)
      %dma_wait3A = arith.constant 0 : i32
      %dma_wait3A_21 = tpu.memref_slice %arg7[%scan3A_15, %dma_wait3A] : memref<157x128xi32, #tpu.memory_space<vmem>> -> memref<1x128xi32, #tpu.memory_space<vmem>>
      %dma_wait3A_22 = tpu.memref_squeeze %dma_wait3A_21 : memref<1x128xi32, #tpu.memory_space<vmem>> -> memref<128xi32, #tpu.memory_space<vmem>>
      %dma_wait3A_23 = arith.constant 0 : i32
      %dma_wait3A_24 = arith.constant 0 : i32
      %dma_wait3A_25 = tpu.memref_slice %arg2[%dma_wait3A_23, %dma_wait3A_24] : memref<160000x64xf32, #tpu.memory_space<hbm>> -> memref<160000x64xf32, #tpu.memory_space<hbm>>
      tpu.wait_indirect_dma semaphore(%arg11 : memref<!tpu.dma_semaphore, #tpu.memory_space<semaphore_mem>>) src(%dma_wait3A_25 : memref<160000x64xf32, #tpu.memory_space<hbm>>) dst(%arg9 : memref<128x64xf32, #tpu.memory_space<vmem>>)
      "tpu.region"() ({
        %run_scoped3A = tpu.sem_alloc : memref<!tpu.dma_semaphore, #tpu.memory_space<semaphore_mem>>
        %dma_start3A_26 = arith.constant 0 : i32
        %dma_start3A_27 = tpu.memref_slice %arg8[%scan3A_15, %dma_start3A_26] : memref<157x128xi32, #tpu.memory_space<vmem>> -> memref<1x128xi32, #tpu.memory_space<vmem>>
        %dma_start3A_28 = tpu.memref_squeeze %dma_start3A_27 : memref<1x128xi32, #tpu.memory_space<vmem>> -> memref<128xi32, #tpu.memory_space<vmem>>
        %dma_start3A_29 = arith.constant 0 : i32
        %dma_start3A_30 = arith.constant 0 : i32
        %dma_start3A_31 = tpu.memref_slice %arg10[%dma_start3A_29, %dma_start3A_30] : memref<10112x64xf32, #tpu.memory_space<vmem_shared>> -> memref<10112x64xf32, #tpu.memory_space<vmem_shared>>
        tpu.enqueue_indirect_dma source(%arg9 : memref<128x64xf32, #tpu.memory_space<vmem>>) target(%dma_start3A_31 : memref<10112x64xf32, #tpu.memory_space<vmem_shared>>) offsets(%dma_start3A_28 : memref<128xi32, #tpu.memory_space<vmem>>) semaphore(%run_scoped3A : memref<!tpu.dma_semaphore, #tpu.memory_space<semaphore_mem>>) {add = true}
        %dma_wait3A_32 = arith.constant 0 : i32
        %dma_wait3A_33 = tpu.memref_slice %arg8[%scan3A_15, %dma_wait3A_32] : memref<157x128xi32, #tpu.memory_space<vmem>> -> memref<1x128xi32, #tpu.memory_space<vmem>>
        %dma_wait3A_34 = tpu.memref_squeeze %dma_wait3A_33 : memref<1x128xi32, #tpu.memory_space<vmem>> -> memref<128xi32, #tpu.memory_space<vmem>>
        %dma_wait3A_35 = arith.constant 0 : i32
        %dma_wait3A_36 = arith.constant 0 : i32
        %dma_wait3A_37 = tpu.memref_slice %arg10[%dma_wait3A_35, %dma_wait3A_36] : memref<10112x64xf32, #tpu.memory_space<vmem_shared>> -> memref<10112x64xf32, #tpu.memory_space<vmem_shared>>
        tpu.wait_indirect_dma semaphore(%run_scoped3A : memref<!tpu.dma_semaphore, #tpu.memory_space<semaphore_mem>>) src(%arg9 : memref<128x64xf32, #tpu.memory_space<vmem>>) dst(%dma_wait3A_37 : memref<10112x64xf32, #tpu.memory_space<vmem_shared>>)
        tpu.yield
      }) : () -> ()
    }
    %scan3A_9 = arith.constant 157 : i32
    %barrier3A_10 = arith.constant 0 : index
    tpu.barrier barrier_id(%barrier3A_10)
    %mul3A_11 = arith.constant 632 : i32
    %mul3A_12 = arith.muli %arg1, %mul3A_11 : i32
    %mul3A_13 = arith.constant 632 : i32
    %mul3A_14 = arith.muli %arg1, %mul3A_13 : i32
    "tpu.region"() ({
      %run_scoped3A = tpu.sem_alloc : memref<!tpu.dma_semaphore, #tpu.memory_space<semaphore_mem>>
      %dma_start3A = arith.constant 0 : i32
      %dma_start3A_15 = tpu.memref_slice %arg6[%arg0, %mul3A_14, %dma_start3A] : memref<2x10112x64xf32, #tpu.memory_space<hbm>> -> memref<1x632x64xf32, #tpu.memory_space<hbm>>
      %dma_start3A_16 = tpu.memref_squeeze %dma_start3A_15 : memref<1x632x64xf32, #tpu.memory_space<hbm>> -> memref<632x64xf32, #tpu.memory_space<hbm>>
      %dma_start3A_17 = arith.constant 0 : i32
      %dma_start3A_18 = tpu.memref_slice %arg10[%mul3A_12, %dma_start3A_17] : memref<10112x64xf32, #tpu.memory_space<vmem_shared>> -> memref<632x64xf32, #tpu.memory_space<vmem_shared>>
      tpu.enqueue_dma source(%dma_start3A_18 : memref<632x64xf32, #tpu.memory_space<vmem_shared>>) target(%dma_start3A_16 : memref<632x64xf32, #tpu.memory_space<hbm>>) target_semaphore(%run_scoped3A : memref<!tpu.dma_semaphore, #tpu.memory_space<semaphore_mem>>)
      %dma_wait3A = arith.constant 0 : i32
      %dma_wait3A_19 = tpu.memref_slice %arg6[%arg0, %mul3A_14, %dma_wait3A] : memref<2x10112x64xf32, #tpu.memory_space<hbm>> -> memref<1x632x64xf32, #tpu.memory_space<hbm>>
      %dma_wait3A_20 = tpu.memref_squeeze %dma_wait3A_19 : memref<1x632x64xf32, #tpu.memory_space<hbm>> -> memref<632x64xf32, #tpu.memory_space<hbm>>
      %dma_wait3A_21 = arith.constant 0 : i32
      %dma_wait3A_22 = tpu.memref_slice %arg10[%mul3A_12, %dma_wait3A_21] : memref<10112x64xf32, #tpu.memory_space<vmem_shared>> -> memref<632x64xf32, #tpu.memory_space<vmem_shared>>
      tpu.wait_dma2 semaphore(%run_scoped3A : memref<!tpu.dma_semaphore, #tpu.memory_space<semaphore_mem>>) src(%dma_wait3A_22 : memref<632x64xf32, #tpu.memory_space<vmem_shared>>) dst(%dma_wait3A_20 : memref<632x64xf32, #tpu.memory_space<hbm>>)
      tpu.yield
    }) : () -> ()
    return
  }
}

#map = affine_map<(d0, d1) -> (0, 0)>
#map1 = affine_map<(d0, d1) -> (0, 0, 0)>
module attributes {stable_mosaic.version = 14 : i64} {
  func.func @body_deg(%arg0: i32, %arg1: i32, %arg2: memref<160000x64xf32, #tpu.memory_space<hbm>>, %arg3: memref<32x157x128xi32, #tpu.memory_space<hbm>>, %arg4: memref<32x157x128xi32, #tpu.memory_space<hbm>>, %arg5: memref<10112x64xf32, #tpu.memory_space<hbm>>, %arg6: memref<10112x16xf32, #tpu.memory_space<hbm>>, %arg7: memref<128x16xf32, #tpu.memory_space<hbm>>, %arg8: memref<2x10112x64xf32, #tpu.memory_space<hbm>>, %arg9: memref<2x10112x16xf32, #tpu.memory_space<hbm>>, %arg10: memref<157x128xi32, #tpu.memory_space<vmem>>, %arg11: memref<157x128xi32, #tpu.memory_space<vmem>>, %arg12: memref<128x64xf32, #tpu.memory_space<vmem>>, %arg13: memref<10112x64xf32, #tpu.memory_space<vmem_shared>>, %arg14: memref<!tpu.dma_semaphore, #tpu.memory_space<semaphore_mem>>, %arg15: memref<128x16xf32, #tpu.memory_space<vmem>>, %arg16: memref<10112x16xf32, #tpu.memory_space<vmem_shared>>) attributes {dimension_semantics = [#tpu.dimension_semantics<core_parallel>, #tpu.dimension_semantics<subcore_parallel>], iteration_bounds = array<i64: 2, 16>, scalar_prefetch = 0 : i64, scratch_operands = 7 : i64, tpu.core_type = #tpu.core_type<sc_vector_subcore>, window_params = [{transform_indices = #map}, {transform_indices = #map1}, {transform_indices = #map1}, {transform_indices = #map}, {transform_indices = #map}, {transform_indices = #map}, {transform_indices = #map1}, {transform_indices = #map1}]} {
    %mul3A = arith.constant 2 : i32
    %mul3A_0 = arith.muli %arg1, %mul3A : i32
    %add3A = arith.addi %mul3A_0, %arg0 : i32
    %mul3A_1 = arith.constant 632 : i32
    %mul3A_2 = arith.muli %arg1, %mul3A_1 : i32
    %mul3A_3 = arith.constant 632 : i32
    %mul3A_4 = arith.muli %arg1, %mul3A_3 : i32
    "tpu.region"() ({
      %run_scoped3A = tpu.sem_alloc : memref<!tpu.dma_semaphore, #tpu.memory_space<semaphore_mem>>
      %dma_start3A = arith.constant 0 : i32
      %dma_start3A_23 = tpu.memref_slice %arg13[%mul3A_4, %dma_start3A] : memref<10112x64xf32, #tpu.memory_space<vmem_shared>> -> memref<632x64xf32, #tpu.memory_space<vmem_shared>>
      %dma_start3A_24 = arith.constant 0 : i32
      %dma_start3A_25 = tpu.memref_slice %arg5[%mul3A_2, %dma_start3A_24] : memref<10112x64xf32, #tpu.memory_space<hbm>> -> memref<632x64xf32, #tpu.memory_space<hbm>>
      tpu.enqueue_dma source(%dma_start3A_25 : memref<632x64xf32, #tpu.memory_space<hbm>>) target(%dma_start3A_23 : memref<632x64xf32, #tpu.memory_space<vmem_shared>>) target_semaphore(%run_scoped3A : memref<!tpu.dma_semaphore, #tpu.memory_space<semaphore_mem>>)
      %dma_wait3A = arith.constant 0 : i32
      %dma_wait3A_26 = tpu.memref_slice %arg13[%mul3A_4, %dma_wait3A] : memref<10112x64xf32, #tpu.memory_space<vmem_shared>> -> memref<632x64xf32, #tpu.memory_space<vmem_shared>>
      %dma_wait3A_27 = arith.constant 0 : i32
      %dma_wait3A_28 = tpu.memref_slice %arg5[%mul3A_2, %dma_wait3A_27] : memref<10112x64xf32, #tpu.memory_space<hbm>> -> memref<632x64xf32, #tpu.memory_space<hbm>>
      tpu.wait_dma2 semaphore(%run_scoped3A : memref<!tpu.dma_semaphore, #tpu.memory_space<semaphore_mem>>) src(%dma_wait3A_28 : memref<632x64xf32, #tpu.memory_space<hbm>>) dst(%dma_wait3A_26 : memref<632x64xf32, #tpu.memory_space<vmem_shared>>)
      tpu.yield
    }) : () -> ()
    %mul3A_5 = arith.constant 632 : i32
    %mul3A_6 = arith.muli %arg1, %mul3A_5 : i32
    %mul3A_7 = arith.constant 632 : i32
    %mul3A_8 = arith.muli %arg1, %mul3A_7 : i32
    "tpu.region"() ({
      %run_scoped3A = tpu.sem_alloc : memref<!tpu.dma_semaphore, #tpu.memory_space<semaphore_mem>>
      %dma_start3A = arith.constant 0 : i32
      %dma_start3A_23 = tpu.memref_slice %arg16[%mul3A_8, %dma_start3A] : memref<10112x16xf32, #tpu.memory_space<vmem_shared>> -> memref<632x16xf32, #tpu.memory_space<vmem_shared>>
      %dma_start3A_24 = arith.constant 0 : i32
      %dma_start3A_25 = tpu.memref_slice %arg6[%mul3A_6, %dma_start3A_24] : memref<10112x16xf32, #tpu.memory_space<hbm>> -> memref<632x16xf32, #tpu.memory_space<hbm>>
      tpu.enqueue_dma source(%dma_start3A_25 : memref<632x16xf32, #tpu.memory_space<hbm>>) target(%dma_start3A_23 : memref<632x16xf32, #tpu.memory_space<vmem_shared>>) target_semaphore(%run_scoped3A : memref<!tpu.dma_semaphore, #tpu.memory_space<semaphore_mem>>)
      %dma_wait3A = arith.constant 0 : i32
      %dma_wait3A_26 = tpu.memref_slice %arg16[%mul3A_8, %dma_wait3A] : memref<10112x16xf32, #tpu.memory_space<vmem_shared>> -> memref<632x16xf32, #tpu.memory_space<vmem_shared>>
      %dma_wait3A_27 = arith.constant 0 : i32
      %dma_wait3A_28 = tpu.memref_slice %arg6[%mul3A_6, %dma_wait3A_27] : memref<10112x16xf32, #tpu.memory_space<hbm>> -> memref<632x16xf32, #tpu.memory_space<hbm>>
      tpu.wait_dma2 semaphore(%run_scoped3A : memref<!tpu.dma_semaphore, #tpu.memory_space<semaphore_mem>>) src(%dma_wait3A_28 : memref<632x16xf32, #tpu.memory_space<hbm>>) dst(%dma_wait3A_26 : memref<632x16xf32, #tpu.memory_space<vmem_shared>>)
      tpu.yield
    }) : () -> ()
    "tpu.region"() ({
      %run_scoped3A = tpu.sem_alloc : memref<!tpu.dma_semaphore, #tpu.memory_space<semaphore_mem>>
      tpu.enqueue_dma source(%arg7 : memref<128x16xf32, #tpu.memory_space<hbm>>) target(%arg15 : memref<128x16xf32, #tpu.memory_space<vmem>>) target_semaphore(%run_scoped3A : memref<!tpu.dma_semaphore, #tpu.memory_space<semaphore_mem>>)
      tpu.wait_dma2 semaphore(%run_scoped3A : memref<!tpu.dma_semaphore, #tpu.memory_space<semaphore_mem>>) src(%arg7 : memref<128x16xf32, #tpu.memory_space<hbm>>) dst(%arg15 : memref<128x16xf32, #tpu.memory_space<vmem>>)
      tpu.yield
    }) : () -> ()
    "tpu.region"() ({
      %run_scoped3A = tpu.sem_alloc : memref<!tpu.dma_semaphore, #tpu.memory_space<semaphore_mem>>
      %dma_start3A = arith.constant 0 : i32
      %dma_start3A_23 = arith.constant 0 : i32
      %dma_start3A_24 = tpu.memref_slice %arg3[%add3A, %dma_start3A, %dma_start3A_23] : memref<32x157x128xi32, #tpu.memory_space<hbm>> -> memref<1x157x128xi32, #tpu.memory_space<hbm>>
      %dma_start3A_25 = tpu.memref_squeeze %dma_start3A_24 : memref<1x157x128xi32, #tpu.memory_space<hbm>> -> memref<157x128xi32, #tpu.memory_space<hbm>>
      %dma_start3A_26 = arith.constant 0 : i32
      %dma_start3A_27 = arith.constant 0 : i32
      %dma_start3A_28 = tpu.memref_slice %arg3[%add3A, %dma_start3A_26, %dma_start3A_27] : memref<32x157x128xi32, #tpu.memory_space<hbm>> -> memref<1x157x128xi32, #tpu.memory_space<hbm>>
      %dma_start3A_29 = tpu.memref_squeeze %dma_start3A_28 : memref<1x157x128xi32, #tpu.memory_space<hbm>> -> memref<157x128xi32, #tpu.memory_space<hbm>>
      tpu.enqueue_dma source(%dma_start3A_29 : memref<157x128xi32, #tpu.memory_space<hbm>>) target(%arg10 : memref<157x128xi32, #tpu.memory_space<vmem>>) target_semaphore(%run_scoped3A : memref<!tpu.dma_semaphore, #tpu.memory_space<semaphore_mem>>)
      %dma_wait3A = arith.constant 0 : i32
      %dma_wait3A_30 = arith.constant 0 : i32
      %dma_wait3A_31 = tpu.memref_slice %arg3[%add3A, %dma_wait3A, %dma_wait3A_30] : memref<32x157x128xi32, #tpu.memory_space<hbm>> -> memref<1x157x128xi32, #tpu.memory_space<hbm>>
      %dma_wait3A_32 = tpu.memref_squeeze %dma_wait3A_31 : memref<1x157x128xi32, #tpu.memory_space<hbm>> -> memref<157x128xi32, #tpu.memory_space<hbm>>
      %dma_wait3A_33 = arith.constant 0 : i32
      %dma_wait3A_34 = arith.constant 0 : i32
      %dma_wait3A_35 = tpu.memref_slice %arg3[%add3A, %dma_wait3A_33, %dma_wait3A_34] : memref<32x157x128xi32, #tpu.memory_space<hbm>> -> memref<1x157x128xi32, #tpu.memory_space<hbm>>
      %dma_wait3A_36 = tpu.memref_squeeze %dma_wait3A_35 : memref<1x157x128xi32, #tpu.memory_space<hbm>> -> memref<157x128xi32, #tpu.memory_space<hbm>>
      tpu.wait_dma2 semaphore(%run_scoped3A : memref<!tpu.dma_semaphore, #tpu.memory_space<semaphore_mem>>) src(%dma_wait3A_36 : memref<157x128xi32, #tpu.memory_space<hbm>>) dst(%arg10 : memref<157x128xi32, #tpu.memory_space<vmem>>)
      tpu.yield
    }) : () -> ()
    "tpu.region"() ({
      %run_scoped3A = tpu.sem_alloc : memref<!tpu.dma_semaphore, #tpu.memory_space<semaphore_mem>>
      %dma_start3A = arith.constant 0 : i32
      %dma_start3A_23 = arith.constant 0 : i32
      %dma_start3A_24 = tpu.memref_slice %arg4[%add3A, %dma_start3A, %dma_start3A_23] : memref<32x157x128xi32, #tpu.memory_space<hbm>> -> memref<1x157x128xi32, #tpu.memory_space<hbm>>
      %dma_start3A_25 = tpu.memref_squeeze %dma_start3A_24 : memref<1x157x128xi32, #tpu.memory_space<hbm>> -> memref<157x128xi32, #tpu.memory_space<hbm>>
      %dma_start3A_26 = arith.constant 0 : i32
      %dma_start3A_27 = arith.constant 0 : i32
      %dma_start3A_28 = tpu.memref_slice %arg4[%add3A, %dma_start3A_26, %dma_start3A_27] : memref<32x157x128xi32, #tpu.memory_space<hbm>> -> memref<1x157x128xi32, #tpu.memory_space<hbm>>
      %dma_start3A_29 = tpu.memref_squeeze %dma_start3A_28 : memref<1x157x128xi32, #tpu.memory_space<hbm>> -> memref<157x128xi32, #tpu.memory_space<hbm>>
      tpu.enqueue_dma source(%dma_start3A_29 : memref<157x128xi32, #tpu.memory_space<hbm>>) target(%arg11 : memref<157x128xi32, #tpu.memory_space<vmem>>) target_semaphore(%run_scoped3A : memref<!tpu.dma_semaphore, #tpu.memory_space<semaphore_mem>>)
      %dma_wait3A = arith.constant 0 : i32
      %dma_wait3A_30 = arith.constant 0 : i32
      %dma_wait3A_31 = tpu.memref_slice %arg4[%add3A, %dma_wait3A, %dma_wait3A_30] : memref<32x157x128xi32, #tpu.memory_space<hbm>> -> memref<1x157x128xi32, #tpu.memory_space<hbm>>
      %dma_wait3A_32 = tpu.memref_squeeze %dma_wait3A_31 : memref<1x157x128xi32, #tpu.memory_space<hbm>> -> memref<157x128xi32, #tpu.memory_space<hbm>>
      %dma_wait3A_33 = arith.constant 0 : i32
      %dma_wait3A_34 = arith.constant 0 : i32
      %dma_wait3A_35 = tpu.memref_slice %arg4[%add3A, %dma_wait3A_33, %dma_wait3A_34] : memref<32x157x128xi32, #tpu.memory_space<hbm>> -> memref<1x157x128xi32, #tpu.memory_space<hbm>>
      %dma_wait3A_36 = tpu.memref_squeeze %dma_wait3A_35 : memref<1x157x128xi32, #tpu.memory_space<hbm>> -> memref<157x128xi32, #tpu.memory_space<hbm>>
      tpu.wait_dma2 semaphore(%run_scoped3A : memref<!tpu.dma_semaphore, #tpu.memory_space<semaphore_mem>>) src(%dma_wait3A_36 : memref<157x128xi32, #tpu.memory_space<hbm>>) dst(%arg11 : memref<157x128xi32, #tpu.memory_space<vmem>>)
      tpu.yield
    }) : () -> ()
    %barrier3A = arith.constant 0 : index
    tpu.barrier barrier_id(%barrier3A)
    %scan3A = arith.constant 0 : i32
    %scan3A_9 = arith.constant 0 : i32
    %scan3A_10 = arith.constant 157 : i32
    %scan3A_11 = arith.addi %scan3A_9, %scan3A_10 : i32
    %scan3A_12 = arith.constant 1 : i32
    scf.for %scan3A_23 = %scan3A_9 to %scan3A_11 step %scan3A_12  : i32 {
      %dma_start3A = arith.constant 0 : i32
      %dma_start3A_24 = tpu.memref_slice %arg10[%scan3A_23, %dma_start3A] : memref<157x128xi32, #tpu.memory_space<vmem>> -> memref<1x128xi32, #tpu.memory_space<vmem>>
      %dma_start3A_25 = tpu.memref_squeeze %dma_start3A_24 : memref<1x128xi32, #tpu.memory_space<vmem>> -> memref<128xi32, #tpu.memory_space<vmem>>
      %dma_start3A_26 = arith.constant 0 : i32
      %dma_start3A_27 = arith.constant 0 : i32
      %dma_start3A_28 = tpu.memref_slice %arg2[%dma_start3A_26, %dma_start3A_27] : memref<160000x64xf32, #tpu.memory_space<hbm>> -> memref<160000x64xf32, #tpu.memory_space<hbm>>
      tpu.enqueue_indirect_dma source(%dma_start3A_28 : memref<160000x64xf32, #tpu.memory_space<hbm>>) target(%arg12 : memref<128x64xf32, #tpu.memory_space<vmem>>) offsets(%dma_start3A_25 : memref<128xi32, #tpu.memory_space<vmem>>) semaphore(%arg14 : memref<!tpu.dma_semaphore, #tpu.memory_space<semaphore_mem>>)
      %dma_wait3A = arith.constant 0 : i32
      %dma_wait3A_29 = tpu.memref_slice %arg10[%scan3A_23, %dma_wait3A] : memref<157x128xi32, #tpu.memory_space<vmem>> -> memref<1x128xi32, #tpu.memory_space<vmem>>
      %dma_wait3A_30 = tpu.memref_squeeze %dma_wait3A_29 : memref<1x128xi32, #tpu.memory_space<vmem>> -> memref<128xi32, #tpu.memory_space<vmem>>
      %dma_wait3A_31 = arith.constant 0 : i32
      %dma_wait3A_32 = arith.constant 0 : i32
      %dma_wait3A_33 = tpu.memref_slice %arg2[%dma_wait3A_31, %dma_wait3A_32] : memref<160000x64xf32, #tpu.memory_space<hbm>> -> memref<160000x64xf32, #tpu.memory_space<hbm>>
      tpu.wait_indirect_dma semaphore(%arg14 : memref<!tpu.dma_semaphore, #tpu.memory_space<semaphore_mem>>) src(%dma_wait3A_33 : memref<160000x64xf32, #tpu.memory_space<hbm>>) dst(%arg12 : memref<128x64xf32, #tpu.memory_space<vmem>>)
      "tpu.region"() ({
        %run_scoped3A = tpu.sem_alloc : memref<!tpu.dma_semaphore, #tpu.memory_space<semaphore_mem>>
        %dma_start3A_34 = arith.constant 0 : i32
        %dma_start3A_35 = tpu.memref_slice %arg11[%scan3A_23, %dma_start3A_34] : memref<157x128xi32, #tpu.memory_space<vmem>> -> memref<1x128xi32, #tpu.memory_space<vmem>>
        %dma_start3A_36 = tpu.memref_squeeze %dma_start3A_35 : memref<1x128xi32, #tpu.memory_space<vmem>> -> memref<128xi32, #tpu.memory_space<vmem>>
        %dma_start3A_37 = arith.constant 0 : i32
        %dma_start3A_38 = arith.constant 0 : i32
        %dma_start3A_39 = tpu.memref_slice %arg13[%dma_start3A_37, %dma_start3A_38] : memref<10112x64xf32, #tpu.memory_space<vmem_shared>> -> memref<10112x64xf32, #tpu.memory_space<vmem_shared>>
        tpu.enqueue_indirect_dma source(%arg12 : memref<128x64xf32, #tpu.memory_space<vmem>>) target(%dma_start3A_39 : memref<10112x64xf32, #tpu.memory_space<vmem_shared>>) offsets(%dma_start3A_36 : memref<128xi32, #tpu.memory_space<vmem>>) semaphore(%run_scoped3A : memref<!tpu.dma_semaphore, #tpu.memory_space<semaphore_mem>>) {add = true}
        %dma_wait3A_40 = arith.constant 0 : i32
        %dma_wait3A_41 = tpu.memref_slice %arg11[%scan3A_23, %dma_wait3A_40] : memref<157x128xi32, #tpu.memory_space<vmem>> -> memref<1x128xi32, #tpu.memory_space<vmem>>
        %dma_wait3A_42 = tpu.memref_squeeze %dma_wait3A_41 : memref<1x128xi32, #tpu.memory_space<vmem>> -> memref<128xi32, #tpu.memory_space<vmem>>
        %dma_wait3A_43 = arith.constant 0 : i32
        %dma_wait3A_44 = arith.constant 0 : i32
        %dma_wait3A_45 = tpu.memref_slice %arg13[%dma_wait3A_43, %dma_wait3A_44] : memref<10112x64xf32, #tpu.memory_space<vmem_shared>> -> memref<10112x64xf32, #tpu.memory_space<vmem_shared>>
        tpu.wait_indirect_dma semaphore(%run_scoped3A : memref<!tpu.dma_semaphore, #tpu.memory_space<semaphore_mem>>) src(%arg12 : memref<128x64xf32, #tpu.memory_space<vmem>>) dst(%dma_wait3A_45 : memref<10112x64xf32, #tpu.memory_space<vmem_shared>>)
        tpu.yield
      }) : () -> ()
      "tpu.region"() ({
        %run_scoped3A = tpu.sem_alloc : memref<!tpu.dma_semaphore, #tpu.memory_space<semaphore_mem>>
        %dma_start3A_34 = arith.constant 0 : i32
        %dma_start3A_35 = tpu.memref_slice %arg11[%scan3A_23, %dma_start3A_34] : memref<157x128xi32, #tpu.memory_space<vmem>> -> memref<1x128xi32, #tpu.memory_space<vmem>>
        %dma_start3A_36 = tpu.memref_squeeze %dma_start3A_35 : memref<1x128xi32, #tpu.memory_space<vmem>> -> memref<128xi32, #tpu.memory_space<vmem>>
        %dma_start3A_37 = arith.constant 0 : i32
        %dma_start3A_38 = arith.constant 0 : i32
        %dma_start3A_39 = tpu.memref_slice %arg16[%dma_start3A_37, %dma_start3A_38] : memref<10112x16xf32, #tpu.memory_space<vmem_shared>> -> memref<10112x16xf32, #tpu.memory_space<vmem_shared>>
        tpu.enqueue_indirect_dma source(%arg15 : memref<128x16xf32, #tpu.memory_space<vmem>>) target(%dma_start3A_39 : memref<10112x16xf32, #tpu.memory_space<vmem_shared>>) offsets(%dma_start3A_36 : memref<128xi32, #tpu.memory_space<vmem>>) semaphore(%run_scoped3A : memref<!tpu.dma_semaphore, #tpu.memory_space<semaphore_mem>>) {add = true}
        %dma_wait3A_40 = arith.constant 0 : i32
        %dma_wait3A_41 = tpu.memref_slice %arg11[%scan3A_23, %dma_wait3A_40] : memref<157x128xi32, #tpu.memory_space<vmem>> -> memref<1x128xi32, #tpu.memory_space<vmem>>
        %dma_wait3A_42 = tpu.memref_squeeze %dma_wait3A_41 : memref<1x128xi32, #tpu.memory_space<vmem>> -> memref<128xi32, #tpu.memory_space<vmem>>
        %dma_wait3A_43 = arith.constant 0 : i32
        %dma_wait3A_44 = arith.constant 0 : i32
        %dma_wait3A_45 = tpu.memref_slice %arg16[%dma_wait3A_43, %dma_wait3A_44] : memref<10112x16xf32, #tpu.memory_space<vmem_shared>> -> memref<10112x16xf32, #tpu.memory_space<vmem_shared>>
        tpu.wait_indirect_dma semaphore(%run_scoped3A : memref<!tpu.dma_semaphore, #tpu.memory_space<semaphore_mem>>) src(%arg15 : memref<128x16xf32, #tpu.memory_space<vmem>>) dst(%dma_wait3A_45 : memref<10112x16xf32, #tpu.memory_space<vmem_shared>>)
        tpu.yield
      }) : () -> ()
    }
    %scan3A_13 = arith.constant 157 : i32
    %barrier3A_14 = arith.constant 0 : index
    tpu.barrier barrier_id(%barrier3A_14)
    %mul3A_15 = arith.constant 632 : i32
    %mul3A_16 = arith.muli %arg1, %mul3A_15 : i32
    %mul3A_17 = arith.constant 632 : i32
    %mul3A_18 = arith.muli %arg1, %mul3A_17 : i32
    "tpu.region"() ({
      %run_scoped3A = tpu.sem_alloc : memref<!tpu.dma_semaphore, #tpu.memory_space<semaphore_mem>>
      %dma_start3A = arith.constant 0 : i32
      %dma_start3A_23 = tpu.memref_slice %arg8[%arg0, %mul3A_18, %dma_start3A] : memref<2x10112x64xf32, #tpu.memory_space<hbm>> -> memref<1x632x64xf32, #tpu.memory_space<hbm>>
      %dma_start3A_24 = tpu.memref_squeeze %dma_start3A_23 : memref<1x632x64xf32, #tpu.memory_space<hbm>> -> memref<632x64xf32, #tpu.memory_space<hbm>>
      %dma_start3A_25 = arith.constant 0 : i32
      %dma_start3A_26 = tpu.memref_slice %arg13[%mul3A_16, %dma_start3A_25] : memref<10112x64xf32, #tpu.memory_space<vmem_shared>> -> memref<632x64xf32, #tpu.memory_space<vmem_shared>>
      tpu.enqueue_dma source(%dma_start3A_26 : memref<632x64xf32, #tpu.memory_space<vmem_shared>>) target(%dma_start3A_24 : memref<632x64xf32, #tpu.memory_space<hbm>>) target_semaphore(%run_scoped3A : memref<!tpu.dma_semaphore, #tpu.memory_space<semaphore_mem>>)
      %dma_wait3A = arith.constant 0 : i32
      %dma_wait3A_27 = tpu.memref_slice %arg8[%arg0, %mul3A_18, %dma_wait3A] : memref<2x10112x64xf32, #tpu.memory_space<hbm>> -> memref<1x632x64xf32, #tpu.memory_space<hbm>>
      %dma_wait3A_28 = tpu.memref_squeeze %dma_wait3A_27 : memref<1x632x64xf32, #tpu.memory_space<hbm>> -> memref<632x64xf32, #tpu.memory_space<hbm>>
      %dma_wait3A_29 = arith.constant 0 : i32
      %dma_wait3A_30 = tpu.memref_slice %arg13[%mul3A_16, %dma_wait3A_29] : memref<10112x64xf32, #tpu.memory_space<vmem_shared>> -> memref<632x64xf32, #tpu.memory_space<vmem_shared>>
      tpu.wait_dma2 semaphore(%run_scoped3A : memref<!tpu.dma_semaphore, #tpu.memory_space<semaphore_mem>>) src(%dma_wait3A_30 : memref<632x64xf32, #tpu.memory_space<vmem_shared>>) dst(%dma_wait3A_28 : memref<632x64xf32, #tpu.memory_space<hbm>>)
      tpu.yield
    }) : () -> ()
    %mul3A_19 = arith.constant 632 : i32
    %mul3A_20 = arith.muli %arg1, %mul3A_19 : i32
    %mul3A_21 = arith.constant 632 : i32
    %mul3A_22 = arith.muli %arg1, %mul3A_21 : i32
    "tpu.region"() ({
      %run_scoped3A = tpu.sem_alloc : memref<!tpu.dma_semaphore, #tpu.memory_space<semaphore_mem>>
      %dma_start3A = arith.constant 0 : i32
      %dma_start3A_23 = tpu.memref_slice %arg9[%arg0, %mul3A_22, %dma_start3A] : memref<2x10112x16xf32, #tpu.memory_space<hbm>> -> memref<1x632x16xf32, #tpu.memory_space<hbm>>
      %dma_start3A_24 = tpu.memref_squeeze %dma_start3A_23 : memref<1x632x16xf32, #tpu.memory_space<hbm>> -> memref<632x16xf32, #tpu.memory_space<hbm>>
      %dma_start3A_25 = arith.constant 0 : i32
      %dma_start3A_26 = tpu.memref_slice %arg16[%mul3A_20, %dma_start3A_25] : memref<10112x16xf32, #tpu.memory_space<vmem_shared>> -> memref<632x16xf32, #tpu.memory_space<vmem_shared>>
      tpu.enqueue_dma source(%dma_start3A_26 : memref<632x16xf32, #tpu.memory_space<vmem_shared>>) target(%dma_start3A_24 : memref<632x16xf32, #tpu.memory_space<hbm>>) target_semaphore(%run_scoped3A : memref<!tpu.dma_semaphore, #tpu.memory_space<semaphore_mem>>)
      %dma_wait3A = arith.constant 0 : i32
      %dma_wait3A_27 = tpu.memref_slice %arg9[%arg0, %mul3A_22, %dma_wait3A] : memref<2x10112x16xf32, #tpu.memory_space<hbm>> -> memref<1x632x16xf32, #tpu.memory_space<hbm>>
      %dma_wait3A_28 = tpu.memref_squeeze %dma_wait3A_27 : memref<1x632x16xf32, #tpu.memory_space<hbm>> -> memref<632x16xf32, #tpu.memory_space<hbm>>
      %dma_wait3A_29 = arith.constant 0 : i32
      %dma_wait3A_30 = tpu.memref_slice %arg16[%mul3A_20, %dma_wait3A_29] : memref<10112x16xf32, #tpu.memory_space<vmem_shared>> -> memref<632x16xf32, #tpu.memory_space<vmem_shared>>
      tpu.wait_dma2 semaphore(%run_scoped3A : memref<!tpu.dma_semaphore, #tpu.memory_space<semaphore_mem>>) src(%dma_wait3A_30 : memref<632x16xf32, #tpu.memory_space<vmem_shared>>) dst(%dma_wait3A_28 : memref<632x16xf32, #tpu.memory_space<hbm>>)
      tpu.yield
    }) : () -> ()
    return
  }
}

#map = affine_map<(d0, d1) -> (0, 0)>
#map1 = affine_map<(d0, d1) -> (0)>
#map2 = affine_map<(d0, d1) -> (0, 0, 0)>
module attributes {stable_mosaic.version = 14 : i64} {
  func.func @body(%arg0: i32, %arg1: i32, %arg2: memref<10000x128xf32, #tpu.memory_space<hbm>>, %arg3: memref<10000x128xf32, #tpu.memory_space<hbm>>, %arg4: memref<4096xi32, #tpu.memory_space<hbm>>, %arg5: memref<4096xi32, #tpu.memory_space<hbm>>, %arg6: memref<32x10x128xi32, #tpu.memory_space<hbm>>, %arg7: memref<32x10x128xi32, #tpu.memory_space<hbm>>, %arg8: memref<4096x128xf32, #tpu.memory_space<hbm>>, %arg9: memref<4096x128xf32, #tpu.memory_space<hbm>>, %arg10: memref<4096x128xf32, #tpu.memory_space<hbm>>, %arg11: memref<4096x128xf32, #tpu.memory_space<hbm>>, %arg12: memref<4096x128xf32, #tpu.memory_space<hbm>>, %arg13: memref<2x4096x128xf32, #tpu.memory_space<hbm>>, %arg14: memref<128xi32, #tpu.memory_space<vmem>>, %arg15: memref<128xi32, #tpu.memory_space<vmem>>, %arg16: memref<10x128xi32, #tpu.memory_space<vmem>>, %arg17: memref<10x128xi32, #tpu.memory_space<vmem>>, %arg18: memref<128x128xf32, #tpu.memory_space<vmem>>, %arg19: memref<4096x128xf32, #tpu.memory_space<vmem_shared>>, %arg20: memref<!tpu.dma_semaphore, #tpu.memory_space<semaphore_mem>>) attributes {dimension_semantics = [#tpu.dimension_semantics<core_parallel>, #tpu.dimension_semantics<subcore_parallel>], iteration_bounds = array<i64: 2, 16>, scalar_prefetch = 0 : i64, scratch_operands = 7 : i64, tpu.core_type = #tpu.core_type<sc_vector_subcore>, window_params = [{transform_indices = #map}, {transform_indices = #map}, {transform_indices = #map1}, {transform_indices = #map1}, {transform_indices = #map2}, {transform_indices = #map2}, {transform_indices = #map}, {transform_indices = #map}, {transform_indices = #map}, {transform_indices = #map}, {transform_indices = #map}, {transform_indices = #map2}]} {
    %mul3A = arith.constant 2 : i32
    %mul3A_0 = arith.muli %arg1, %mul3A : i32
    %add3A = arith.addi %mul3A_0, %arg0 : i32
    %mul3A_1 = arith.constant 256 : i32
    %mul3A_2 = arith.muli %arg1, %mul3A_1 : i32
    %mul3A_3 = arith.constant 256 : i32
    %mul3A_4 = arith.muli %arg1, %mul3A_3 : i32
    "tpu.region"() ({
      %run_scoped3A = tpu.sem_alloc : memref<!tpu.dma_semaphore, #tpu.memory_space<semaphore_mem>>
      %dma_start3A_43 = arith.constant 0 : i32
      %dma_start3A_44 = tpu.memref_slice %arg19[%mul3A_4, %dma_start3A_43] : memref<4096x128xf32, #tpu.memory_space<vmem_shared>> -> memref<256x128xf32, #tpu.memory_space<vmem_shared>>
      %dma_start3A_45 = arith.constant 0 : i32
      %dma_start3A_46 = tpu.memref_slice %arg8[%mul3A_2, %dma_start3A_45] : memref<4096x128xf32, #tpu.memory_space<hbm>> -> memref<256x128xf32, #tpu.memory_space<hbm>>
      tpu.enqueue_dma source(%dma_start3A_46 : memref<256x128xf32, #tpu.memory_space<hbm>>) target(%dma_start3A_44 : memref<256x128xf32, #tpu.memory_space<vmem_shared>>) target_semaphore(%run_scoped3A : memref<!tpu.dma_semaphore, #tpu.memory_space<semaphore_mem>>)
      %dma_wait3A_47 = arith.constant 0 : i32
      %dma_wait3A_48 = tpu.memref_slice %arg19[%mul3A_4, %dma_wait3A_47] : memref<4096x128xf32, #tpu.memory_space<vmem_shared>> -> memref<256x128xf32, #tpu.memory_space<vmem_shared>>
      %dma_wait3A_49 = arith.constant 0 : i32
      %dma_wait3A_50 = tpu.memref_slice %arg8[%mul3A_2, %dma_wait3A_49] : memref<4096x128xf32, #tpu.memory_space<hbm>> -> memref<256x128xf32, #tpu.memory_space<hbm>>
      tpu.wait_dma2 semaphore(%run_scoped3A : memref<!tpu.dma_semaphore, #tpu.memory_space<semaphore_mem>>) src(%dma_wait3A_50 : memref<256x128xf32, #tpu.memory_space<hbm>>) dst(%dma_wait3A_48 : memref<256x128xf32, #tpu.memory_space<vmem_shared>>)
      tpu.yield
    }) : () -> ()
    %mul3A_5 = arith.constant 128 : i32
    %mul3A_6 = arith.muli %add3A, %mul3A_5 : i32
    "tpu.region"() ({
      %run_scoped3A = tpu.sem_alloc : memref<!tpu.dma_semaphore, #tpu.memory_space<semaphore_mem>>
      %dma_start3A_43 = tpu.memref_slice %arg4[%mul3A_6] : memref<4096xi32, #tpu.memory_space<hbm>> -> memref<128xi32, #tpu.memory_space<hbm>>
      %dma_start3A_44 = tpu.memref_slice %arg4[%mul3A_6] : memref<4096xi32, #tpu.memory_space<hbm>> -> memref<128xi32, #tpu.memory_space<hbm>>
      tpu.enqueue_dma source(%dma_start3A_44 : memref<128xi32, #tpu.memory_space<hbm>>) target(%arg14 : memref<128xi32, #tpu.memory_space<vmem>>) target_semaphore(%run_scoped3A : memref<!tpu.dma_semaphore, #tpu.memory_space<semaphore_mem>>)
      %dma_wait3A_45 = tpu.memref_slice %arg4[%mul3A_6] : memref<4096xi32, #tpu.memory_space<hbm>> -> memref<128xi32, #tpu.memory_space<hbm>>
      %dma_wait3A_46 = tpu.memref_slice %arg4[%mul3A_6] : memref<4096xi32, #tpu.memory_space<hbm>> -> memref<128xi32, #tpu.memory_space<hbm>>
      tpu.wait_dma2 semaphore(%run_scoped3A : memref<!tpu.dma_semaphore, #tpu.memory_space<semaphore_mem>>) src(%dma_wait3A_46 : memref<128xi32, #tpu.memory_space<hbm>>) dst(%arg14 : memref<128xi32, #tpu.memory_space<vmem>>)
      tpu.yield
    }) : () -> ()
    %mul3A_7 = arith.constant 128 : i32
    %mul3A_8 = arith.muli %add3A, %mul3A_7 : i32
    "tpu.region"() ({
      %run_scoped3A = tpu.sem_alloc : memref<!tpu.dma_semaphore, #tpu.memory_space<semaphore_mem>>
      %dma_start3A_43 = tpu.memref_slice %arg5[%mul3A_8] : memref<4096xi32, #tpu.memory_space<hbm>> -> memref<128xi32, #tpu.memory_space<hbm>>
      %dma_start3A_44 = tpu.memref_slice %arg5[%mul3A_8] : memref<4096xi32, #tpu.memory_space<hbm>> -> memref<128xi32, #tpu.memory_space<hbm>>
      tpu.enqueue_dma source(%dma_start3A_44 : memref<128xi32, #tpu.memory_space<hbm>>) target(%arg15 : memref<128xi32, #tpu.memory_space<vmem>>) target_semaphore(%run_scoped3A : memref<!tpu.dma_semaphore, #tpu.memory_space<semaphore_mem>>)
      %dma_wait3A_45 = tpu.memref_slice %arg5[%mul3A_8] : memref<4096xi32, #tpu.memory_space<hbm>> -> memref<128xi32, #tpu.memory_space<hbm>>
      %dma_wait3A_46 = tpu.memref_slice %arg5[%mul3A_8] : memref<4096xi32, #tpu.memory_space<hbm>> -> memref<128xi32, #tpu.memory_space<hbm>>
      tpu.wait_dma2 semaphore(%run_scoped3A : memref<!tpu.dma_semaphore, #tpu.memory_space<semaphore_mem>>) src(%dma_wait3A_46 : memref<128xi32, #tpu.memory_space<hbm>>) dst(%arg15 : memref<128xi32, #tpu.memory_space<vmem>>)
      tpu.yield
    }) : () -> ()
    "tpu.region"() ({
      %run_scoped3A = tpu.sem_alloc : memref<!tpu.dma_semaphore, #tpu.memory_space<semaphore_mem>>
      %dma_start3A_43 = arith.constant 0 : i32
      %dma_start3A_44 = arith.constant 0 : i32
      %dma_start3A_45 = tpu.memref_slice %arg6[%add3A, %dma_start3A_43, %dma_start3A_44] : memref<32x10x128xi32, #tpu.memory_space<hbm>> -> memref<1x10x128xi32, #tpu.memory_space<hbm>>
      %dma_start3A_46 = tpu.memref_squeeze %dma_start3A_45 : memref<1x10x128xi32, #tpu.memory_space<hbm>> -> memref<10x128xi32, #tpu.memory_space<hbm>>
      %dma_start3A_47 = arith.constant 0 : i32
      %dma_start3A_48 = arith.constant 0 : i32
      %dma_start3A_49 = tpu.memref_slice %arg6[%add3A, %dma_start3A_47, %dma_start3A_48] : memref<32x10x128xi32, #tpu.memory_space<hbm>> -> memref<1x10x128xi32, #tpu.memory_space<hbm>>
      %dma_start3A_50 = tpu.memref_squeeze %dma_start3A_49 : memref<1x10x128xi32, #tpu.memory_space<hbm>> -> memref<10x128xi32, #tpu.memory_space<hbm>>
      tpu.enqueue_dma source(%dma_start3A_50 : memref<10x128xi32, #tpu.memory_space<hbm>>) target(%arg16 : memref<10x128xi32, #tpu.memory_space<vmem>>) target_semaphore(%run_scoped3A : memref<!tpu.dma_semaphore, #tpu.memory_space<semaphore_mem>>)
      %dma_wait3A_51 = arith.constant 0 : i32
      %dma_wait3A_52 = arith.constant 0 : i32
      %dma_wait3A_53 = tpu.memref_slice %arg6[%add3A, %dma_wait3A_51, %dma_wait3A_52] : memref<32x10x128xi32, #tpu.memory_space<hbm>> -> memref<1x10x128xi32, #tpu.memory_space<hbm>>
      %dma_wait3A_54 = tpu.memref_squeeze %dma_wait3A_53 : memref<1x10x128xi32, #tpu.memory_space<hbm>> -> memref<10x128xi32, #tpu.memory_space<hbm>>
      %dma_wait3A_55 = arith.constant 0 : i32
      %dma_wait3A_56 = arith.constant 0 : i32
      %dma_wait3A_57 = tpu.memref_slice %arg6[%add3A, %dma_wait3A_55, %dma_wait3A_56] : memref<32x10x128xi32, #tpu.memory_space<hbm>> -> memref<1x10x128xi32, #tpu.memory_space<hbm>>
      %dma_wait3A_58 = tpu.memref_squeeze %dma_wait3A_57 : memref<1x10x128xi32, #tpu.memory_space<hbm>> -> memref<10x128xi32, #tpu.memory_space<hbm>>
      tpu.wait_dma2 semaphore(%run_scoped3A : memref<!tpu.dma_semaphore, #tpu.memory_space<semaphore_mem>>) src(%dma_wait3A_58 : memref<10x128xi32, #tpu.memory_space<hbm>>) dst(%arg16 : memref<10x128xi32, #tpu.memory_space<vmem>>)
      tpu.yield
    }) : () -> ()
    "tpu.region"() ({
      %run_scoped3A = tpu.sem_alloc : memref<!tpu.dma_semaphore, #tpu.memory_space<semaphore_mem>>
      %dma_start3A_43 = arith.constant 0 : i32
      %dma_start3A_44 = arith.constant 0 : i32
      %dma_start3A_45 = tpu.memref_slice %arg7[%add3A, %dma_start3A_43, %dma_start3A_44] : memref<32x10x128xi32, #tpu.memory_space<hbm>> -> memref<1x10x128xi32, #tpu.memory_space<hbm>>
      %dma_start3A_46 = tpu.memref_squeeze %dma_start3A_45 : memref<1x10x128xi32, #tpu.memory_space<hbm>> -> memref<10x128xi32, #tpu.memory_space<hbm>>
      %dma_start3A_47 = arith.constant 0 : i32
      %dma_start3A_48 = arith.constant 0 : i32
      %dma_start3A_49 = tpu.memref_slice %arg7[%add3A, %dma_start3A_47, %dma_start3A_48] : memref<32x10x128xi32, #tpu.memory_space<hbm>> -> memref<1x10x128xi32, #tpu.memory_space<hbm>>
      %dma_start3A_50 = tpu.memref_squeeze %dma_start3A_49 : memref<1x10x128xi32, #tpu.memory_space<hbm>> -> memref<10x128xi32, #tpu.memory_space<hbm>>
      tpu.enqueue_dma source(%dma_start3A_50 : memref<10x128xi32, #tpu.memory_space<hbm>>) target(%arg17 : memref<10x128xi32, #tpu.memory_space<vmem>>) target_semaphore(%run_scoped3A : memref<!tpu.dma_semaphore, #tpu.memory_space<semaphore_mem>>)
      %dma_wait3A_51 = arith.constant 0 : i32
      %dma_wait3A_52 = arith.constant 0 : i32
      %dma_wait3A_53 = tpu.memref_slice %arg7[%add3A, %dma_wait3A_51, %dma_wait3A_52] : memref<32x10x128xi32, #tpu.memory_space<hbm>> -> memref<1x10x128xi32, #tpu.memory_space<hbm>>
      %dma_wait3A_54 = tpu.memref_squeeze %dma_wait3A_53 : memref<1x10x128xi32, #tpu.memory_space<hbm>> -> memref<10x128xi32, #tpu.memory_space<hbm>>
      %dma_wait3A_55 = arith.constant 0 : i32
      %dma_wait3A_56 = arith.constant 0 : i32
      %dma_wait3A_57 = tpu.memref_slice %arg7[%add3A, %dma_wait3A_55, %dma_wait3A_56] : memref<32x10x128xi32, #tpu.memory_space<hbm>> -> memref<1x10x128xi32, #tpu.memory_space<hbm>>
      %dma_wait3A_58 = tpu.memref_squeeze %dma_wait3A_57 : memref<1x10x128xi32, #tpu.memory_space<hbm>> -> memref<10x128xi32, #tpu.memory_space<hbm>>
      tpu.wait_dma2 semaphore(%run_scoped3A : memref<!tpu.dma_semaphore, #tpu.memory_space<semaphore_mem>>) src(%dma_wait3A_58 : memref<10x128xi32, #tpu.memory_space<hbm>>) dst(%arg17 : memref<10x128xi32, #tpu.memory_space<vmem>>)
      tpu.yield
    }) : () -> ()
    %barrier3A = arith.constant 0 : index
    tpu.barrier barrier_id(%barrier3A)
    %scan3A = arith.constant 0 : i32
    %scan3A_9 = arith.constant 0 : i32
    %scan3A_10 = arith.constant 10 : i32
    %scan3A_11 = arith.addi %scan3A_9, %scan3A_10 : i32
    %scan3A_12 = arith.constant 1 : i32
    scf.for %scan3A_43 = %scan3A_9 to %scan3A_11 step %scan3A_12  : i32 {
      %dma_start3A_44 = arith.constant 0 : i32
      %dma_start3A_45 = tpu.memref_slice %arg16[%scan3A_43, %dma_start3A_44] : memref<10x128xi32, #tpu.memory_space<vmem>> -> memref<1x128xi32, #tpu.memory_space<vmem>>
      %dma_start3A_46 = tpu.memref_squeeze %dma_start3A_45 : memref<1x128xi32, #tpu.memory_space<vmem>> -> memref<128xi32, #tpu.memory_space<vmem>>
      %dma_start3A_47 = arith.constant 0 : i32
      %dma_start3A_48 = arith.constant 0 : i32
      %dma_start3A_49 = tpu.memref_slice %arg2[%dma_start3A_47, %dma_start3A_48] : memref<10000x128xf32, #tpu.memory_space<hbm>> -> memref<10000x128xf32, #tpu.memory_space<hbm>>
      tpu.enqueue_indirect_dma source(%dma_start3A_49 : memref<10000x128xf32, #tpu.memory_space<hbm>>) target(%arg18 : memref<128x128xf32, #tpu.memory_space<vmem>>) offsets(%dma_start3A_46 : memref<128xi32, #tpu.memory_space<vmem>>) semaphore(%arg20 : memref<!tpu.dma_semaphore, #tpu.memory_space<semaphore_mem>>)
      %dma_wait3A_50 = arith.constant 0 : i32
      %dma_wait3A_51 = tpu.memref_slice %arg16[%scan3A_43, %dma_wait3A_50] : memref<10x128xi32, #tpu.memory_space<vmem>> -> memref<1x128xi32, #tpu.memory_space<vmem>>
      %dma_wait3A_52 = tpu.memref_squeeze %dma_wait3A_51 : memref<1x128xi32, #tpu.memory_space<vmem>> -> memref<128xi32, #tpu.memory_space<vmem>>
      %dma_wait3A_53 = arith.constant 0 : i32
      %dma_wait3A_54 = arith.constant 0 : i32
      %dma_wait3A_55 = tpu.memref_slice %arg2[%dma_wait3A_53, %dma_wait3A_54] : memref<10000x128xf32, #tpu.memory_space<hbm>> -> memref<10000x128xf32, #tpu.memory_space<hbm>>
      tpu.wait_indirect_dma semaphore(%arg20 : memref<!tpu.dma_semaphore, #tpu.memory_space<semaphore_mem>>) src(%dma_wait3A_55 : memref<10000x128xf32, #tpu.memory_space<hbm>>) dst(%arg18 : memref<128x128xf32, #tpu.memory_space<vmem>>)
      "tpu.region"() ({
        %run_scoped3A = tpu.sem_alloc : memref<!tpu.dma_semaphore, #tpu.memory_space<semaphore_mem>>
        %dma_start3A_56 = arith.constant 0 : i32
        %dma_start3A_57 = tpu.memref_slice %arg17[%scan3A_43, %dma_start3A_56] : memref<10x128xi32, #tpu.memory_space<vmem>> -> memref<1x128xi32, #tpu.memory_space<vmem>>
        %dma_start3A_58 = tpu.memref_squeeze %dma_start3A_57 : memref<1x128xi32, #tpu.memory_space<vmem>> -> memref<128xi32, #tpu.memory_space<vmem>>
        %dma_start3A_59 = arith.constant 0 : i32
        %dma_start3A_60 = arith.constant 0 : i32
        %dma_start3A_61 = tpu.memref_slice %arg19[%dma_start3A_59, %dma_start3A_60] : memref<4096x128xf32, #tpu.memory_space<vmem_shared>> -> memref<4096x128xf32, #tpu.memory_space<vmem_shared>>
        tpu.enqueue_indirect_dma source(%arg18 : memref<128x128xf32, #tpu.memory_space<vmem>>) target(%dma_start3A_61 : memref<4096x128xf32, #tpu.memory_space<vmem_shared>>) offsets(%dma_start3A_58 : memref<128xi32, #tpu.memory_space<vmem>>) semaphore(%run_scoped3A : memref<!tpu.dma_semaphore, #tpu.memory_space<semaphore_mem>>) {add = true}
        %dma_wait3A_62 = arith.constant 0 : i32
        %dma_wait3A_63 = tpu.memref_slice %arg17[%scan3A_43, %dma_wait3A_62] : memref<10x128xi32, #tpu.memory_space<vmem>> -> memref<1x128xi32, #tpu.memory_space<vmem>>
        %dma_wait3A_64 = tpu.memref_squeeze %dma_wait3A_63 : memref<1x128xi32, #tpu.memory_space<vmem>> -> memref<128xi32, #tpu.memory_space<vmem>>
        %dma_wait3A_65 = arith.constant 0 : i32
        %dma_wait3A_66 = arith.constant 0 : i32
        %dma_wait3A_67 = tpu.memref_slice %arg19[%dma_wait3A_65, %dma_wait3A_66] : memref<4096x128xf32, #tpu.memory_space<vmem_shared>> -> memref<4096x128xf32, #tpu.memory_space<vmem_shared>>
        tpu.wait_indirect_dma semaphore(%run_scoped3A : memref<!tpu.dma_semaphore, #tpu.memory_space<semaphore_mem>>) src(%arg18 : memref<128x128xf32, #tpu.memory_space<vmem>>) dst(%dma_wait3A_67 : memref<4096x128xf32, #tpu.memory_space<vmem_shared>>)
        tpu.yield
      }) : () -> ()
    }
    %scan3A_13 = arith.constant 10 : i32
    %mul3A_14 = arith.constant 128 : i32
    %mul3A_15 = arith.muli %add3A, %mul3A_14 : i32
    %dma_start3A = arith.constant 0 : i32
    %dma_start3A_16 = arith.constant 0 : i32
    %dma_start3A_17 = tpu.memref_slice %arg2[%dma_start3A, %dma_start3A_16] : memref<10000x128xf32, #tpu.memory_space<hbm>> -> memref<10000x128xf32, #tpu.memory_space<hbm>>
    tpu.enqueue_indirect_dma source(%dma_start3A_17 : memref<10000x128xf32, #tpu.memory_space<hbm>>) target(%arg18 : memref<128x128xf32, #tpu.memory_space<vmem>>) offsets(%arg14 : memref<128xi32, #tpu.memory_space<vmem>>) semaphore(%arg20 : memref<!tpu.dma_semaphore, #tpu.memory_space<semaphore_mem>>)
    %dma_wait3A = arith.constant 0 : i32
    %dma_wait3A_18 = arith.constant 0 : i32
    %dma_wait3A_19 = tpu.memref_slice %arg2[%dma_wait3A, %dma_wait3A_18] : memref<10000x128xf32, #tpu.memory_space<hbm>> -> memref<10000x128xf32, #tpu.memory_space<hbm>>
    tpu.wait_indirect_dma semaphore(%arg20 : memref<!tpu.dma_semaphore, #tpu.memory_space<semaphore_mem>>) src(%dma_wait3A_19 : memref<10000x128xf32, #tpu.memory_space<hbm>>) dst(%arg18 : memref<128x128xf32, #tpu.memory_space<vmem>>)
    "tpu.region"() ({
      %run_scoped3A = tpu.sem_alloc : memref<!tpu.dma_semaphore, #tpu.memory_space<semaphore_mem>>
      %dma_start3A_43 = arith.constant 0 : i32
      %dma_start3A_44 = tpu.memref_slice %arg9[%mul3A_15, %dma_start3A_43] : memref<4096x128xf32, #tpu.memory_space<hbm>> -> memref<128x128xf32, #tpu.memory_space<hbm>>
      %dma_start3A_45 = arith.constant 0 : i32
      %dma_start3A_46 = tpu.memref_slice %arg9[%mul3A_15, %dma_start3A_45] : memref<4096x128xf32, #tpu.memory_space<hbm>> -> memref<128x128xf32, #tpu.memory_space<hbm>>
      tpu.enqueue_dma source(%arg18 : memref<128x128xf32, #tpu.memory_space<vmem>>) target(%dma_start3A_46 : memref<128x128xf32, #tpu.memory_space<hbm>>) target_semaphore(%run_scoped3A : memref<!tpu.dma_semaphore, #tpu.memory_space<semaphore_mem>>)
      %dma_wait3A_47 = arith.constant 0 : i32
      %dma_wait3A_48 = tpu.memref_slice %arg9[%mul3A_15, %dma_wait3A_47] : memref<4096x128xf32, #tpu.memory_space<hbm>> -> memref<128x128xf32, #tpu.memory_space<hbm>>
      %dma_wait3A_49 = arith.constant 0 : i32
      %dma_wait3A_50 = tpu.memref_slice %arg9[%mul3A_15, %dma_wait3A_49] : memref<4096x128xf32, #tpu.memory_space<hbm>> -> memref<128x128xf32, #tpu.memory_space<hbm>>
      tpu.wait_dma2 semaphore(%run_scoped3A : memref<!tpu.dma_semaphore, #tpu.memory_space<semaphore_mem>>) src(%arg18 : memref<128x128xf32, #tpu.memory_space<vmem>>) dst(%dma_wait3A_50 : memref<128x128xf32, #tpu.memory_space<hbm>>)
      tpu.yield
    }) : () -> ()
    %dma_start3A_20 = arith.constant 0 : i32
    %dma_start3A_21 = arith.constant 0 : i32
    %dma_start3A_22 = tpu.memref_slice %arg2[%dma_start3A_20, %dma_start3A_21] : memref<10000x128xf32, #tpu.memory_space<hbm>> -> memref<10000x128xf32, #tpu.memory_space<hbm>>
    tpu.enqueue_indirect_dma source(%dma_start3A_22 : memref<10000x128xf32, #tpu.memory_space<hbm>>) target(%arg18 : memref<128x128xf32, #tpu.memory_space<vmem>>) offsets(%arg15 : memref<128xi32, #tpu.memory_space<vmem>>) semaphore(%arg20 : memref<!tpu.dma_semaphore, #tpu.memory_space<semaphore_mem>>)
    %dma_wait3A_23 = arith.constant 0 : i32
    %dma_wait3A_24 = arith.constant 0 : i32
    %dma_wait3A_25 = tpu.memref_slice %arg2[%dma_wait3A_23, %dma_wait3A_24] : memref<10000x128xf32, #tpu.memory_space<hbm>> -> memref<10000x128xf32, #tpu.memory_space<hbm>>
    tpu.wait_indirect_dma semaphore(%arg20 : memref<!tpu.dma_semaphore, #tpu.memory_space<semaphore_mem>>) src(%dma_wait3A_25 : memref<10000x128xf32, #tpu.memory_space<hbm>>) dst(%arg18 : memref<128x128xf32, #tpu.memory_space<vmem>>)
    "tpu.region"() ({
      %run_scoped3A = tpu.sem_alloc : memref<!tpu.dma_semaphore, #tpu.memory_space<semaphore_mem>>
      %dma_start3A_43 = arith.constant 0 : i32
      %dma_start3A_44 = tpu.memref_slice %arg10[%mul3A_15, %dma_start3A_43] : memref<4096x128xf32, #tpu.memory_space<hbm>> -> memref<128x128xf32, #tpu.memory_space<hbm>>
      %dma_start3A_45 = arith.constant 0 : i32
      %dma_start3A_46 = tpu.memref_slice %arg10[%mul3A_15, %dma_start3A_45] : memref<4096x128xf32, #tpu.memory_space<hbm>> -> memref<128x128xf32, #tpu.memory_space<hbm>>
      tpu.enqueue_dma source(%arg18 : memref<128x128xf32, #tpu.memory_space<vmem>>) target(%dma_start3A_46 : memref<128x128xf32, #tpu.memory_space<hbm>>) target_semaphore(%run_scoped3A : memref<!tpu.dma_semaphore, #tpu.memory_space<semaphore_mem>>)
      %dma_wait3A_47 = arith.constant 0 : i32
      %dma_wait3A_48 = tpu.memref_slice %arg10[%mul3A_15, %dma_wait3A_47] : memref<4096x128xf32, #tpu.memory_space<hbm>> -> memref<128x128xf32, #tpu.memory_space<hbm>>
      %dma_wait3A_49 = arith.constant 0 : i32
      %dma_wait3A_50 = tpu.memref_slice %arg10[%mul3A_15, %dma_wait3A_49] : memref<4096x128xf32, #tpu.memory_space<hbm>> -> memref<128x128xf32, #tpu.memory_space<hbm>>
      tpu.wait_dma2 semaphore(%run_scoped3A : memref<!tpu.dma_semaphore, #tpu.memory_space<semaphore_mem>>) src(%arg18 : memref<128x128xf32, #tpu.memory_space<vmem>>) dst(%dma_wait3A_50 : memref<128x128xf32, #tpu.memory_space<hbm>>)
      tpu.yield
    }) : () -> ()
    %dma_start3A_26 = arith.constant 0 : i32
    %dma_start3A_27 = arith.constant 0 : i32
    %dma_start3A_28 = tpu.memref_slice %arg3[%dma_start3A_26, %dma_start3A_27] : memref<10000x128xf32, #tpu.memory_space<hbm>> -> memref<10000x128xf32, #tpu.memory_space<hbm>>
    tpu.enqueue_indirect_dma source(%dma_start3A_28 : memref<10000x128xf32, #tpu.memory_space<hbm>>) target(%arg18 : memref<128x128xf32, #tpu.memory_space<vmem>>) offsets(%arg14 : memref<128xi32, #tpu.memory_space<vmem>>) semaphore(%arg20 : memref<!tpu.dma_semaphore, #tpu.memory_space<semaphore_mem>>)
    %dma_wait3A_29 = arith.constant 0 : i32
    %dma_wait3A_30 = arith.constant 0 : i32
    %dma_wait3A_31 = tpu.memref_slice %arg3[%dma_wait3A_29, %dma_wait3A_30] : memref<10000x128xf32, #tpu.memory_space<hbm>> -> memref<10000x128xf32, #tpu.memory_space<hbm>>
    tpu.wait_indirect_dma semaphore(%arg20 : memref<!tpu.dma_semaphore, #tpu.memory_space<semaphore_mem>>) src(%dma_wait3A_31 : memref<10000x128xf32, #tpu.memory_space<hbm>>) dst(%arg18 : memref<128x128xf32, #tpu.memory_space<vmem>>)
    "tpu.region"() ({
      %run_scoped3A = tpu.sem_alloc : memref<!tpu.dma_semaphore, #tpu.memory_space<semaphore_mem>>
      %dma_start3A_43 = arith.constant 0 : i32
      %dma_start3A_44 = tpu.memref_slice %arg11[%mul3A_15, %dma_start3A_43] : memref<4096x128xf32, #tpu.memory_space<hbm>> -> memref<128x128xf32, #tpu.memory_space<hbm>>
      %dma_start3A_45 = arith.constant 0 : i32
      %dma_start3A_46 = tpu.memref_slice %arg11[%mul3A_15, %dma_start3A_45] : memref<4096x128xf32, #tpu.memory_space<hbm>> -> memref<128x128xf32, #tpu.memory_space<hbm>>
      tpu.enqueue_dma source(%arg18 : memref<128x128xf32, #tpu.memory_space<vmem>>) target(%dma_start3A_46 : memref<128x128xf32, #tpu.memory_space<hbm>>) target_semaphore(%run_scoped3A : memref<!tpu.dma_semaphore, #tpu.memory_space<semaphore_mem>>)
      %dma_wait3A_47 = arith.constant 0 : i32
      %dma_wait3A_48 = tpu.memref_slice %arg11[%mul3A_15, %dma_wait3A_47] : memref<4096x128xf32, #tpu.memory_space<hbm>> -> memref<128x128xf32, #tpu.memory_space<hbm>>
      %dma_wait3A_49 = arith.constant 0 : i32
      %dma_wait3A_50 = tpu.memref_slice %arg11[%mul3A_15, %dma_wait3A_49] : memref<4096x128xf32, #tpu.memory_space<hbm>> -> memref<128x128xf32, #tpu.memory_space<hbm>>
      tpu.wait_dma2 semaphore(%run_scoped3A : memref<!tpu.dma_semaphore, #tpu.memory_space<semaphore_mem>>) src(%arg18 : memref<128x128xf32, #tpu.memory_space<vmem>>) dst(%dma_wait3A_50 : memref<128x128xf32, #tpu.memory_space<hbm>>)
      tpu.yield
    }) : () -> ()
    %dma_start3A_32 = arith.constant 0 : i32
    %dma_start3A_33 = arith.constant 0 : i32
    %dma_start3A_34 = tpu.memref_slice %arg3[%dma_start3A_32, %dma_start3A_33] : memref<10000x128xf32, #tpu.memory_space<hbm>> -> memref<10000x128xf32, #tpu.memory_space<hbm>>
    tpu.enqueue_indirect_dma source(%dma_start3A_34 : memref<10000x128xf32, #tpu.memory_space<hbm>>) target(%arg18 : memref<128x128xf32, #tpu.memory_space<vmem>>) offsets(%arg15 : memref<128xi32, #tpu.memory_space<vmem>>) semaphore(%arg20 : memref<!tpu.dma_semaphore, #tpu.memory_space<semaphore_mem>>)
    %dma_wait3A_35 = arith.constant 0 : i32
    %dma_wait3A_36 = arith.constant 0 : i32
    %dma_wait3A_37 = tpu.memref_slice %arg3[%dma_wait3A_35, %dma_wait3A_36] : memref<10000x128xf32, #tpu.memory_space<hbm>> -> memref<10000x128xf32, #tpu.memory_space<hbm>>
    tpu.wait_indirect_dma semaphore(%arg20 : memref<!tpu.dma_semaphore, #tpu.memory_space<semaphore_mem>>) src(%dma_wait3A_37 : memref<10000x128xf32, #tpu.memory_space<hbm>>) dst(%arg18 : memref<128x128xf32, #tpu.memory_space<vmem>>)
    "tpu.region"() ({
      %run_scoped3A = tpu.sem_alloc : memref<!tpu.dma_semaphore, #tpu.memory_space<semaphore_mem>>
      %dma_start3A_43 = arith.constant 0 : i32
      %dma_start3A_44 = tpu.memref_slice %arg12[%mul3A_15, %dma_start3A_43] : memref<4096x128xf32, #tpu.memory_space<hbm>> -> memref<128x128xf32, #tpu.memory_space<hbm>>
      %dma_start3A_45 = arith.constant 0 : i32
      %dma_start3A_46 = tpu.memref_slice %arg12[%mul3A_15, %dma_start3A_45] : memref<4096x128xf32, #tpu.memory_space<hbm>> -> memref<128x128xf32, #tpu.memory_space<hbm>>
      tpu.enqueue_dma source(%arg18 : memref<128x128xf32, #tpu.memory_space<vmem>>) target(%dma_start3A_46 : memref<128x128xf32, #tpu.memory_space<hbm>>) target_semaphore(%run_scoped3A : memref<!tpu.dma_semaphore, #tpu.memory_space<semaphore_mem>>)
      %dma_wait3A_47 = arith.constant 0 : i32
      %dma_wait3A_48 = tpu.memref_slice %arg12[%mul3A_15, %dma_wait3A_47] : memref<4096x128xf32, #tpu.memory_space<hbm>> -> memref<128x128xf32, #tpu.memory_space<hbm>>
      %dma_wait3A_49 = arith.constant 0 : i32
      %dma_wait3A_50 = tpu.memref_slice %arg12[%mul3A_15, %dma_wait3A_49] : memref<4096x128xf32, #tpu.memory_space<hbm>> -> memref<128x128xf32, #tpu.memory_space<hbm>>
      tpu.wait_dma2 semaphore(%run_scoped3A : memref<!tpu.dma_semaphore, #tpu.memory_space<semaphore_mem>>) src(%arg18 : memref<128x128xf32, #tpu.memory_space<vmem>>) dst(%dma_wait3A_50 : memref<128x128xf32, #tpu.memory_space<hbm>>)
      tpu.yield
    }) : () -> ()
    %barrier3A_38 = arith.constant 0 : index
    tpu.barrier barrier_id(%barrier3A_38)
    %mul3A_39 = arith.constant 256 : i32
    %mul3A_40 = arith.muli %arg1, %mul3A_39 : i32
    %mul3A_41 = arith.constant 256 : i32
    %mul3A_42 = arith.muli %arg1, %mul3A_41 : i32
    "tpu.region"() ({
      %run_scoped3A = tpu.sem_alloc : memref<!tpu.dma_semaphore, #tpu.memory_space<semaphore_mem>>
      %dma_start3A_43 = arith.constant 0 : i32
      %dma_start3A_44 = tpu.memref_slice %arg13[%arg0, %mul3A_42, %dma_start3A_43] : memref<2x4096x128xf32, #tpu.memory_space<hbm>> -> memref<1x256x128xf32, #tpu.memory_space<hbm>>
      %dma_start3A_45 = tpu.memref_squeeze %dma_start3A_44 : memref<1x256x128xf32, #tpu.memory_space<hbm>> -> memref<256x128xf32, #tpu.memory_space<hbm>>
      %dma_start3A_46 = arith.constant 0 : i32
      %dma_start3A_47 = tpu.memref_slice %arg19[%mul3A_40, %dma_start3A_46] : memref<4096x128xf32, #tpu.memory_space<vmem_shared>> -> memref<256x128xf32, #tpu.memory_space<vmem_shared>>
      tpu.enqueue_dma source(%dma_start3A_47 : memref<256x128xf32, #tpu.memory_space<vmem_shared>>) target(%dma_start3A_45 : memref<256x128xf32, #tpu.memory_space<hbm>>) target_semaphore(%run_scoped3A : memref<!tpu.dma_semaphore, #tpu.memory_space<semaphore_mem>>)
      %dma_wait3A_48 = arith.constant 0 : i32
      %dma_wait3A_49 = tpu.memref_slice %arg13[%arg0, %mul3A_42, %dma_wait3A_48] : memref<2x4096x128xf32, #tpu.memory_space<hbm>> -> memref<1x256x128xf32, #tpu.memory_space<hbm>>
      %dma_wait3A_50 = tpu.memref_squeeze %dma_wait3A_49 : memref<1x256x128xf32, #tpu.memory_space<hbm>> -> memref<256x128xf32, #tpu.memory_space<hbm>>
      %dma_wait3A_51 = arith.constant 0 : i32
      %dma_wait3A_52 = tpu.memref_slice %arg19[%mul3A_40, %dma_wait3A_51] : memref<4096x128xf32, #tpu.memory_space<vmem_shared>> -> memref<256x128xf32, #tpu.memory_space<vmem_shared>>
      tpu.wait_dma2 semaphore(%run_scoped3A : memref<!tpu.dma_semaphore, #tpu.memory_space<semaphore_mem>>) src(%dma_wait3A_52 : memref<256x128xf32, #tpu.memory_space<vmem_shared>>) dst(%dma_wait3A_50 : memref<256x128xf32, #tpu.memory_space<hbm>>)
      tpu.yield
    }) : () -> ()
    return
  }
}

module attributes {stable_mosaic.version = 14 : i64} {
  func.func @_trans_body(%arg0: i32, %arg1: memref<1000x128xf32, #tpu.memory_space<vmem>>, %arg2: memref<128x1024xf32, #tpu.memory_space<vmem>>, %arg3: memref<1000x1024xf32, #tpu.memory_space<vmem>>) attributes {dimension_semantics = [#tpu.dimension_semantics<arbitrary>], iteration_bounds = array<i64: 10>, scalar_prefetch = 0 : i64, scratch_operands = 0 : i64, tpu.core_type = #tpu.core_type<tc>, window_params = [{transform_indices = @transform_0, window_bounds = array<i64: 1000, 128>}, {pipeline_mode = #tpu.pipeline_mode<synchronous>, transform_indices = @transform_1, window_bounds = array<i64: 128, 1024>}, {transform_indices = @transform_2, window_bounds = array<i64: 1000, 1024>}]} {
    %get3A = arith.constant 0 : index
    %get3A_0 = arith.constant 0 : index
    %get3A_1 = vector.load %arg1[%get3A, %get3A_0] : memref<1000x128xf32, #tpu.memory_space<vmem>>, vector<1000x128xf32>
    %get3A_2 = arith.constant 0 : index
    %get3A_3 = arith.constant 0 : index
    %get3A_4 = vector.load %arg2[%get3A_2, %get3A_3] : memref<128x1024xf32, #tpu.memory_space<vmem>>, vector<128x1024xf32>
    %dot_general3A = arith.constant dense<0.000000e+00> : vector<1000x1024xf32>
    %dot_general3A_5 = tpu.matmul %get3A_1, %get3A_4, %dot_general3A {dimension_numbers = #tpu.dot_dimension_numbers<[1], [0], [0], [1], [0, 0, 1, 1], [], []>, transpose_lhs_hint = false} : vector<1000x128xf32>, vector<128x1024xf32>, vector<1000x1024xf32> -> vector<1000x1024xf32>
    %swap3A = arith.constant 0 : index
    %swap3A_6 = arith.constant 0 : index
    %swap3A_7 = vector.load %arg3[%swap3A, %swap3A_6] : memref<1000x1024xf32, #tpu.memory_space<vmem>>, vector<1000x1024xf32>
    tpu.vector_store %arg3[%swap3A, %swap3A_6], %dot_general3A_5 {strides = array<i32>} : memref<1000x1024xf32, #tpu.memory_space<vmem>>, vector<1000x1024xf32>,
    return
  }
  func.func @transform_0(%arg0: i32) -> (i32, i32) {
    %c0_i32 = arith.constant 0 : i32
    %c0_i32_0 = arith.constant 0 : i32
    return %arg0, %c0_i32 : i32, i32
  }
  func.func @transform_1(%arg0: i32) -> (i32, i32) {
    %c0_i32 = arith.constant 0 : i32
    %c0_i32_0 = arith.constant 0 : i32
    %c0_i32_1 = arith.constant 0 : i32
    return %c0_i32, %c0_i32_0 : i32, i32
  }
  func.func @transform_2(%arg0: i32) -> (i32, i32) {
    %c0_i32 = arith.constant 0 : i32
    %c0_i32_0 = arith.constant 0 : i32
    return %arg0, %c0_i32 : i32, i32
  }
}

module attributes {stable_mosaic.version = 14 : i64} {
  func.func @_combine1_body(%arg0: i32, %arg1: memref<2x1000x64xf32, #tpu.memory_space<vmem>>, %arg2: memref<2x1000x16xf32, #tpu.memory_space<vmem>>, %arg3: memref<1000x128xf32, #tpu.memory_space<vmem>>, %arg4: memref<128x64xf32, #tpu.memory_space<vmem>>, %arg5: memref<64x1024xf32, #tpu.memory_space<vmem>>, %arg6: memref<1000x64xf32, #tpu.memory_space<vmem>>, %arg7: memref<1000x1024xf32, #tpu.memory_space<vmem>>) attributes {dimension_semantics = [#tpu.dimension_semantics<arbitrary>], iteration_bounds = array<i64: 10>, scalar_prefetch = 0 : i64, scratch_operands = 0 : i64, tpu.core_type = #tpu.core_type<tc>, window_params = [{transform_indices = @transform_0, window_bounds = array<i64: 2, 1000, 64>}, {transform_indices = @transform_1, window_bounds = array<i64: 2, 1000, 16>}, {transform_indices = @transform_2, window_bounds = array<i64: 1000, 128>}, {pipeline_mode = #tpu.pipeline_mode<synchronous>, transform_indices = @transform_3, window_bounds = array<i64: 128, 64>}, {pipeline_mode = #tpu.pipeline_mode<synchronous>, transform_indices = @transform_4, window_bounds = array<i64: 64, 1024>}, {transform_indices = @transform_5, window_bounds = array<i64: 1000, 64>}, {transform_indices = @transform_6, window_bounds = array<i64: 1000, 1024>}]} {
    %get3A = arith.constant 0 : index
    %get3A_0 = arith.constant 0 : index
    %get3A_1 = arith.constant 0 : index
    %get3A_2 = vector.load %arg1[%get3A, %get3A_0, %get3A_1] : memref<2x1000x64xf32, #tpu.memory_space<vmem>>, vector<1x1000x64xf32>
    %get3A_3 = vector.shape_cast %get3A_2 : vector<1x1000x64xf32> to vector<1000x64xf32>
    %get3A_4 = arith.constant 1 : index
    %get3A_5 = arith.constant 0 : index
    %get3A_6 = arith.constant 0 : index
    %get3A_7 = vector.load %arg1[%get3A_4, %get3A_5, %get3A_6] : memref<2x1000x64xf32, #tpu.memory_space<vmem>>, vector<1x1000x64xf32>
    %get3A_8 = vector.shape_cast %get3A_7 : vector<1x1000x64xf32> to vector<1000x64xf32>
    %add3A = arith.addf %get3A_3, %get3A_8 : vector<1000x64xf32>
    %get3A_9 = arith.constant 0 : index
    %get3A_10 = arith.constant 0 : index
    %get3A_11 = arith.constant 0 : index
    %get3A_12 = vector.load %arg2[%get3A_9, %get3A_10, %get3A_11] : memref<2x1000x16xf32, #tpu.memory_space<vmem>>, vector<1x1000x16xf32>
    %get3A_13 = vector.shape_cast %get3A_12 : vector<1x1000x16xf32> to vector<1000x16xf32>
    %slice3A = vector.extract_strided_slice %get3A_13 {offsets = [0, 0], sizes = [1000, 1], strides = [1, 1]} : vector<1000x16xf32> to vector<1000x1xf32>
    %get3A_14 = arith.constant 1 : index
    %get3A_15 = arith.constant 0 : index
    %get3A_16 = arith.constant 0 : index
    %get3A_17 = vector.load %arg2[%get3A_14, %get3A_15, %get3A_16] : memref<2x1000x16xf32, #tpu.memory_space<vmem>>, vector<1x1000x16xf32>
    %get3A_18 = vector.shape_cast %get3A_17 : vector<1x1000x16xf32> to vector<1000x16xf32>
    %slice3A_19 = vector.extract_strided_slice %get3A_18 {offsets = [0, 0], sizes = [1000, 1], strides = [1, 1]} : vector<1000x16xf32> to vector<1000x1xf32>
    %add3A_20 = arith.addf %slice3A, %slice3A_19 : vector<1000x1xf32>
    %max3A = arith.constant 1.000000e+00 : f32
    %max3A_21 = vector.broadcast %max3A : f32 to vector<1000x1xf32>
    %max3A_22 = arith.maximumf %add3A_20, %max3A_21 : vector<1000x1xf32>
    %div3A = arith.constant 1.000000e+00 : f32
    %div3A_23 = vector.broadcast %div3A : f32 to vector<1000x1xf32>
    %div3A_24 = arith.divf %div3A_23, %max3A_22 : vector<1000x1xf32>
    %mul3A = vector.broadcast %div3A_24 : vector<1000x1xf32> to vector<1000x64xf32>
    %mul3A_25 = arith.mulf %add3A, %mul3A : vector<1000x64xf32>
    %get3A_26 = arith.constant 0 : index
    %get3A_27 = arith.constant 0 : index
    %get3A_28 = vector.load %arg3[%get3A_26, %get3A_27] : memref<1000x128xf32, #tpu.memory_space<vmem>>, vector<1000x128xf32>
    %get3A_29 = arith.constant 0 : index
    %get3A_30 = arith.constant 0 : index
    %get3A_31 = vector.load %arg4[%get3A_29, %get3A_30] : memref<128x64xf32, #tpu.memory_space<vmem>>, vector<128x64xf32>
    %dot_general3A = arith.constant dense<0.000000e+00> : vector<1000x64xf32>
    %dot_general3A_32 = tpu.matmul %get3A_28, %get3A_31, %dot_general3A {dimension_numbers = #tpu.dot_dimension_numbers<[1], [0], [0], [1], [0, 0, 1, 1], [], []>, transpose_lhs_hint = false} : vector<1000x128xf32>, vector<128x64xf32>, vector<1000x64xf32> -> vector<1000x64xf32>
    %add3A_33 = arith.addf %mul3A_25, %dot_general3A_32 : vector<1000x64xf32>
    %max3A_34 = arith.constant 0.000000e+00 : f32
    %max3A_35 = vector.broadcast %max3A_34 : f32 to vector<1000x64xf32>
    %max3A_36 = arith.maximumf %add3A_33, %max3A_35 : vector<1000x64xf32>
    %swap3A = arith.constant 0 : index
    %swap3A_37 = arith.constant 0 : index
    %swap3A_38 = vector.load %arg6[%swap3A, %swap3A_37] : memref<1000x64xf32, #tpu.memory_space<vmem>>, vector<1000x64xf32>
    tpu.vector_store %arg6[%swap3A, %swap3A_37], %max3A_36 {strides = array<i32>} : memref<1000x64xf32, #tpu.memory_space<vmem>>, vector<1000x64xf32>,
    %get3A_39 = arith.constant 0 : index
    %get3A_40 = arith.constant 0 : index
    %get3A_41 = vector.load %arg5[%get3A_39, %get3A_40] : memref<64x1024xf32, #tpu.memory_space<vmem>>, vector<64x1024xf32>
    %dot_general3A_42 = arith.constant dense<0.000000e+00> : vector<1000x1024xf32>
    %dot_general3A_43 = tpu.matmul %max3A_36, %get3A_41, %dot_general3A_42 {dimension_numbers = #tpu.dot_dimension_numbers<[1], [0], [0], [1], [0, 0, 1, 1], [], []>, transpose_lhs_hint = false} : vector<1000x64xf32>, vector<64x1024xf32>, vector<1000x1024xf32> -> vector<1000x1024xf32>
    %swap3A_44 = arith.constant 0 : index
    %swap3A_45 = arith.constant 0 : index
    %swap3A_46 = vector.load %arg7[%swap3A_44, %swap3A_45] : memref<1000x1024xf32, #tpu.memory_space<vmem>>, vector<1000x1024xf32>
    tpu.vector_store %arg7[%swap3A_44, %swap3A_45], %dot_general3A_43 {strides = array<i32>} : memref<1000x1024xf32, #tpu.memory_space<vmem>>, vector<1000x1024xf32>,
    return
  }
  func.func @transform_0(%arg0: i32) -> (i32, i32, i32) {
    %c0_i32 = arith.constant 0 : i32
    %c0_i32_0 = arith.constant 0 : i32
    %c0_i32_1 = arith.constant 0 : i32
    return %c0_i32, %arg0, %c0_i32_0 : i32, i32, i32
  }
  func.func @transform_1(%arg0: i32) -> (i32, i32, i32) {
    %c0_i32 = arith.constant 0 : i32
    %c0_i32_0 = arith.constant 0 : i32
    %c0_i32_1 = arith.constant 0 : i32
    return %c0_i32, %arg0, %c0_i32_0 : i32, i32, i32
  }
  func.func @transform_2(%arg0: i32) -> (i32, i32) {
    %c0_i32 = arith.constant 0 : i32
    %c0_i32_0 = arith.constant 0 : i32
    return %arg0, %c0_i32 : i32, i32
  }
  func.func @transform_3(%arg0: i32) -> (i32, i32) {
    %c0_i32 = arith.constant 0 : i32
    %c0_i32_0 = arith.constant 0 : i32
    %c0_i32_1 = arith.constant 0 : i32
    return %c0_i32, %c0_i32_0 : i32, i32
  }
  func.func @transform_4(%arg0: i32) -> (i32, i32) {
    %c0_i32 = arith.constant 0 : i32
    %c0_i32_0 = arith.constant 0 : i32
    %c0_i32_1 = arith.constant 0 : i32
    return %c0_i32, %c0_i32_0 : i32, i32
  }
  func.func @transform_5(%arg0: i32) -> (i32, i32) {
    %c0_i32 = arith.constant 0 : i32
    %c0_i32_0 = arith.constant 0 : i32
    return %arg0, %c0_i32 : i32, i32
  }
  func.func @transform_6(%arg0: i32) -> (i32, i32) {
    %c0_i32 = arith.constant 0 : i32
    %c0_i32_0 = arith.constant 0 : i32
    return %arg0, %c0_i32 : i32, i32
  }
}

module attributes {stable_mosaic.version = 14 : i64} {
  func.func @_combine2_body(%arg0: i32, %arg1: memref<2x1000x64xf32, #tpu.memory_space<vmem>>, %arg2: memref<2x1000x16xf32, #tpu.memory_space<vmem>>, %arg3: memref<1000x64xf32, #tpu.memory_space<vmem>>, %arg4: memref<64x64xf32, #tpu.memory_space<vmem>>, %arg5: memref<1000x128xf32, #tpu.memory_space<vmem>>) attributes {dimension_semantics = [#tpu.dimension_semantics<arbitrary>], iteration_bounds = array<i64: 10>, scalar_prefetch = 0 : i64, scratch_operands = 0 : i64, tpu.core_type = #tpu.core_type<tc>, window_params = [{transform_indices = @transform_0, window_bounds = array<i64: 2, 1000, 64>}, {transform_indices = @transform_1, window_bounds = array<i64: 2, 1000, 16>}, {transform_indices = @transform_2, window_bounds = array<i64: 1000, 64>}, {pipeline_mode = #tpu.pipeline_mode<synchronous>, transform_indices = @transform_3, window_bounds = array<i64: 64, 64>}, {transform_indices = @transform_4, window_bounds = array<i64: 1000, 128>}]} {
    %get3A = arith.constant 0 : index
    %get3A_0 = arith.constant 0 : index
    %get3A_1 = arith.constant 0 : index
    %get3A_2 = vector.load %arg1[%get3A, %get3A_0, %get3A_1] : memref<2x1000x64xf32, #tpu.memory_space<vmem>>, vector<1x1000x64xf32>
    %get3A_3 = vector.shape_cast %get3A_2 : vector<1x1000x64xf32> to vector<1000x64xf32>
    %get3A_4 = arith.constant 1 : index
    %get3A_5 = arith.constant 0 : index
    %get3A_6 = arith.constant 0 : index
    %get3A_7 = vector.load %arg1[%get3A_4, %get3A_5, %get3A_6] : memref<2x1000x64xf32, #tpu.memory_space<vmem>>, vector<1x1000x64xf32>
    %get3A_8 = vector.shape_cast %get3A_7 : vector<1x1000x64xf32> to vector<1000x64xf32>
    %add3A = arith.addf %get3A_3, %get3A_8 : vector<1000x64xf32>
    %get3A_9 = arith.constant 0 : index
    %get3A_10 = arith.constant 0 : index
    %get3A_11 = arith.constant 0 : index
    %get3A_12 = vector.load %arg2[%get3A_9, %get3A_10, %get3A_11] : memref<2x1000x16xf32, #tpu.memory_space<vmem>>, vector<1x1000x16xf32>
    %get3A_13 = vector.shape_cast %get3A_12 : vector<1x1000x16xf32> to vector<1000x16xf32>
    %slice3A = vector.extract_strided_slice %get3A_13 {offsets = [0, 0], sizes = [1000, 1], strides = [1, 1]} : vector<1000x16xf32> to vector<1000x1xf32>
    %get3A_14 = arith.constant 1 : index
    %get3A_15 = arith.constant 0 : index
    %get3A_16 = arith.constant 0 : index
    %get3A_17 = vector.load %arg2[%get3A_14, %get3A_15, %get3A_16] : memref<2x1000x16xf32, #tpu.memory_space<vmem>>, vector<1x1000x16xf32>
    %get3A_18 = vector.shape_cast %get3A_17 : vector<1x1000x16xf32> to vector<1000x16xf32>
    %slice3A_19 = vector.extract_strided_slice %get3A_18 {offsets = [0, 0], sizes = [1000, 1], strides = [1, 1]} : vector<1000x16xf32> to vector<1000x1xf32>
    %add3A_20 = arith.addf %slice3A, %slice3A_19 : vector<1000x1xf32>
    %max3A = arith.constant 1.000000e+00 : f32
    %max3A_21 = vector.broadcast %max3A : f32 to vector<1000x1xf32>
    %max3A_22 = arith.maximumf %add3A_20, %max3A_21 : vector<1000x1xf32>
    %div3A = arith.constant 1.000000e+00 : f32
    %div3A_23 = vector.broadcast %div3A : f32 to vector<1000x1xf32>
    %div3A_24 = arith.divf %div3A_23, %max3A_22 : vector<1000x1xf32>
    %get3A_25 = arith.constant 0 : index
    %get3A_26 = arith.constant 0 : index
    %get3A_27 = vector.load %arg3[%get3A_25, %get3A_26] : memref<1000x64xf32, #tpu.memory_space<vmem>>, vector<1000x64xf32>
    %mul3A = vector.broadcast %div3A_24 : vector<1000x1xf32> to vector<1000x64xf32>
    %mul3A_28 = arith.mulf %add3A, %mul3A : vector<1000x64xf32>
    %get3A_29 = arith.constant 0 : index
    %get3A_30 = arith.constant 0 : index
    %get3A_31 = vector.load %arg4[%get3A_29, %get3A_30] : memref<64x64xf32, #tpu.memory_space<vmem>>, vector<64x64xf32>
    %dot_general3A = arith.constant dense<0.000000e+00> : vector<1000x64xf32>
    %dot_general3A_32 = tpu.matmul %get3A_27, %get3A_31, %dot_general3A {dimension_numbers = #tpu.dot_dimension_numbers<[1], [0], [0], [1], [0, 0, 1, 1], [], []>, transpose_lhs_hint = false} : vector<1000x64xf32>, vector<64x64xf32>, vector<1000x64xf32> -> vector<1000x64xf32>
    %add3A_33 = arith.addf %mul3A_28, %dot_general3A_32 : vector<1000x64xf32>
    %max3A_34 = arith.constant 0.000000e+00 : f32
    %max3A_35 = vector.broadcast %max3A_34 : f32 to vector<1000x64xf32>
    %max3A_36 = arith.maximumf %add3A_33, %max3A_35 : vector<1000x64xf32>
    %concatenate3A = tpu.concatenate %get3A_27, %max3A_36 in 1 : vector<1000x64xf32>, vector<1000x64xf32> -> vector<1000x128xf32>
    %swap3A = arith.constant 0 : index
    %swap3A_37 = arith.constant 0 : index
    %swap3A_38 = vector.load %arg5[%swap3A, %swap3A_37] : memref<1000x128xf32, #tpu.memory_space<vmem>>, vector<1000x128xf32>
    tpu.vector_store %arg5[%swap3A, %swap3A_37], %concatenate3A {strides = array<i32>} : memref<1000x128xf32, #tpu.memory_space<vmem>>, vector<1000x128xf32>,
    return
  }
  func.func @transform_0(%arg0: i32) -> (i32, i32, i32) {
    %c0_i32 = arith.constant 0 : i32
    %c0_i32_0 = arith.constant 0 : i32
    %c0_i32_1 = arith.constant 0 : i32
    return %c0_i32, %arg0, %c0_i32_0 : i32, i32, i32
  }
  func.func @transform_1(%arg0: i32) -> (i32, i32, i32) {
    %c0_i32 = arith.constant 0 : i32
    %c0_i32_0 = arith.constant 0 : i32
    %c0_i32_1 = arith.constant 0 : i32
    return %c0_i32, %arg0, %c0_i32_0 : i32, i32, i32
  }
  func.func @transform_2(%arg0: i32) -> (i32, i32) {
    %c0_i32 = arith.constant 0 : i32
    %c0_i32_0 = arith.constant 0 : i32
    return %arg0, %c0_i32 : i32, i32
  }
  func.func @transform_3(%arg0: i32) -> (i32, i32) {
    %c0_i32 = arith.constant 0 : i32
    %c0_i32_0 = arith.constant 0 : i32
    %c0_i32_1 = arith.constant 0 : i32
    return %c0_i32, %c0_i32_0 : i32, i32
  }
  func.func @transform_4(%arg0: i32) -> (i32, i32) {
    %c0_i32 = arith.constant 0 : i32
    %c0_i32_0 = arith.constant 0 : i32
    return %arg0, %c0_i32 : i32, i32
  }
}

module attributes {stable_mosaic.version = 14 : i64} {
  func.func @_decoder_body(%arg0: i32, %arg1: memref<1024x128xf32, #tpu.memory_space<vmem>>, %arg2: memref<1024x128xf32, #tpu.memory_space<vmem>>, %arg3: memref<1024x128xf32, #tpu.memory_space<vmem>>, %arg4: memref<1024x128xf32, #tpu.memory_space<vmem>>, %arg5: memref<2x1024x128xf32, #tpu.memory_space<vmem>>, %arg6: memref<1024x1xf32, #tpu.memory_space<vmem>>, %arg7: memref<1024x1xf32, #tpu.memory_space<vmem>>, %arg8: memref<16x32xf32, #tpu.memory_space<vmem>>, %arg9: memref<11x64xf32, #tpu.memory_space<vmem>>, %arg10: memref<128x128xf32, #tpu.memory_space<vmem>>, %arg11: memref<128x128xf32, #tpu.memory_space<vmem>>, %arg12: memref<32x128xf32, #tpu.memory_space<vmem>>, %arg13: memref<128x128xf32, #tpu.memory_space<vmem>>, %arg14: memref<128x128xf32, #tpu.memory_space<vmem>>, %arg15: memref<128x128xf32, #tpu.memory_space<vmem>>, %arg16: memref<1x128xf32, #tpu.memory_space<vmem>>, %arg17: memref<1x128xf32, #tpu.memory_space<vmem>>, %arg18: memref<128x64xf32, #tpu.memory_space<vmem>>, %arg19: memref<1x64xf32, #tpu.memory_space<vmem>>, %arg20: memref<1x64xf32, #tpu.memory_space<vmem>>, %arg21: memref<1x1xf32, #tpu.memory_space<vmem>>, %arg22: memref<128x128xf32, #tpu.memory_space<vmem>>, %arg23: memref<64x128xf32, #tpu.memory_space<vmem>>, %arg24: memref<1x128xf32, #tpu.memory_space<vmem>>, %arg25: memref<128x128xf32, #tpu.memory_space<vmem>>, %arg26: memref<64x128xf32, #tpu.memory_space<vmem>>, %arg27: memref<1x128xf32, #tpu.memory_space<vmem>>, %arg28: memref<1024x1xf32, #tpu.memory_space<vmem>>, %arg29: memref<1024x128xf32, #tpu.memory_space<vmem>>, %arg30: memref<1024x128xf32, #tpu.memory_space<vmem>>) attributes {dimension_semantics = [#tpu.dimension_semantics<arbitrary>], iteration_bounds = array<i64: 4>, scalar_prefetch = 0 : i64, scratch_operands = 0 : i64, tpu.core_type = #tpu.core_type<tc>, window_params = [{transform_indices = @transform_0, window_bounds = array<i64: 1024, 128>}, {transform_indices = @transform_1, window_bounds = array<i64: 1024, 128>}, {transform_indices = @transform_2, window_bounds = array<i64: 1024, 128>}, {transform_indices = @transform_3, window_bounds = array<i64: 1024, 128>}, {transform_indices = @transform_4, window_bounds = array<i64: 2, 1024, 128>}, {transform_indices = @transform_5, window_bounds = array<i64: 1024, 1>}, {transform_indices = @transform_6, window_bounds = array<i64: 1024, 1>}, {pipeline_mode = #tpu.pipeline_mode<synchronous>, transform_indices = @transform_7, window_bounds = array<i64: 16, 32>}, {pipeline_mode = #tpu.pipeline_mode<synchronous>, transform_indices = @transform_8, window_bounds = array<i64: 11, 64>}, {pipeline_mode = #tpu.pipeline_mode<synchronous>, transform_indices = @transform_9, window_bounds = array<i64: 128, 128>}, {pipeline_mode = #tpu.pipeline_mode<synchronous>, transform_indices = @transform_10, window_bounds = array<i64: 128, 128>}, {pipeline_mode = #tpu.pipeline_mode<synchronous>, transform_indices = @transform_11, window_bounds = array<i64: 32, 128>}, {pipeline_mode = #tpu.pipeline_mode<synchronous>, transform_indices = @transform_12, window_bounds = array<i64: 128, 128>}, {pipeline_mode = #tpu.pipeline_mode<synchronous>, transform_indices = @transform_13, window_bounds = array<i64: 128, 128>}, {pipeline_mode = #tpu.pipeline_mode<synchronous>, transform_indices = @transform_14, window_bounds = array<i64: 128, 128>}, {pipeline_mode = #tpu.pipeline_mode<synchronous>, transform_indices = @transform_15, window_bounds = array<i64: 1, 128>}, {pipeline_mode = #tpu.pipeline_mode<synchronous>, transform_indices = @transform_16, window_bounds = array<i64: 1, 128>}, {pipeline_mode = #tpu.pipeline_mode<synchronous>, transform_indices = @transform_17, window_bounds = array<i64: 128, 64>}, {pipeline_mode = #tpu.pipeline_mode<synchronous>, transform_indices = @transform_18, window_bounds = array<i64: 1, 64>}, {pipeline_mode = #tpu.pipeline_mode<synchronous>, transform_indices = @transform_19, window_bounds = array<i64: 1, 64>}, {pipeline_mode = #tpu.pipeline_mode<synchronous>, transform_indices = @transform_20, window_bounds = array<i64: 1, 1>}, {pipeline_mode = #tpu.pipeline_mode<synchronous>, transform_indices = @transform_21, window_bounds = array<i64: 128, 128>}, {pipeline_mode = #tpu.pipeline_mode<synchronous>, transform_indices = @transform_22, window_bounds = array<i64: 64, 128>}, {pipeline_mode = #tpu.pipeline_mode<synchronous>, transform_indices = @transform_23, window_bounds = array<i64: 1, 128>}, {pipeline_mode = #tpu.pipeline_mode<synchronous>, transform_indices = @transform_24, window_bounds = array<i64: 128, 128>}, {pipeline_mode = #tpu.pipeline_mode<synchronous>, transform_indices = @transform_25, window_bounds = array<i64: 64, 128>}, {pipeline_mode = #tpu.pipeline_mode<synchronous>, transform_indices = @transform_26, window_bounds = array<i64: 1, 128>}, {transform_indices = @transform_27, window_bounds = array<i64: 1024, 1>}, {transform_indices = @transform_28, window_bounds = array<i64: 1024, 128>}, {transform_indices = @transform_29, window_bounds = array<i64: 1024, 128>}]} {
    %get3A = arith.constant 0 : index
    %get3A_0 = arith.constant 0 : index
    %get3A_1 = arith.constant 0 : index
    %get3A_2 = vector.load %arg5[%get3A, %get3A_0, %get3A_1] : memref<2x1024x128xf32, #tpu.memory_space<vmem>>, vector<1x1024x128xf32>
    %get3A_3 = vector.shape_cast %get3A_2 : vector<1x1024x128xf32> to vector<1024x128xf32>
    %get3A_4 = arith.constant 1 : index
    %get3A_5 = arith.constant 0 : index
    %get3A_6 = arith.constant 0 : index
    %get3A_7 = vector.load %arg5[%get3A_4, %get3A_5, %get3A_6] : memref<2x1024x128xf32, #tpu.memory_space<vmem>>, vector<1x1024x128xf32>
    %get3A_8 = vector.shape_cast %get3A_7 : vector<1x1024x128xf32> to vector<1024x128xf32>
    %add3A = arith.addf %get3A_3, %get3A_8 : vector<1024x128xf32>
    %mul3A = arith.constant 1.000000e-01 : f32
    %mul3A_9 = vector.broadcast %mul3A : f32 to vector<1024x128xf32>
    %mul3A_10 = arith.mulf %add3A, %mul3A_9 : vector<1024x128xf32>
    %get3A_11 = arith.constant 0 : index
    %get3A_12 = arith.constant 0 : index
    %get3A_13 = vector.load %arg6[%get3A_11, %get3A_12] : memref<1024x1xf32, #tpu.memory_space<vmem>>, vector<1024x1xf32>
    %get3A_14 = arith.constant 0 : index
    %get3A_15 = arith.constant 0 : index
    %get3A_16 = vector.load %arg7[%get3A_14, %get3A_15] : memref<1024x1xf32, #tpu.memory_space<vmem>>, vector<1024x1xf32>
    %iota3A = tpu.iota {dimensions = array<i32: 1>} : vector<1024x16xi32>
    %convert_element_type3A = arith.sitofp %iota3A : vector<1024x16xi32> to vector<1024x16xf32>
    %eq3A = vector.broadcast %get3A_13 : vector<1024x1xf32> to vector<1024x16xf32>
    %eq3A_17 = arith.cmpf oeq, %eq3A, %convert_element_type3A : vector<1024x16xf32>
    %convert_element_type3A_18 = arith.extui %eq3A_17 : vector<1024x16xi1> to vector<1024x16xi32>
    %convert_element_type3A_19 = arith.sitofp %convert_element_type3A_18 : vector<1024x16xi32> to vector<1024x16xf32>
    %get3A_20 = arith.constant 0 : index
    %get3A_21 = arith.constant 0 : index
    %get3A_22 = vector.load %arg8[%get3A_20, %get3A_21] : memref<16x32xf32, #tpu.memory_space<vmem>>, vector<16x32xf32>
    %dot_general3A = arith.constant dense<0.000000e+00> : vector<1024x32xf32>
    %dot_general3A_23 = tpu.matmul %convert_element_type3A_19, %get3A_22, %dot_general3A {dimension_numbers = #tpu.dot_dimension_numbers<[1], [0], [0], [1], [0, 0, 1, 1], [], []>, transpose_lhs_hint = false} : vector<1024x16xf32>, vector<16x32xf32>, vector<1024x32xf32> -> vector<1024x32xf32>
    %iota3A_24 = tpu.iota {dimensions = array<i32: 1>} : vector<1024x11xi32>
    %convert_element_type3A_25 = arith.sitofp %iota3A_24 : vector<1024x11xi32> to vector<1024x11xf32>
    %eq3A_26 = vector.broadcast %get3A_16 : vector<1024x1xf32> to vector<1024x11xf32>
    %eq3A_27 = arith.cmpf oeq, %eq3A_26, %convert_element_type3A_25 : vector<1024x11xf32>
    %convert_element_type3A_28 = arith.extui %eq3A_27 : vector<1024x11xi1> to vector<1024x11xi32>
    %convert_element_type3A_29 = arith.sitofp %convert_element_type3A_28 : vector<1024x11xi32> to vector<1024x11xf32>
    %get3A_30 = arith.constant 0 : index
    %get3A_31 = arith.constant 0 : index
    %get3A_32 = vector.load %arg9[%get3A_30, %get3A_31] : memref<11x64xf32, #tpu.memory_space<vmem>>, vector<11x64xf32>
    %dot_general3A_33 = arith.constant dense<0.000000e+00> : vector<1024x64xf32>
    %dot_general3A_34 = tpu.matmul %convert_element_type3A_29, %get3A_32, %dot_general3A_33 {dimension_numbers = #tpu.dot_dimension_numbers<[1], [0], [0], [1], [0, 0, 1, 1], [], []>, transpose_lhs_hint = false} : vector<1024x11xf32>, vector<11x64xf32>, vector<1024x64xf32> -> vector<1024x64xf32>
    %get3A_35 = arith.constant 0 : index
    %get3A_36 = arith.constant 0 : index
    %get3A_37 = vector.load %arg1[%get3A_35, %get3A_36] : memref<1024x128xf32, #tpu.memory_space<vmem>>, vector<1024x128xf32>
    %get3A_38 = arith.constant 0 : index
    %get3A_39 = arith.constant 0 : index
    %get3A_40 = vector.load %arg10[%get3A_38, %get3A_39] : memref<128x128xf32, #tpu.memory_space<vmem>>, vector<128x128xf32>
    %dot_general3A_41 = arith.constant dense<0.000000e+00> : vector<1024x128xf32>
    %dot_general3A_42 = tpu.matmul %get3A_37, %get3A_40, %dot_general3A_41 {dimension_numbers = #tpu.dot_dimension_numbers<[1], [0], [0], [1], [0, 0, 1, 1], [], []>, transpose_lhs_hint = false} : vector<1024x128xf32>, vector<128x128xf32>, vector<1024x128xf32> -> vector<1024x128xf32>
    %get3A_43 = arith.constant 0 : index
    %get3A_44 = arith.constant 0 : index
    %get3A_45 = vector.load %arg2[%get3A_43, %get3A_44] : memref<1024x128xf32, #tpu.memory_space<vmem>>, vector<1024x128xf32>
    %get3A_46 = arith.constant 0 : index
    %get3A_47 = arith.constant 0 : index
    %get3A_48 = vector.load %arg11[%get3A_46, %get3A_47] : memref<128x128xf32, #tpu.memory_space<vmem>>, vector<128x128xf32>
    %dot_general3A_49 = arith.constant dense<0.000000e+00> : vector<1024x128xf32>
    %dot_general3A_50 = tpu.matmul %get3A_45, %get3A_48, %dot_general3A_49 {dimension_numbers = #tpu.dot_dimension_numbers<[1], [0], [0], [1], [0, 0, 1, 1], [], []>, transpose_lhs_hint = false} : vector<1024x128xf32>, vector<128x128xf32>, vector<1024x128xf32> -> vector<1024x128xf32>
    %add3A_51 = arith.addf %dot_general3A_42, %dot_general3A_50 : vector<1024x128xf32>
    %get3A_52 = arith.constant 0 : index
    %get3A_53 = arith.constant 0 : index
    %get3A_54 = vector.load %arg12[%get3A_52, %get3A_53] : memref<32x128xf32, #tpu.memory_space<vmem>>, vector<32x128xf32>
    %dot_general3A_55 = arith.constant dense<0.000000e+00> : vector<1024x128xf32>
    %dot_general3A_56 = tpu.matmul %dot_general3A_23, %get3A_54, %dot_general3A_55 {dimension_numbers = #tpu.dot_dimension_numbers<[1], [0], [0], [1], [0, 0, 1, 1], [], []>, transpose_lhs_hint = false} : vector<1024x32xf32>, vector<32x128xf32>, vector<1024x128xf32> -> vector<1024x128xf32>
    %add3A_57 = arith.addf %add3A_51, %dot_general3A_56 : vector<1024x128xf32>
    %get3A_58 = arith.constant 0 : index
    %get3A_59 = arith.constant 0 : index
    %get3A_60 = vector.load %arg13[%get3A_58, %get3A_59] : memref<128x128xf32, #tpu.memory_space<vmem>>, vector<128x128xf32>
    %dot_general3A_61 = arith.constant dense<0.000000e+00> : vector<1024x128xf32>
    %dot_general3A_62 = tpu.matmul %mul3A_10, %get3A_60, %dot_general3A_61 {dimension_numbers = #tpu.dot_dimension_numbers<[1], [0], [0], [1], [0, 0, 1, 1], [], []>, transpose_lhs_hint = false} : vector<1024x128xf32>, vector<128x128xf32>, vector<1024x128xf32> -> vector<1024x128xf32>
    %add3A_63 = arith.addf %add3A_57, %dot_general3A_62 : vector<1024x128xf32>
    %get3A_64 = arith.constant 0 : index
    %get3A_65 = arith.constant 0 : index
    %get3A_66 = vector.load %arg3[%get3A_64, %get3A_65] : memref<1024x128xf32, #tpu.memory_space<vmem>>, vector<1024x128xf32>
    %get3A_67 = arith.constant 0 : index
    %get3A_68 = arith.constant 0 : index
    %get3A_69 = vector.load %arg14[%get3A_67, %get3A_68] : memref<128x128xf32, #tpu.memory_space<vmem>>, vector<128x128xf32>
    %dot_general3A_70 = arith.constant dense<0.000000e+00> : vector<1024x128xf32>
    %dot_general3A_71 = tpu.matmul %get3A_66, %get3A_69, %dot_general3A_70 {dimension_numbers = #tpu.dot_dimension_numbers<[1], [0], [0], [1], [0, 0, 1, 1], [], []>, transpose_lhs_hint = false} : vector<1024x128xf32>, vector<128x128xf32>, vector<1024x128xf32> -> vector<1024x128xf32>
    %add3A_72 = arith.addf %add3A_63, %dot_general3A_71 : vector<1024x128xf32>
    %get3A_73 = arith.constant 0 : index
    %get3A_74 = arith.constant 0 : index
    %get3A_75 = vector.load %arg4[%get3A_73, %get3A_74] : memref<1024x128xf32, #tpu.memory_space<vmem>>, vector<1024x128xf32>
    %get3A_76 = arith.constant 0 : index
    %get3A_77 = arith.constant 0 : index
    %get3A_78 = vector.load %arg15[%get3A_76, %get3A_77] : memref<128x128xf32, #tpu.memory_space<vmem>>, vector<128x128xf32>
    %dot_general3A_79 = arith.constant dense<0.000000e+00> : vector<1024x128xf32>
    %dot_general3A_80 = tpu.matmul %get3A_75, %get3A_78, %dot_general3A_79 {dimension_numbers = #tpu.dot_dimension_numbers<[1], [0], [0], [1], [0, 0, 1, 1], [], []>, transpose_lhs_hint = false} : vector<1024x128xf32>, vector<128x128xf32>, vector<1024x128xf32> -> vector<1024x128xf32>
    %add3A_81 = arith.addf %add3A_72, %dot_general3A_80 : vector<1024x128xf32>
    %get3A_82 = arith.constant 0 : index
    %get3A_83 = arith.constant 0 : index
    %get3A_84 = vector.load %arg16[%get3A_82, %get3A_83] : memref<1x128xf32, #tpu.memory_space<vmem>>, vector<1x128xf32>
    %mul3A_85 = vector.broadcast %get3A_16 : vector<1024x1xf32> to vector<1024x128xf32>
    %mul3A_86 = vector.broadcast %get3A_84 : vector<1x128xf32> to vector<1024x128xf32>
    %mul3A_87 = arith.mulf %mul3A_85, %mul3A_86 : vector<1024x128xf32>
    %add3A_88 = arith.addf %add3A_81, %mul3A_87 : vector<1024x128xf32>
    %get3A_89 = arith.constant 0 : index
    %get3A_90 = arith.constant 0 : index
    %get3A_91 = vector.load %arg17[%get3A_89, %get3A_90] : memref<1x128xf32, #tpu.memory_space<vmem>>, vector<1x128xf32>
    %add3A_92 = vector.broadcast %get3A_91 : vector<1x128xf32> to vector<1024x128xf32>
    %add3A_93 = arith.addf %add3A_88, %add3A_92 : vector<1024x128xf32>
    %max3A = arith.constant 0.000000e+00 : f32
    %max3A_94 = vector.broadcast %max3A : f32 to vector<1024x128xf32>
    %max3A_95 = arith.maximumf %add3A_93, %max3A_94 : vector<1024x128xf32>
    %get3A_96 = arith.constant 0 : index
    %get3A_97 = arith.constant 0 : index
    %get3A_98 = vector.load %arg18[%get3A_96, %get3A_97] : memref<128x64xf32, #tpu.memory_space<vmem>>, vector<128x64xf32>
    %dot_general3A_99 = arith.constant dense<0.000000e+00> : vector<1024x64xf32>
    %dot_general3A_100 = tpu.matmul %max3A_95, %get3A_98, %dot_general3A_99 {dimension_numbers = #tpu.dot_dimension_numbers<[1], [0], [0], [1], [0, 0, 1, 1], [], []>, transpose_lhs_hint = false} : vector<1024x128xf32>, vector<128x64xf32>, vector<1024x64xf32> -> vector<1024x64xf32>
    %get3A_101 = arith.constant 0 : index
    %get3A_102 = arith.constant 0 : index
    %get3A_103 = vector.load %arg19[%get3A_101, %get3A_102] : memref<1x64xf32, #tpu.memory_space<vmem>>, vector<1x64xf32>
    %add3A_104 = vector.broadcast %get3A_103 : vector<1x64xf32> to vector<1024x64xf32>
    %add3A_105 = arith.addf %dot_general3A_100, %add3A_104 : vector<1024x64xf32>
    %max3A_106 = arith.constant 0.000000e+00 : f32
    %max3A_107 = vector.broadcast %max3A_106 : f32 to vector<1024x64xf32>
    %max3A_108 = arith.maximumf %add3A_105, %max3A_107 : vector<1024x64xf32>
    %get3A_109 = arith.constant 0 : index
    %get3A_110 = arith.constant 0 : index
    %get3A_111 = vector.load %arg20[%get3A_109, %get3A_110] : memref<1x64xf32, #tpu.memory_space<vmem>>, vector<1x64xf32>
    %mul3A_112 = vector.broadcast %get3A_111 : vector<1x64xf32> to vector<1024x64xf32>
    %mul3A_113 = arith.mulf %max3A_108, %mul3A_112 : vector<1024x64xf32>
    %reduce_sum3A = arith.constant dense<0.000000e+00> : vector<1024xf32>
    %reduce_sum3A_114 = vector.multi_reduction <add>, %mul3A_113, %reduce_sum3A [1] : vector<1024x64xf32> to vector<1024xf32>
    %broadcast_in_dim3A = vector.shape_cast %reduce_sum3A_114 : vector<1024xf32> to vector<1024x1xf32>
    %get3A_115 = arith.constant 0 : index
    %get3A_116 = arith.constant 0 : index
    %get3A_117 = vector.load %arg21[%get3A_115, %get3A_116] : memref<1x1xf32, #tpu.memory_space<vmem>>, vector<1x1xf32>
    %add3A_118 = vector.broadcast %get3A_117 : vector<1x1xf32> to vector<1024x1xf32>
    %add3A_119 = arith.addf %broadcast_in_dim3A, %add3A_118 : vector<1024x1xf32>
    %swap3A = arith.constant 0 : index
    %swap3A_120 = arith.constant 0 : index
    %swap3A_121 = vector.load %arg28[%swap3A, %swap3A_120] : memref<1024x1xf32, #tpu.memory_space<vmem>>, vector<1024x1xf32>
    tpu.vector_store %arg28[%swap3A, %swap3A_120], %add3A_119 {strides = array<i32>} : memref<1024x1xf32, #tpu.memory_space<vmem>>, vector<1024x1xf32>,
    %get3A_122 = arith.constant 0 : index
    %get3A_123 = arith.constant 0 : index
    %get3A_124 = vector.load %arg22[%get3A_122, %get3A_123] : memref<128x128xf32, #tpu.memory_space<vmem>>, vector<128x128xf32>
    %dot_general3A_125 = arith.constant dense<0.000000e+00> : vector<1024x128xf32>
    %dot_general3A_126 = tpu.matmul %mul3A_10, %get3A_124, %dot_general3A_125 {dimension_numbers = #tpu.dot_dimension_numbers<[1], [0], [0], [1], [0, 0, 1, 1], [], []>, transpose_lhs_hint = false} : vector<1024x128xf32>, vector<128x128xf32>, vector<1024x128xf32> -> vector<1024x128xf32>
    %get3A_127 = arith.constant 0 : index
    %get3A_128 = arith.constant 0 : index
    %get3A_129 = vector.load %arg23[%get3A_127, %get3A_128] : memref<64x128xf32, #tpu.memory_space<vmem>>, vector<64x128xf32>
    %dot_general3A_130 = arith.constant dense<0.000000e+00> : vector<1024x128xf32>
    %dot_general3A_131 = tpu.matmul %dot_general3A_34, %get3A_129, %dot_general3A_130 {dimension_numbers = #tpu.dot_dimension_numbers<[1], [0], [0], [1], [0, 0, 1, 1], [], []>, transpose_lhs_hint = false} : vector<1024x64xf32>, vector<64x128xf32>, vector<1024x128xf32> -> vector<1024x128xf32>
    %add3A_132 = arith.addf %dot_general3A_126, %dot_general3A_131 : vector<1024x128xf32>
    %get3A_133 = arith.constant 0 : index
    %get3A_134 = arith.constant 0 : index
    %get3A_135 = vector.load %arg24[%get3A_133, %get3A_134] : memref<1x128xf32, #tpu.memory_space<vmem>>, vector<1x128xf32>
    %add3A_136 = vector.broadcast %get3A_135 : vector<1x128xf32> to vector<1024x128xf32>
    %add3A_137 = arith.addf %add3A_132, %add3A_136 : vector<1024x128xf32>
    %swap3A_138 = arith.constant 0 : index
    %swap3A_139 = arith.constant 0 : index
    %swap3A_140 = vector.load %arg29[%swap3A_138, %swap3A_139] : memref<1024x128xf32, #tpu.memory_space<vmem>>, vector<1024x128xf32>
    tpu.vector_store %arg29[%swap3A_138, %swap3A_139], %add3A_137 {strides = array<i32>} : memref<1024x128xf32, #tpu.memory_space<vmem>>, vector<1024x128xf32>,
    %get3A_141 = arith.constant 0 : index
    %get3A_142 = arith.constant 0 : index
    %get3A_143 = vector.load %arg25[%get3A_141, %get3A_142] : memref<128x128xf32, #tpu.memory_space<vmem>>, vector<128x128xf32>
    %dot_general3A_144 = arith.constant dense<0.000000e+00> : vector<1024x128xf32>
    %dot_general3A_145 = tpu.matmul %mul3A_10, %get3A_143, %dot_general3A_144 {dimension_numbers = #tpu.dot_dimension_numbers<[1], [0], [0], [1], [0, 0, 1, 1], [], []>, transpose_lhs_hint = false} : vector<1024x128xf32>, vector<128x128xf32>, vector<1024x128xf32> -> vector<1024x128xf32>
    %get3A_146 = arith.constant 0 : index
    %get3A_147 = arith.constant 0 : index
    %get3A_148 = vector.load %arg26[%get3A_146, %get3A_147] : memref<64x128xf32, #tpu.memory_space<vmem>>, vector<64x128xf32>
    %dot_general3A_149 = arith.constant dense<0.000000e+00> : vector<1024x128xf32>
    %dot_general3A_150 = tpu.matmul %dot_general3A_34, %get3A_148, %dot_general3A_149 {dimension_numbers = #tpu.dot_dimension_numbers<[1], [0], [0], [1], [0, 0, 1, 1], [], []>, transpose_lhs_hint = false} : vector<1024x64xf32>, vector<64x128xf32>, vector<1024x128xf32> -> vector<1024x128xf32>
    %add3A_151 = arith.addf %dot_general3A_145, %dot_general3A_150 : vector<1024x128xf32>
    %get3A_152 = arith.constant 0 : index
    %get3A_153 = arith.constant 0 : index
    %get3A_154 = vector.load %arg27[%get3A_152, %get3A_153] : memref<1x128xf32, #tpu.memory_space<vmem>>, vector<1x128xf32>
    %add3A_155 = vector.broadcast %get3A_154 : vector<1x128xf32> to vector<1024x128xf32>
    %add3A_156 = arith.addf %add3A_151, %add3A_155 : vector<1024x128xf32>
    %swap3A_157 = arith.constant 0 : index
    %swap3A_158 = arith.constant 0 : index
    %swap3A_159 = vector.load %arg30[%swap3A_157, %swap3A_158] : memref<1024x128xf32, #tpu.memory_space<vmem>>, vector<1024x128xf32>
    tpu.vector_store %arg30[%swap3A_157, %swap3A_158], %add3A_156 {strides = array<i32>} : memref<1024x128xf32, #tpu.memory_space<vmem>>, vector<1024x128xf32>,
    return
  }
  func.func @transform_0(%arg0: i32) -> (i32, i32) {
    %c0_i32 = arith.constant 0 : i32
    %c0_i32_0 = arith.constant 0 : i32
    return %arg0, %c0_i32 : i32, i32
  }
  func.func @transform_1(%arg0: i32) -> (i32, i32) {
    %c0_i32 = arith.constant 0 : i32
    %c0_i32_0 = arith.constant 0 : i32
    return %arg0, %c0_i32 : i32, i32
  }
  func.func @transform_2(%arg0: i32) -> (i32, i32) {
    %c0_i32 = arith.constant 0 : i32
    %c0_i32_0 = arith.constant 0 : i32
    return %arg0, %c0_i32 : i32, i32
  }
  func.func @transform_3(%arg0: i32) -> (i32, i32) {
    %c0_i32 = arith.constant 0 : i32
    %c0_i32_0 = arith.constant 0 : i32
    return %arg0, %c0_i32 : i32, i32
  }
  func.func @transform_4(%arg0: i32) -> (i32, i32, i32) {
    %c0_i32 = arith.constant 0 : i32
    %c0_i32_0 = arith.constant 0 : i32
    %c0_i32_1 = arith.constant 0 : i32
    return %c0_i32, %arg0, %c0_i32_0 : i32, i32, i32
  }
  func.func @transform_5(%arg0: i32) -> (i32, i32) {
    %c0_i32 = arith.constant 0 : i32
    %c0_i32_0 = arith.constant 0 : i32
    return %arg0, %c0_i32 : i32, i32
  }
  func.func @transform_6(%arg0: i32) -> (i32, i32) {
    %c0_i32 = arith.constant 0 : i32
    %c0_i32_0 = arith.constant 0 : i32
    return %arg0, %c0_i32 : i32, i32
  }
  func.func @transform_7(%arg0: i32) -> (i32, i32) {
    %c0_i32 = arith.constant 0 : i32
    %c0_i32_0 = arith.constant 0 : i32
    %c0_i32_1 = arith.constant 0 : i32
    return %c0_i32, %c0_i32_0 : i32, i32
  }
  func.func @transform_8(%arg0: i32) -> (i32, i32) {
    %c0_i32 = arith.constant 0 : i32
    %c0_i32_0 = arith.constant 0 : i32
    %c0_i32_1 = arith.constant 0 : i32
    return %c0_i32, %c0_i32_0 : i32, i32
  }
  func.func @transform_9(%arg0: i32) -> (i32, i32) {
    %c0_i32 = arith.constant 0 : i32
    %c0_i32_0 = arith.constant 0 : i32
    %c0_i32_1 = arith.constant 0 : i32
    return %c0_i32, %c0_i32_0 : i32, i32
  }
  func.func @transform_10(%arg0: i32) -> (i32, i32) {
    %c0_i32 = arith.constant 0 : i32
    %c0_i32_0 = arith.constant 0 : i32
    %c0_i32_1 = arith.constant 0 : i32
    return %c0_i32, %c0_i32_0 : i32, i32
  }
  func.func @transform_11(%arg0: i32) -> (i32, i32) {
    %c0_i32 = arith.constant 0 : i32
    %c0_i32_0 = arith.constant 0 : i32
    %c0_i32_1 = arith.constant 0 : i32
    return %c0_i32, %c0_i32_0 : i32, i32
  }
  func.func @transform_12(%arg0: i32) -> (i32, i32) {
    %c0_i32 = arith.constant 0 : i32
    %c0_i32_0 = arith.constant 0 : i32
    %c0_i32_1 = arith.constant 0 : i32
    return %c0_i32, %c0_i32_0 : i32, i32
  }
  func.func @transform_13(%arg0: i32) -> (i32, i32) {
    %c0_i32 = arith.constant 0 : i32
    %c0_i32_0 = arith.constant 0 : i32
    %c0_i32_1 = arith.constant 0 : i32
    return %c0_i32, %c0_i32_0 : i32, i32
  }
  func.func @transform_14(%arg0: i32) -> (i32, i32) {
    %c0_i32 = arith.constant 0 : i32
    %c0_i32_0 = arith.constant 0 : i32
    %c0_i32_1 = arith.constant 0 : i32
    return %c0_i32, %c0_i32_0 : i32, i32
  }
  func.func @transform_15(%arg0: i32) -> (i32, i32) {
    %c0_i32 = arith.constant 0 : i32
    %c0_i32_0 = arith.constant 0 : i32
    %c0_i32_1 = arith.constant 0 : i32
    return %c0_i32, %c0_i32_0 : i32, i32
  }
  func.func @transform_16(%arg0: i32) -> (i32, i32) {
    %c0_i32 = arith.constant 0 : i32
    %c0_i32_0 = arith.constant 0 : i32
    %c0_i32_1 = arith.constant 0 : i32
    return %c0_i32, %c0_i32_0 : i32, i32
  }
  func.func @transform_17(%arg0: i32) -> (i32, i32) {
    %c0_i32 = arith.constant 0 : i32
    %c0_i32_0 = arith.constant 0 : i32
    %c0_i32_1 = arith.constant 0 : i32
    return %c0_i32, %c0_i32_0 : i32, i32
  }
  func.func @transform_18(%arg0: i32) -> (i32, i32) {
    %c0_i32 = arith.constant 0 : i32
    %c0_i32_0 = arith.constant 0 : i32
    %c0_i32_1 = arith.constant 0 : i32
    return %c0_i32, %c0_i32_0 : i32, i32
  }
  func.func @transform_19(%arg0: i32) -> (i32, i32) {
    %c0_i32 = arith.constant 0 : i32
    %c0_i32_0 = arith.constant 0 : i32
    %c0_i32_1 = arith.constant 0 : i32
    return %c0_i32, %c0_i32_0 : i32, i32
  }
  func.func @transform_20(%arg0: i32) -> (i32, i32) {
    %c0_i32 = arith.constant 0 : i32
    %c0_i32_0 = arith.constant 0 : i32
    %c0_i32_1 = arith.constant 0 : i32
    return %c0_i32, %c0_i32_0 : i32, i32
  }
  func.func @transform_21(%arg0: i32) -> (i32, i32) {
    %c0_i32 = arith.constant 0 : i32
    %c0_i32_0 = arith.constant 0 : i32
    %c0_i32_1 = arith.constant 0 : i32
    return %c0_i32, %c0_i32_0 : i32, i32
  }
  func.func @transform_22(%arg0: i32) -> (i32, i32) {
    %c0_i32 = arith.constant 0 : i32
    %c0_i32_0 = arith.constant 0 : i32
    %c0_i32_1 = arith.constant 0 : i32
    return %c0_i32, %c0_i32_0 : i32, i32
  }
  func.func @transform_23(%arg0: i32) -> (i32, i32) {
    %c0_i32 = arith.constant 0 : i32
    %c0_i32_0 = arith.constant 0 : i32
    %c0_i32_1 = arith.constant 0 : i32
    return %c0_i32, %c0_i32_0 : i32, i32
  }
  func.func @transform_24(%arg0: i32) -> (i32, i32) {
    %c0_i32 = arith.constant 0 : i32
    %c0_i32_0 = arith.constant 0 : i32
    %c0_i32_1 = arith.constant 0 : i32
    return %c0_i32, %c0_i32_0 : i32, i32
  }
  func.func @transform_25(%arg0: i32) -> (i32, i32) {
    %c0_i32 = arith.constant 0 : i32
    %c0_i32_0 = arith.constant 0 : i32
    %c0_i32_1 = arith.constant 0 : i32
    return %c0_i32, %c0_i32_0 : i32, i32
  }
  func.func @transform_26(%arg0: i32) -> (i32, i32) {
    %c0_i32 = arith.constant 0 : i32
    %c0_i32_0 = arith.constant 0 : i32
    %c0_i32_1 = arith.constant 0 : i32
    return %c0_i32, %c0_i32_0 : i32, i32
  }
  func.func @transform_27(%arg0: i32) -> (i32, i32) {
    %c0_i32 = arith.constant 0 : i32
    %c0_i32_0 = arith.constant 0 : i32
    return %arg0, %c0_i32 : i32, i32
  }
  func.func @transform_28(%arg0: i32) -> (i32, i32) {
    %c0_i32 = arith.constant 0 : i32
    %c0_i32_0 = arith.constant 0 : i32
    return %arg0, %c0_i32 : i32, i32
  }
  func.func @transform_29(%arg0: i32) -> (i32, i32) {
    %c0_i32 = arith.constant 0 : i32
    %c0_i32_0 = arith.constant 0 : i32
    return %arg0, %c0_i32 : i32, i32
  }
}

</mosaic_0001>

<sc_bundles>
// kernel: kernel.12.cloned.1.call-start
scs
__scs_entry_jumppad:
0x0: {  	(pc) =	sbr.rel $0x88, $3  }
0x1: {  	(tag) =	ssettag $0x0;
	lr =	simm.s32 $0x1  }
0x2: {  	[smem:$0x3F89] =	sst lr;
	_ =	strace $0xD0000000  }
0x3: {  	_ = 	snop  }
0x4: {  	_ = 	snop  }
0x5: {  	_ = 	snop  }
0x6: {  	_ = 	snop  }
0x7: {  	_ = 	snop  }
__scs_overlays_trampoline_lowered:
0x8: {  	[smem:$0x3F98] =	sst s0  }
0x9: {  	[smem:$0x3F99] =	sst s1  }
0xa: {  	[smem:$0x3F9A] =	sst s2  }
0xb: {  	[smem:$0x3F9B] =	sst s3  }
0xc: {  	[smem:$0x3F9C] =	sst s4  }
0xd: {  	[smem:$0x3F9D] =	sst s5  }
0xe: {  	[smem:$0x3F9E] =	sst s6  }
0xf: {  	[smem:$0x3F9F] =	sst s7  }
0x10: {  	[smem:$0x3FA0] =	sst s8  }
0x11: {  	[smem:$0x3FA1] =	sst s9;
	s0 =	simm.s32 @!p0 $0x0  }
0x12: {  	s1 =	sld [smem:$0x3F87];
	s0 =	simm.s32 @p0 $0x1  }
0x13: {  	[smem:$0x3FA2] =	sst s0;
	s0 =	simm.s32 @!p1 $0x0  }
0x14: {  	s2 =	sld [smem:$0x3F86];
	s0 =	simm.s32 @p1 $0x1  }
0x15: {  	[smem:$0x3FA3] =	sst s0;
	s0 =	simm.s32 @!p2 $0x0  }
0x16: {  	s3 =	sld [smem:$0x3FDB];
	s0 =	simm.s32 @p2 $0x1  }
0x17: {  	s4 =	simm.s32 $0x1BF5;
	[smem:$0x3FA5] =	sst s0  }
0x18: {  	s0 =	sld [smem:$0x3F88];
	_ =	swait.ge [sflag:s4], $0x0  }
0x19: {  	s7 =	sld [smem:$0x3F89]  }
0x1a: {  	s8 =	sadd.s32 $0xFFFFE003, lr  }
0x1b: {  	s9 =	sadd.s32 $0xFFFFFEF7, lr;
	s5 =	simm.s32 $0xFFFFFFFF;
	p2 =	slt.u32 s8, $0xFFFFF086  }
0x1c: {  	p1 =	slt.u32 s9, $0xF7A;
	s5 =	simm.s32 @!p2 $0x0  }
0x1d: {  	s5 =	simm.s32 @p1 $0x1;
	p0 =	seq.s32 s7, s2  }
0x1e: {  	s7 =	smul.u32 @!p0 $0xF7A, s2;
	p2 =	seq.s32 @!p0 s5, $0x0  }
0x1f: {  	s9 =	smul.u32 $0xF7A, s1;
	s8 =	simm.s32 @!p0 $0x1BF5;
	p2 =	por !p2, p0  }
0x20: {  	[sflag:s8] =	ssyncset.s32 @!p0 $0xFFFFF086;
	s6 =	sadd.s32 @!p0 s3, s7;
	s7 =	simm.s32 @!p0 $0x108  }
0x21: {  	s3 =	sadd.s32 s3, s9;
	s6 =	sadd.s32 @!p0 $0x88, s6;
	s7 =	simm.s32 @p2 $0x1082  }
0x22: {  	[simem:s7], [sflag:s8] =	dma.local @!p0 [hbm:s6], $0xF7A  }
0x23: {  	s9 =	sor.u32 $0xD0000000, s2;
	s6 =	simm.s32 $0x108;
	_ =	swait.ge @!p0 [sflag:s8], $0x0  }
0x24: {  	s3 =	sadd.s32 $0x88, s3;
	s6 =	simm.s32 @!p1 $0x1082;
	[sflag:s4] =	ssyncset.s32 $0xFFFFF086  }
0x25: {  	[simem:s6], [sflag:s4] =	dma.local [hbm:s3], $0xF7A  }
0x26: {  	[smem:$0x3F89] =	sst s1;
	(tag) =	ssettag s2;
	_ =	strace s9  }
0x27: {  	s1 =	sld [smem:$0x3F99]  }
0x28: {  	s2 =	sld [smem:$0x3F9A]  }
0x29: {  	s4 =	sld [smem:$0x3F9C]  }
0x2a: {  	p0 =	seq.s32 s5, $0x0;
	s5 =	sld [smem:$0x3F9D]  }
0x2b: {  	s6 =	sld [smem:$0x3F9E]  }
0x2c: {  	s7 =	sld [smem:$0x3F9F]  }
0x2d: {  	s3 =	simm.s32 $0x108;
	s8 =	sld [smem:$0x3FA0]  }
0x2e: {  	s3 =	simm.s32 @!p0 $0x1082;
	s9 =	sld [smem:$0x3FA1]  }
0x2f: {  	lr =	sadd.s32 s0, s3;
	s0 =	sld [smem:$0x3F98]  }
0x30: {  	s3 =	sld [smem:$0x3F9B]  }
0x31: {  	[smem:$0x3FA4] =	sst s10  }
0x32: {  	s10 =	sld [smem:$0x3FA2];
	_ =	sdelay $0x3  }
0x33: {  	p0 =	seq.s32 s10, $0x1;
	s10 =	sld [smem:$0x3FA4];
	_ =	sdelay $0x3  }
0x34: {  	[smem:$0x3FA4] =	sst s10  }
0x35: {  	s10 =	sld [smem:$0x3FA3];
	_ =	sdelay $0x3  }
0x36: {  	p1 =	seq.s32 s10, $0x1;
	s10 =	sld [smem:$0x3FA4];
	_ =	sdelay $0x3  }
0x37: {  	[smem:$0x3FA4] =	sst s10  }
0x38: {  	s10 =	sld [smem:$0x3FA5]  }
0x39: {  	_ = 	snop;
	(pc) =	sbr.ind lr, $3  }
0x3a: {  	_ = 	snop  }
0x3b: {  	_ = 	snop  }
0x3c: {  	p2 =	seq.s32 s10, $0x1;
	s10 =	sld [smem:$0x3FA4]  }
0x3d: {  	_ =	shalt  }
0x3e: {  	_ =	shalt  }
0x3f: {  	_ =	shalt  }
0x40: {  	_ =	shalt  }
0x41: {  	_ =	shalt  }
0x42: {  	_ =	shalt  }
0x43: {  	_ =	shalt  }
0x44: {  	_ =	shalt  }
0x45: {  	_ =	shalt  }
0x46: {  	_ =	shalt  }
0x47: {  	_ =	shalt  }
0x48: {  	_ =	shalt  }
0x49: {  	_ =	shalt  }
0x4a: {  	_ =	shalt  }
0x4b: {  	_ =	shalt  }
0x4c: {  	_ =	shalt  }
0x4d: {  	_ =	shalt  }
0x4e: {  	_ =	shalt  }
0x4f: {  	_ =	shalt  }
0x50: {  	_ =	shalt  }
0x51: {  	_ =	shalt  }
0x52: {  	_ =	shalt  }
0x53: {  	_ =	shalt  }
0x54: {  	_ =	shalt  }
0x55: {  	_ =	shalt  }
0x56: {  	_ =	shalt  }
0x57: {  	_ =	shalt  }
0x58: {  	_ =	shalt  }
0x59: {  	_ =	shalt  }
0x5a: {  	_ =	shalt  }
0x5b: {  	_ =	shalt  }
0x5c: {  	_ =	shalt  }
0x5d: {  	_ =	shalt  }
0x5e: {  	_ =	shalt  }
0x5f: {  	_ =	shalt  }
0x60: {  	_ =	shalt  }
0x61: {  	_ =	shalt  }
0x62: {  	_ =	shalt  }
0x63: {  	_ =	shalt  }
0x64: {  	_ =	shalt  }
0x65: {  	_ =	shalt  }
0x66: {  	_ =	shalt  }
0x67: {  	_ =	shalt  }
0x68: {  	_ =	shalt  }
0x69: {  	_ =	shalt  }
0x6a: {  	_ =	shalt  }
0x6b: {  	_ =	shalt  }
0x6c: {  	_ =	shalt  }
0x6d: {  	_ =	shalt  }
0x6e: {  	_ =	shalt  }
0x6f: {  	_ =	shalt  }
0x70: {  	_ =	shalt  }
0x71: {  	_ =	shalt  }
0x72: {  	_ =	shalt  }
0x73: {  	_ =	shalt  }
0x74: {  	_ =	shalt  }
0x75: {  	_ =	shalt  }
0x76: {  	_ =	shalt  }
0x77: {  	_ =	shalt  }
0x78: {  	_ =	shalt  }
0x79: {  	_ =	shalt  }
0x7a: {  	_ =	shalt  }
0x7b: {  	_ =	shalt  }
0x7c: {  	_ =	shalt  }
0x7d: {  	_ =	shalt  }
0x7e: {  	_ =	shalt  }
0x7f: {  	_ =	shalt  }
0x80: {  	_ =	shalt  }
0x81: {  	_ =	shalt  }
0x82: {  	_ =	shalt  }
0x83: {  	_ =	shalt  }
0x84: {  	_ =	shalt  }
0x85: {  	_ =	shalt  }
0x86: {  	_ =	shalt  }
0x87: {  	_ =	shalt  }
.Lfunc_end0:
.L_simem_size_0:
called_computation.3_lowered:
.L_overlay_start_0:
0x88: {  	s2 =	sld [smem:$0x3FD9]  }
0x89: {  	s3 =	sld [smem:$0x3FFE];
	_ =	sdelay $0x1  }
0x8a: {  	s1 =	srdreg.scid  }
0x8b: {  	s0 =	sand.u32 $0x1, s1  }
0x8c: {  	s16 =	sshll.u32 s0, $0xA;
	s2 =	sadd.s32 s3, s2  }
0x8d: {  	s2 =	sadd.s32 s2, s16  }
0x8e: {  	[smem:$0x3FB0] =	sst s2  }
0x8f: {  	_ = 	snop  }
0x90: {  	(tm) =	ssettm $0x1  }
0x91: {  	s17 =	sld [smem:$0x3FFB];
	_ =	sdelay $0x3  }
0x92: {  	_ =	strace s17  }
0x93: {  	s2 =	sld [smem:$0x3FFC];
	_ =	sdelay $0x3  }
0x94: {  	_ =	strace s2  }
0x95: {  	s2 =	sld [smem:$0x3FFD];
	_ =	sdelay $0x3  }
0x96: {  	_ =	strace s2  }
0x97: {  	_ =	strace $0x8FFFFFFF  }
0x98: {  	s18 =	sld [smem:$0x3FDB];
	_ =	sdelay $0x1  }
0x99: {  	s19 =	simm.s32 $_scs_section_size  }
0x9a: {  	s4 =	simm.s32 $_size__tile_overlayer_lowered;
	s5 =	simm.s32 $_tile_overlayer_lowered  }
0x9b: {  	s22 =	simm.s32 $0x1BFF;
	s21 =	sshll.u32 s5, $0x1;
	s2 =	sadd.s32 s19, s18  }
0x9c: {  	s6 =	simm.s32 $0x0;
	s20 =	sshll.u32 s4, $0x1;
	s4 =	sadd.s32 s21, s2  }
0x9d: {  	[timem:s6], [sflag:s22] =	dma.local [hbm:s4], s20  }
0x9e: {  	_ =	swait.ge [sflag:s22], s20  }
0x9f: {  	s3 =	ssub.s32 $0x0, s20;
	[sflag:s22] =	ssyncset.done $0x0  }
0xa0: {  	[sflag:s22] =	ssyncadd.s32 s3;
	_ =	sdelay $0x1  }
0xa1: {  	s23 =	simm.s32 $0x1B8B  }
0xa2: {  	_ =	swait.ge [sflag:s23], $0x1  }
0xa3: {  	[sflag:s23] =	ssyncset.done $0x0  }
0xa4: {  	s25 =	simm.s32 $0x1B8E;
	s24 =	sld [smem:$0x3FFE];
	[sflag:s23] =	ssyncadd.s32 $0xFFFFFFFF  }
0xa5: {  	s26 =	simm.s32 $execute0_lowered;
	[smem:$0x3FD2] =	sst s25  }
0xa6: {  	s4 =	sshll.u32 s26, $0x1;
	_ =	strace $0x8000004F;
	[dreg:$0x1] =	wrdreg $0xFFFFFFFF  }
0xa7: {  	s28 =	simm.s32 $_size_execute0_lowered;
	s2 =	sadd.s32 s2, s4;
	[dreg:$0x0] =	wrdreg $0x0  }
0xa8: {  	s4 =	sshll.u32 s28, $0x1;
	[dreg:$0x2] =	wrdreg s2  }
0xa9: {  	[dreg:$0x3] =	wrdreg s4  }
0xaa: {  	[dreg:$0x4] =	wrdreg $0xC0  }
0xab: {  	_ =	task [dreg:s6], $0x5FFFF  }
0xac: {  	[dreg:$0x1] =	wrdreg $0xFFFFFFFF  }
0xad: {  	[dreg:$0x0] =	wrdreg $0x60  }
0xae: {  	[dreg:$0x2] =	wrdreg s24  }
0xaf: {  	[dreg:$0x3] =	wrdreg $0xBD000  }
0xb0: {  	[dreg:$0x4] =	wrdreg $0x9  }
0xb1: {  	_ =	task.clear_ibuf [dreg:s6], $0x5FFFF;
	_ =	strace $0x9000004F  }
0xb2: {  	s29 =	simm.s32 $0x9;
	_ =	strace $0x80000051  }
0xb3: {  	_ =	swait.ge [sflag:s29], $0x1  }
0xb4: {  	[sflag:s29] =	ssyncadd.s32 $0xFFFFFFFF  }
0xb5: {  	_ =	strace $0x90000051  }
0xb6: {  	_ =	sfence  }
0xb7: {  	s30 =	sld [smem:$0x0];
	_ =	sdelay $0x2  }
0xb8: {  	s31 =	sshll.u32 s1, $0xD;
	s1 =	sshrl.u32 s1, $0x2  }
0xb9: {  	s3 =	sand.u32 $0x4000, s31;
	s1 =	sadd.s32 s1, s30  }
0xba: {  	s0 =	sor.u32 s3, s0;
	s1 =	sshll.u32 s1, $0x11  }
0xbb: {  	s0 =	sor.u32 s1, s0  }
0xbc: {  	s0 =	sadd.s32 $0x8F2B, s0  }
0xbd: {  	[sflag:s0] =	ssyncadd.remote.s32 $0x1  }
0xbe: {  	_ =	sfence.sel $0xFFFF  }
0xbf: {  	[dreg:$0x0] =	wrdreg $0xFFFFFFFF;
	(pc) =	sbr.abs _section_cstart, $3  }
0xc0: {  	[dreg:$0x1] =	wrdreg $0xFFFFFFFF  }
0xc1: {  	_ =	task.clear_ibuf [dreg:s6], $0x2FFFF;
	_ =	strace $0x9FFFFFFF  }
0xc2: {  	(tm) =	ssettm $0x7FFFFFFF  }
0xc3: {  	_ =	shalt  }
tec
execute0_lowered:
.L_overlay_start_1:
0x0: {  	(tag) =	ssettag $0x1  }
0x1: {  	s1 =	srdreg.scid  }
0x2: {  	s0 =	stileid.u32;
	s6 =	rddreg [dreg:$0x0]  }
0x3: {  	s2 =	rddreg [dreg:$0x1];
	s3 =	simm.s32 $0x0;
	s14 =	simm.s32 $0x80  }
0x4: {  	s15 =	simm.s32 $0x9D00;
	s16 =	simm.s32 $0x1;
	s17 =	simm.s32 $0x0  }
0x5: {  	s5 =	sand.u32 $0x1, s1;
	s28 =	sshll.u32 s0, $0x1;
	s8 =	smul.u32 $0x9E00, s0  }
0x6: {  	[smem:$0x7FF] =	sst s3;
	s4 =	sadd.s32 $0x29E400, s6;
	s31 =	sshll.u32 s0, $0x6  }
0x7: {  	s1 =	sor.u32 s5, s28;
	s9 =	smul.u32 $0x9E000, s5;
	s5 =	ssub.s32 $0x2, s5  }
0x8: {  	s7 =	smul.u32 $0x9D0, s1;
	s1 =	rddreg [dreg:$0x2];
	_ =	strace $0x80000050  }
0x9: {  	s30 =	sshrl.u32 s8, $0x3;
	s11 =	sshrl.u32 s5, $0x1;
	s13 =	sadd.s32 s8, s2  }
0xa: {  	s29 =	sadd.s32 s8, s9;
	s9 =	sadd.s32 s30, s6;
	s11 =	ssub.s32 s5, s11  }
0xb: {  	s10 =	sadd.s32 s7, s6;
	s7 =	sshrl.u32 s29, $0x3;
	s5 =	sadd.s32 $0x6000, s9  }
0xc: {  	s12 =	sadd.s32 s7, s6;
	s6 =	sor.u32 $0x1C02, s31;
	s7 =	sadd.s32 $0x28AA00, s10  }
0xd: {  	s8 =	sadd.s32 $0x277000, s10;
	s10 =	smax.u32 s11, $0x1;
	s11 =	sshrl.u32 s13, $0x3  }
0xe: {  	s13 =	simm.s32 $0x4E80;
	s9 =	sadd.s32 $0x19C00, s12;
	s12 =	simm.s32 $0x2  }
.LBB2_1:
0xf: {  	[spmem:s11], [sflag:s6] =	dma.local [hbm:s5], $0x13C0  }
0x10: {  	_ =	swait.ge [sflag:s12], $0x13C0  }
0x11: {  	[sflag:s12] =	ssyncset.done $0x0  }
0x12: {  	[sflag:s12] =	ssyncadd.s32 $0xFFFFEC40  }
0x13: {  	[tilespmem:s3], [sflag:$0x2] =	stream.linear.gather [hbm4b:s7+s3], $0x4E80, $0x38;
	[tilespmem:$0x15B00] =	vst v63  }
0x14: {  	_ =	swait.ge [sflag:s12], $0x4E80  }
0x15: {  	[sflag:s12] =	ssyncset.done $0x0  }
0x16: {  	[sflag:s12] =	ssyncadd.s32 $0xFFFFB180  }
0x17: {  	[tilespmem:s13], [sflag:$0x2] =	stream.linear.gather [hbm4b:s8+s3], $0x4E80, $0x38;
	[tilespmem:$0x15B00] =	vst v63  }
0x18: {  	_ =	swait.ge [sflag:s12], $0x4E80  }
0x19: {  	[sflag:s12] =	ssyncset.done $0x0  }
0x1a: {  	[sflag:s12] =	ssyncadd.s32 $0xFFFFB180  }
0x1b: {  	s18 =	simm.s32 $0x0;
	[bflag:$0x0] =	sbarrier.arrive $0xFFFF  }
0x1c: {  	[tilespmem:s15], [sflag:$0x1] =	stream.indirect.gather [hbm4b:s4+s14], $0x40, s18, s14, $0xb8;
	[tilespmem:$0x15B00] =	vst v63  }
0x1d: {  	_ =	swait.ge [sflag:s16], $0x2000  }
0x1e: {  	[sflag:s16] =	ssyncset.done $0x0  }
0x1f: {  	s31 =	simm.s32 $0x4E80;
	[sflag:s16] =	ssyncadd.s32 $0xFFFFE000  }
0x20: {  	[spmem:s2] =	stream.indirect.scatter.add.f32 [tilespmem:s15], [sflag:$0x2], $0x40, s31, s14, $0xb8;
	[tilespmem:$0x15B00] =	vst v63  }
0x21: {  	_ =	swait.ge [sflag:s12], $0x2000  }
0x22: {  	s19 =	simm.s32 $0x400;
	s18 =	simm.s32 $0x200;
	[sflag:s12] =	ssyncset.done $0x0  }
.LBB2_2:
0x23: {  	s20 =	sshra.s32 s18, $0x2  }
0x24: {  	[sflag:s12] =	ssyncadd.s32 $0xFFFFE000;
	s18 =	smov.u32 s19;
	s21 =	sadd.s32 $0x200, s19  }
0x25: {  	[tilespmem:s15], [sflag:$0x1] =	stream.indirect.gather [hbm4b:s4+s14], $0x40, s20, s14, $0xb8;
	[tilespmem:$0x15B00] =	vst v63  }
0x26: {  	p0 =	sne.s32 s19, $0x13800;
	_ =	swait.ge [sflag:s16], $0x2000  }
.Ltmp0:
0x27: {  	[sflag:s16] =	ssyncset.done $0x0;
	(pc) =	sbr.rel @p0 .LBB2_2-.Ltmp0, $4  }
0x28: {  	s19 =	sadd.s32 $0x4E80, s20;
	[sflag:s16] =	ssyncadd.s32 $0xFFFFE000  }
0x29: {  	[spmem:s2] =	stream.indirect.scatter.add.f32 [tilespmem:s15], [sflag:$0x2], $0x40, s19, s14, $0xb8;
	[tilespmem:$0x15B00] =	vst v63  }
0x2a: {  	_ =	swait.ge [sflag:s12], $0x2000  }
0x2b: {  	s19 =	smov.u32 s21;
	[sflag:s12] =	ssyncset.done $0x0  }
0x2c: {  	s18 =	sshra.s32 s18, $0x2;
	[sflag:s12] =	ssyncadd.s32 $0xFFFFE000  }
0x2d: {  	[tilespmem:s15], [sflag:$0x1] =	stream.indirect.gather [hbm4b:s4+s14], $0x40, s18, s14, $0xb8;
	[tilespmem:$0x15B00] =	vst v63  }
0x2e: {  	_ =	swait.ge [sflag:s16], $0x2000  }
0x2f: {  	[sflag:s16] =	ssyncset.done $0x0  }
0x30: {  	s18 =	sadd.s32 $0x4E80, s18;
	[sflag:s16] =	ssyncadd.s32 $0xFFFFE000  }
0x31: {  	[spmem:s2] =	stream.indirect.scatter.add.f32 [tilespmem:s15], [sflag:$0x2], $0x40, s18, s14, $0xb8;
	[tilespmem:$0x15B00] =	vst v63  }
0x32: {  	_ =	swait.ge [sflag:s12], $0x2000  }
0x33: {  	s17 =	sadd.s32 $0x1, s17;
	[sflag:s12] =	ssyncset.done $0x0  }
0x34: {  	p0 =	sne.s32 s17, s10;
	[sflag:s12] =	ssyncadd.s32 $0xFFFFE000  }
.Ltmp1:
0x35: {  	[bflag:$0x0] =	sbarrier.arrive $0xFFFF;
	(pc) =	sbr.rel @p0 .LBB2_1-.Ltmp1, $4  }
0x36: {  	[hbm:s9], [sflag:s6] =	dma.local [spmem:s11], $0x13C0  }
0x37: {  	_ =	swait.ge [sflag:s12], $0x13C0  }
0x38: {  	[sflag:s12] =	ssyncset.done $0x0  }
0x39: {  	[sflag:s12] =	ssyncadd.s32 $0xFFFFEC40  }
0x3a: {  	_ =	sfence.sel $0x180000  }
0x3b: {  	[bflag:$0x0] =	sbarrier.arrive $0xFFFF  }
0x3c: {  	p0 =	sne.s32 s0, $0x0;
	_ =	strace $0x90000050  }
0x3d: {  	s0 =	sadd.s32 @!p0 $0x100000, s1;
	[bflag:$0x2] =	sbarrier.arrive $0xFFFF  }
0x3e: {  	[sflag:s0] =	ssyncadd.tile.s32 @!p0 $0x1;
	_ =	shalt  }
.Lfunc_end2:
_tile_overlayer_lowered:
.L_overlay_start_2:
0x3f: {  	(tag) =	ssettag $0x2  }
0x40: {  	s0 =	rddreg [dreg:$0x0];
	s2 =	stileid.u32  }
0x41: {  	s1 =	rddreg [dreg:$0x1];
	p0 =	sne.s32 s2, $0x0  }
0x42: {  	s3 =	rddreg [dreg:$0x2];
	[bflag:$0x3] =	sbarrier.arrive $0xFFFF;
	s2 =	simm.s32 @!p0 $0x1C02  }
0x43: {  	[timem:s3], [sflag:s2] =	dma.local @!p0 [hbm:s0], s1  }
0x44: {  	s0 =	simm.s32 @!p0 $0x2  }
0x45: {  	_ =	swait.ge @!p0 [sflag:s0], s1  }
0x46: {  	s1 =	ssub.s32 @!p0 $0x0, s1;
	[sflag:s0] =	ssyncset.done @!p0 $0x0  }
0x47: {  	[sflag:s0] =	ssyncadd.s32 @!p0 s1  }
0x48: {  	[bflag:$0x3] =	sbarrier.arrive $0xFFFF  }
0x49: {  	_ =	shalt  }

// kernel: kernel.15.cloned.1.call-start
scs
__scs_entry_jumppad:
0x0: {  	(pc) =	sbr.rel $0x88, $3  }
0x1: {  	(tag) =	ssettag $0x0;
	lr =	simm.s32 $0x1  }
0x2: {  	[smem:$0x3F89] =	sst lr;
	_ =	strace $0xD0000000  }
0x3: {  	_ = 	snop  }
0x4: {  	_ = 	snop  }
0x5: {  	_ = 	snop  }
0x6: {  	_ = 	snop  }
0x7: {  	_ = 	snop  }
__scs_overlays_trampoline_lowered:
0x8: {  	[smem:$0x3F98] =	sst s0  }
0x9: {  	[smem:$0x3F99] =	sst s1  }
0xa: {  	[smem:$0x3F9A] =	sst s2  }
0xb: {  	[smem:$0x3F9B] =	sst s3  }
0xc: {  	[smem:$0x3F9C] =	sst s4  }
0xd: {  	[smem:$0x3F9D] =	sst s5  }
0xe: {  	[smem:$0x3F9E] =	sst s6  }
0xf: {  	[smem:$0x3F9F] =	sst s7  }
0x10: {  	[smem:$0x3FA0] =	sst s8  }
0x11: {  	[smem:$0x3FA1] =	sst s9;
	s0 =	simm.s32 @!p0 $0x0  }
0x12: {  	s1 =	sld [smem:$0x3F87];
	s0 =	simm.s32 @p0 $0x1  }
0x13: {  	[smem:$0x3FA2] =	sst s0;
	s0 =	simm.s32 @!p1 $0x0  }
0x14: {  	s2 =	sld [smem:$0x3F86];
	s0 =	simm.s32 @p1 $0x1  }
0x15: {  	[smem:$0x3FA3] =	sst s0;
	s0 =	simm.s32 @!p2 $0x0  }
0x16: {  	s3 =	sld [smem:$0x3FDB];
	s0 =	simm.s32 @p2 $0x1  }
0x17: {  	s4 =	simm.s32 $0x1BF5;
	[smem:$0x3FA5] =	sst s0  }
0x18: {  	s0 =	sld [smem:$0x3F88];
	_ =	swait.ge [sflag:s4], $0x0  }
0x19: {  	s7 =	sld [smem:$0x3F89]  }
0x1a: {  	s8 =	sadd.s32 $0xFFFFE003, lr  }
0x1b: {  	s9 =	sadd.s32 $0xFFFFFEF7, lr;
	s5 =	simm.s32 $0xFFFFFFFF;
	p2 =	slt.u32 s8, $0xFFFFF086  }
0x1c: {  	p1 =	slt.u32 s9, $0xF7A;
	s5 =	simm.s32 @!p2 $0x0  }
0x1d: {  	s5 =	simm.s32 @p1 $0x1;
	p0 =	seq.s32 s7, s2  }
0x1e: {  	s7 =	smul.u32 @!p0 $0xF7A, s2;
	p2 =	seq.s32 @!p0 s5, $0x0  }
0x1f: {  	s9 =	smul.u32 $0xF7A, s1;
	s8 =	simm.s32 @!p0 $0x1BF5;
	p2 =	por !p2, p0  }
0x20: {  	[sflag:s8] =	ssyncset.s32 @!p0 $0xFFFFF086;
	s6 =	sadd.s32 @!p0 s3, s7;
	s7 =	simm.s32 @!p0 $0x108  }
0x21: {  	s3 =	sadd.s32 s3, s9;
	s6 =	sadd.s32 @!p0 $0x88, s6;
	s7 =	simm.s32 @p2 $0x1082  }
0x22: {  	[simem:s7], [sflag:s8] =	dma.local @!p0 [hbm:s6], $0xF7A  }
0x23: {  	s9 =	sor.u32 $0xD0000000, s2;
	s6 =	simm.s32 $0x108;
	_ =	swait.ge @!p0 [sflag:s8], $0x0  }
0x24: {  	s3 =	sadd.s32 $0x88, s3;
	s6 =	simm.s32 @!p1 $0x1082;
	[sflag:s4] =	ssyncset.s32 $0xFFFFF086  }
0x25: {  	[simem:s6], [sflag:s4] =	dma.local [hbm:s3], $0xF7A  }
0x26: {  	[smem:$0x3F89] =	sst s1;
	(tag) =	ssettag s2;
	_ =	strace s9  }
0x27: {  	s1 =	sld [smem:$0x3F99]  }
0x28: {  	s2 =	sld [smem:$0x3F9A]  }
0x29: {  	s4 =	sld [smem:$0x3F9C]  }
0x2a: {  	p0 =	seq.s32 s5, $0x0;
	s5 =	sld [smem:$0x3F9D]  }
0x2b: {  	s6 =	sld [smem:$0x3F9E]  }
0x2c: {  	s7 =	sld [smem:$0x3F9F]  }
0x2d: {  	s3 =	simm.s32 $0x108;
	s8 =	sld [smem:$0x3FA0]  }
0x2e: {  	s3 =	simm.s32 @!p0 $0x1082;
	s9 =	sld [smem:$0x3FA1]  }
0x2f: {  	lr =	sadd.s32 s0, s3;
	s0 =	sld [smem:$0x3F98]  }
0x30: {  	s3 =	sld [smem:$0x3F9B]  }
0x31: {  	[smem:$0x3FA4] =	sst s10  }
0x32: {  	s10 =	sld [smem:$0x3FA2];
	_ =	sdelay $0x3  }
0x33: {  	p0 =	seq.s32 s10, $0x1;
	s10 =	sld [smem:$0x3FA4];
	_ =	sdelay $0x3  }
0x34: {  	[smem:$0x3FA4] =	sst s10  }
0x35: {  	s10 =	sld [smem:$0x3FA3];
	_ =	sdelay $0x3  }
0x36: {  	p1 =	seq.s32 s10, $0x1;
	s10 =	sld [smem:$0x3FA4];
	_ =	sdelay $0x3  }
0x37: {  	[smem:$0x3FA4] =	sst s10  }
0x38: {  	s10 =	sld [smem:$0x3FA5]  }
0x39: {  	_ = 	snop;
	(pc) =	sbr.ind lr, $3  }
0x3a: {  	_ = 	snop  }
0x3b: {  	_ = 	snop  }
0x3c: {  	p2 =	seq.s32 s10, $0x1;
	s10 =	sld [smem:$0x3FA4]  }
0x3d: {  	_ =	shalt  }
0x3e: {  	_ =	shalt  }
0x3f: {  	_ =	shalt  }
0x40: {  	_ =	shalt  }
0x41: {  	_ =	shalt  }
0x42: {  	_ =	shalt  }
0x43: {  	_ =	shalt  }
0x44: {  	_ =	shalt  }
0x45: {  	_ =	shalt  }
0x46: {  	_ =	shalt  }
0x47: {  	_ =	shalt  }
0x48: {  	_ =	shalt  }
0x49: {  	_ =	shalt  }
0x4a: {  	_ =	shalt  }
0x4b: {  	_ =	shalt  }
0x4c: {  	_ =	shalt  }
0x4d: {  	_ =	shalt  }
0x4e: {  	_ =	shalt  }
0x4f: {  	_ =	shalt  }
0x50: {  	_ =	shalt  }
0x51: {  	_ =	shalt  }
0x52: {  	_ =	shalt  }
0x53: {  	_ =	shalt  }
0x54: {  	_ =	shalt  }
0x55: {  	_ =	shalt  }
0x56: {  	_ =	shalt  }
0x57: {  	_ =	shalt  }
0x58: {  	_ =	shalt  }
0x59: {  	_ =	shalt  }
0x5a: {  	_ =	shalt  }
0x5b: {  	_ =	shalt  }
0x5c: {  	_ =	shalt  }
0x5d: {  	_ =	shalt  }
0x5e: {  	_ =	shalt  }
0x5f: {  	_ =	shalt  }
0x60: {  	_ =	shalt  }
0x61: {  	_ =	shalt  }
0x62: {  	_ =	shalt  }
0x63: {  	_ =	shalt  }
0x64: {  	_ =	shalt  }
0x65: {  	_ =	shalt  }
0x66: {  	_ =	shalt  }
0x67: {  	_ =	shalt  }
0x68: {  	_ =	shalt  }
0x69: {  	_ =	shalt  }
0x6a: {  	_ =	shalt  }
0x6b: {  	_ =	shalt  }
0x6c: {  	_ =	shalt  }
0x6d: {  	_ =	shalt  }
0x6e: {  	_ =	shalt  }
0x6f: {  	_ =	shalt  }
0x70: {  	_ =	shalt  }
0x71: {  	_ =	shalt  }
0x72: {  	_ =	shalt  }
0x73: {  	_ =	shalt  }
0x74: {  	_ =	shalt  }
0x75: {  	_ =	shalt  }
0x76: {  	_ =	shalt  }
0x77: {  	_ =	shalt  }
0x78: {  	_ =	shalt  }
0x79: {  	_ =	shalt  }
0x7a: {  	_ =	shalt  }
0x7b: {  	_ =	shalt  }
0x7c: {  	_ =	shalt  }
0x7d: {  	_ =	shalt  }
0x7e: {  	_ =	shalt  }
0x7f: {  	_ =	shalt  }
0x80: {  	_ =	shalt  }
0x81: {  	_ =	shalt  }
0x82: {  	_ =	shalt  }
0x83: {  	_ =	shalt  }
0x84: {  	_ =	shalt  }
0x85: {  	_ =	shalt  }
0x86: {  	_ =	shalt  }
0x87: {  	_ =	shalt  }
.Lfunc_end0:
.L_simem_size_0:
called_computation.4_lowered:
.L_overlay_start_0:
0x88: {  	s2 =	sld [smem:$0x3FD9]  }
0x89: {  	s3 =	sld [smem:$0x3FFE];
	_ =	sdelay $0x1  }
0x8a: {  	s1 =	srdreg.scid  }
0x8b: {  	s0 =	sand.u32 $0x1, s1  }
0x8c: {  	s14 =	sshll.u32 s0, $0xA;
	s2 =	sadd.s32 s3, s2  }
0x8d: {  	s2 =	sadd.s32 s2, s14  }
0x8e: {  	[smem:$0x3FB0] =	sst s2  }
0x8f: {  	_ = 	snop  }
0x90: {  	s2 =	sld [smem:$0x3FD0]  }
0x91: {  	s15 =	sld [smem:$0x3FC9]  }
0x92: {  	s4 =	sld [smem:$0x3FC6]  }
0x93: {  	s6 =	simm.s32 $0xA;
	s7 =	simm.s32 $0x10;
	s5 =	sld [smem:$0x3FC5]  }
0x94: {  	[smem:s7], [sflag:s6] =	dma.local [hbm:s2], $0x1  }
0x95: {  	_ =	swait.eq [sflag:s6], $0x1  }
0x96: {  	s16 =	sld [smem:$0x11]  }
0x97: {  	s17 =	sld [smem:$0x12];
	[sflag:s6] =	ssyncset.done $0x0  }
0x98: {  	s8 =	sld [smem:$0x13];
	[sflag:s6] =	ssyncadd.s32 $0xFFFFFFFF  }
0x99: {  	s18 =	sld [smem:$0x14];
	(tm) =	ssettm $0x1  }
0x9a: {  	s9 =	sld [smem:$0x3FFB];
	_ =	sdelay $0x3  }
0x9b: {  	_ =	strace s9  }
0x9c: {  	s9 =	sld [smem:$0x3FFC];
	_ =	sdelay $0x3  }
0x9d: {  	_ =	strace s9  }
0x9e: {  	s9 =	sld [smem:$0x3FFD];
	_ =	sdelay $0x3  }
0x9f: {  	_ =	strace s9  }
0xa0: {  	_ =	strace $0x8FFFFFFF  }
0xa1: {  	s19 =	sld [smem:$0x3FDB];
	_ =	sdelay $0x1  }
0xa2: {  	s10 =	simm.s32 $_scs_section_size  }
0xa3: {  	s11 =	simm.s32 $_size__tile_overlayer_lowered;
	s12 =	simm.s32 $_tile_overlayer_lowered  }
0xa4: {  	s22 =	simm.s32 $0x1BFF;
	s21 =	sshll.u32 s12, $0x1;
	s9 =	sadd.s32 s10, s19  }
0xa5: {  	s13 =	simm.s32 $0x0;
	s20 =	sshll.u32 s11, $0x1;
	s11 =	sadd.s32 s21, s9  }
0xa6: {  	[timem:s13], [sflag:s22] =	dma.local [hbm:s11], s20  }
0xa7: {  	_ =	swait.ge [sflag:s22], s20  }
0xa8: {  	s10 =	ssub.s32 $0x0, s20;
	[sflag:s22] =	ssyncset.done $0x0  }
0xa9: {  	[sflag:s22] =	ssyncadd.s32 s10;
	_ =	sdelay $0x1  }
0xaa: {  	s23 =	simm.s32 $0x1B8B  }
0xab: {  	_ =	swait.ge [sflag:s23], $0x1  }
0xac: {  	[sflag:s23] =	ssyncset.done $0x0  }
0xad: {  	s25 =	simm.s32 $0x1B8E;
	s24 =	sld [smem:$0x3FFE];
	[sflag:s23] =	ssyncadd.s32 $0xFFFFFFFF  }
0xae: {  	s26 =	simm.s32 $execute0_lowered;
	[smem:$0x3FD2] =	sst s25  }
0xaf: {  	s11 =	sshll.u32 s26, $0x1;
	_ =	strace $0x80000052;
	[dreg:$0x1] =	wrdreg $0xFFFFFFFF  }
0xb0: {  	s28 =	simm.s32 $_size_execute0_lowered;
	s9 =	sadd.s32 s9, s11;
	[dreg:$0x0] =	wrdreg $0x0  }
0xb1: {  	s11 =	sshll.u32 s28, $0x1;
	[dreg:$0x2] =	wrdreg s9  }
0xb2: {  	[dreg:$0x3] =	wrdreg s11  }
0xb3: {  	[dreg:$0x4] =	wrdreg $0xC0  }
0xb4: {  	_ =	task [dreg:s13], $0x5FFFF  }
0xb5: {  	[dreg:$0x1] =	wrdreg $0xFFFFFFFF  }
0xb6: {  	[dreg:$0x0] =	wrdreg $0x60  }
0xb7: {  	[dreg:$0x2] =	wrdreg s24  }
0xb8: {  	[dreg:$0x3] =	wrdreg s15  }
0xb9: {  	[dreg:$0x4] =	wrdreg s4  }
0xba: {  	[dreg:$0x5] =	wrdreg s5  }
0xbb: {  	[dreg:$0x6] =	wrdreg s17  }
0xbc: {  	[dreg:$0x7] =	wrdreg s16  }
0xbd: {  	[dreg:$0x8] =	wrdreg s8  }
0xbe: {  	[dreg:$0x9] =	wrdreg s18  }
0xbf: {  	[dreg:$0xa] =	wrdreg $0x4B000  }
0xc0: {  	[dreg:$0xb] =	wrdreg $0x9  }
0xc1: {  	_ =	task.clear_ibuf [dreg:s13], $0xCFFFF;
	_ =	strace $0x90000052  }
0xc2: {  	s29 =	simm.s32 $0x9;
	_ =	strace $0x80000054  }
0xc3: {  	_ =	swait.ge [sflag:s29], $0x1  }
0xc4: {  	[sflag:s29] =	ssyncadd.s32 $0xFFFFFFFF  }
0xc5: {  	_ =	strace $0x90000054  }
0xc6: {  	_ =	sfence  }
0xc7: {  	s30 =	sld [smem:$0x0];
	_ =	sdelay $0x2  }
0xc8: {  	s31 =	sshll.u32 s1, $0xD;
	s1 =	sshrl.u32 s1, $0x2  }
0xc9: {  	s3 =	sand.u32 $0x4000, s31;
	s1 =	sadd.s32 s1, s30  }
0xca: {  	s0 =	sor.u32 s3, s0;
	s1 =	sshll.u32 s1, $0x11  }
0xcb: {  	s0 =	sor.u32 s1, s0  }
0xcc: {  	s0 =	sadd.s32 $0x8F2B, s0  }
0xcd: {  	[sflag:s0] =	ssyncadd.remote.s32 $0x1  }
0xce: {  	_ =	sfence.sel $0xFFFF  }
0xcf: {  	[dreg:$0x0] =	wrdreg $0xFFFFFFFF;
	(pc) =	sbr.abs _section_cstart, $3  }
0xd0: {  	[dreg:$0x1] =	wrdreg $0xFFFFFFFF  }
0xd1: {  	_ =	task.clear_ibuf [dreg:s13], $0x2FFFF;
	_ =	strace $0x9FFFFFFF  }
0xd2: {  	(tm) =	ssettm $0x7FFFFFFF  }
0xd3: {  	_ =	shalt  }
tec
execute0_lowered:
.L_overlay_start_1:
0x0: {  	(tag) =	ssettag $0x1  }
0x1: {  	s11 =	rddreg [dreg:$0x0]  }
0x2: {  	s1 =	rddreg [dreg:$0x1]  }
0x3: {  	s5 =	rddreg [dreg:$0x2]  }
0x4: {  	s6 =	rddreg [dreg:$0x3]  }
0x5: {  	s7 =	rddreg [dreg:$0x4]  }
0x6: {  	s8 =	rddreg [dreg:$0x5]  }
0x7: {  	s9 =	rddreg [dreg:$0x6]  }
0x8: {  	s10 =	rddreg [dreg:$0x7]  }
0x9: {  	s3 =	rddreg [dreg:$0x8];
	s4 =	simm.s32 $0x0;
	s0 =	srdreg.scid  }
0xa: {  	s2 =	stileid.u32;
	[smem:$0x7FF] =	sst s4;
	s0 =	sand.u32 $0x1, s0  }
0xb: {  	s12 =	sshll.u32 s2, $0x1;
	s13 =	sshll.u32 s2, $0xC;
	s26 =	sshll.u32 s2, $0xF  }
0xc: {  	s19 =	sshll.u32 s2, $0x6;
	s12 =	sor.u32 s0, s12;
	s7 =	sadd.s32 s7, s13  }
0xd: {  	_ =	strace $0x80000053;
	s20 =	sshll.u32 s12, $0x4;
	[dreg:$0xa] =	wrdreg s7  }
0xe: {  	s5 =	sadd.s32 s5, s20;
	s22 =	sadd.s32 s6, s20;
	s20 =	rddreg [dreg:$0xa]  }
0xf: {  	s14 =	smul.u32 $0xA0, s12;
	s23 =	sshll.u32 s12, $0xB;
	[dreg:$0xb] =	wrdreg s5  }
0x10: {  	s7 =	sadd.s32 s26, s3;
	s13 =	sadd.s32 s8, s23;
	[dreg:$0xc] =	wrdreg s22  }
0x11: {  	s12 =	sadd.s32 s23, s11;
	s16 =	sadd.s32 s9, s23;
	[dreg:$0xf] =	wrdreg s13  }
0x12: {  	s17 =	sadd.s32 s10, s23;
	s21 =	sadd.s32 s14, s11;
	[dreg:$0x11] =	wrdreg s16  }
0x13: {  	s14 =	sshll.u32 s0, $0x13;
	s15 =	sadd.s32 $0x4D200, s12;
	[dreg:$0x12] =	wrdreg s17  }
0x14: {  	s24 =	sadd.s32 $0x91800, s21;
	s8 =	sor.u32 s26, s14;
	[dreg:$0x10] =	wrdreg s15  }
0x15: {  	s25 =	sadd.s32 $0x90400, s21;
	[dreg:$0xd] =	wrdreg s24;
	s8 =	sshrl.u32 s8, $0x3  }
0x16: {  	s21 =	simm.s32 $0x180;
	[dreg:$0xe] =	wrdreg s25;
	s18 =	sadd.s32 s8, s11  }
0x17: {  	s7 =	sshrl.u32 s7, $0x3;
	[dreg:$0x14] =	wrdreg s21;
	s6 =	sadd.s32 $0x2D200, s18  }
0x18: {  	s5 =	sor.u32 $0x1C02, s19;
	[dreg:$0x13] =	wrdreg s6;
	s6 =	simm.s32 $0x2  }
0x19: {  	[spmem:s7], [sflag:s5] =	dma.local [hbm:s20], $0x1000  }
0x1a: {  	_ =	swait.ge [sflag:s6], $0x1000  }
0x1b: {  	[sflag:s6] =	ssyncset.done $0x0  }
0x1c: {  	s22 =	rddreg [dreg:$0xb];
	[sflag:s6] =	ssyncadd.s32 $0xFFFFF000  }
0x1d: {  	[tilespmem:s4], [sflag:$0x2] =	stream.linear.gather [hbm4b:s22+s4], $0x80, $0x38;
	[tilespmem:$0xCB00] =	vst v63  }
0x1e: {  	_ =	swait.ge [sflag:s6], $0x80  }
0x1f: {  	[sflag:s6] =	ssyncset.done $0x0  }
0x20: {  	s8 =	simm.s32 $0x80;
	s23 =	rddreg [dreg:$0xc];
	[sflag:s6] =	ssyncadd.s32 $0xFFFFFF80  }
0x21: {  	[tilespmem:s8], [sflag:$0x2] =	stream.linear.gather [hbm4b:s23+s4], $0x80, $0x38;
	[tilespmem:$0xCB00] =	vst v63  }
0x22: {  	_ =	swait.ge [sflag:s6], $0x80  }
0x23: {  	[sflag:s6] =	ssyncset.done $0x0  }
0x24: {  	s9 =	simm.s32 $0x100;
	s24 =	rddreg [dreg:$0xd];
	[sflag:s6] =	ssyncadd.s32 $0xFFFFFF80  }
0x25: {  	[tilespmem:s9], [sflag:$0x2] =	stream.linear.gather [hbm4b:s24+s4], $0x500, $0x38;
	[tilespmem:$0xCB00] =	vst v63  }
0x26: {  	_ =	swait.ge [sflag:s6], $0x500  }
0x27: {  	[sflag:s6] =	ssyncset.done $0x0  }
0x28: {  	s10 =	simm.s32 $0x600;
	s25 =	rddreg [dreg:$0xe];
	[sflag:s6] =	ssyncadd.s32 $0xFFFFFB00  }
0x29: {  	[tilespmem:s10], [sflag:$0x2] =	stream.linear.gather [hbm4b:s25+s4], $0x500, $0x38;
	[tilespmem:$0xCB00] =	vst v63  }
0x2a: {  	_ =	swait.ge [sflag:s6], $0x500  }
0x2b: {  	[sflag:s6] =	ssyncset.done $0x0  }
0x2c: {  	s12 =	simm.s32 $0xB00;
	[sflag:s6] =	ssyncadd.s32 $0xFFFFFB00  }
0x2d: {  	s13 =	simm.s32 $0x1;
	s11 =	sadd.s32 $0x6000, s11;
	[bflag:$0x0] =	sbarrier.arrive $0xFFFF  }
0x2e: {  	[tilespmem:s12], [sflag:$0x1] =	stream.indirect.gather [hbm4b:s11+s8], $0x80, s9, s8, $0xb8;
	[tilespmem:$0xCB00] =	vst v63  }
0x2f: {  	_ =	swait.ge [sflag:s13], $0x4000  }
0x30: {  	[sflag:s13] =	ssyncset.done $0x0  }
0x31: {  	[sflag:s13] =	ssyncadd.s32 $0xFFFFC000  }
0x32: {  	[spmem:s3] =	stream.indirect.scatter.add.f32 [tilespmem:s12], [sflag:$0x2], $0x80, s10, s8, $0xb8;
	[tilespmem:$0xCB00] =	vst v63  }
0x33: {  	_ =	swait.ge [sflag:s6], $0x4000  }
0x34: {  	[sflag:s6] =	ssyncset.done $0x0  }
0x35: {  	s26 =	rddreg [dreg:$0x14];
	[sflag:s6] =	ssyncadd.s32 $0xFFFFC000  }
0x36: {  	[tilespmem:s12], [sflag:$0x1] =	stream.indirect.gather [hbm4b:s11+s8], $0x80, s26, s8, $0xb8;
	[tilespmem:$0xCB00] =	vst v63  }
0x37: {  	_ =	swait.ge [sflag:s13], $0x4000  }
0x38: {  	[sflag:s13] =	ssyncset.done $0x0  }
0x39: {  	s14 =	simm.s32 $0x680;
	[sflag:s13] =	ssyncadd.s32 $0xFFFFC000  }
0x3a: {  	[spmem:s3] =	stream.indirect.scatter.add.f32 [tilespmem:s12], [sflag:$0x2], $0x80, s14, s8, $0xb8;
	[tilespmem:$0xCB00] =	vst v63  }
0x3b: {  	_ =	swait.ge [sflag:s6], $0x4000  }
0x3c: {  	[sflag:s6] =	ssyncset.done $0x0  }
0x3d: {  	s15 =	simm.s32 $0x200;
	[sflag:s6] =	ssyncadd.s32 $0xFFFFC000  }
0x3e: {  	[tilespmem:s12], [sflag:$0x1] =	stream.indirect.gather [hbm4b:s11+s8], $0x80, s15, s8, $0xb8;
	[tilespmem:$0xCB00] =	vst v63  }
0x3f: {  	_ =	swait.ge [sflag:s13], $0x4000  }
0x40: {  	[sflag:s13] =	ssyncset.done $0x0  }
0x41: {  	s16 =	simm.s32 $0x700;
	[sflag:s13] =	ssyncadd.s32 $0xFFFFC000  }
0x42: {  	[spmem:s3] =	stream.indirect.scatter.add.f32 [tilespmem:s12], [sflag:$0x2], $0x80, s16, s8, $0xb8;
	[tilespmem:$0xCB00] =	vst v63  }
0x43: {  	_ =	swait.ge [sflag:s6], $0x4000  }
0x44: {  	[sflag:s6] =	ssyncset.done $0x0  }
0x45: {  	s17 =	simm.s32 $0x280;
	[sflag:s6] =	ssyncadd.s32 $0xFFFFC000  }
0x46: {  	[tilespmem:s12], [sflag:$0x1] =	stream.indirect.gather [hbm4b:s11+s8], $0x80, s17, s8, $0xb8;
	[tilespmem:$0xCB00] =	vst v63  }
0x47: {  	_ =	swait.ge [sflag:s13], $0x4000  }
0x48: {  	[sflag:s13] =	ssyncset.done $0x0  }
0x49: {  	s18 =	simm.s32 $0x780;
	[sflag:s13] =	ssyncadd.s32 $0xFFFFC000  }
0x4a: {  	[spmem:s3] =	stream.indirect.scatter.add.f32 [tilespmem:s12], [sflag:$0x2], $0x80, s18, s8, $0xb8;
	[tilespmem:$0xCB00] =	vst v63  }
0x4b: {  	_ =	swait.ge [sflag:s6], $0x4000  }
0x4c: {  	[sflag:s6] =	ssyncset.done $0x0  }
0x4d: {  	s19 =	simm.s32 $0x300;
	[sflag:s6] =	ssyncadd.s32 $0xFFFFC000  }
0x4e: {  	[tilespmem:s12], [sflag:$0x1] =	stream.indirect.gather [hbm4b:s11+s8], $0x80, s19, s8, $0xb8;
	[tilespmem:$0xCB00] =	vst v63  }
0x4f: {  	_ =	swait.ge [sflag:s13], $0x4000  }
0x50: {  	[sflag:s13] =	ssyncset.done $0x0  }
0x51: {  	s20 =	simm.s32 $0x800;
	[sflag:s13] =	ssyncadd.s32 $0xFFFFC000  }
0x52: {  	[spmem:s3] =	stream.indirect.scatter.add.f32 [tilespmem:s12], [sflag:$0x2], $0x80, s20, s8, $0xb8;
	[tilespmem:$0xCB00] =	vst v63  }
0x53: {  	_ =	swait.ge [sflag:s6], $0x4000  }
0x54: {  	[sflag:s6] =	ssyncset.done $0x0  }
0x55: {  	s21 =	simm.s32 $0x380;
	[sflag:s6] =	ssyncadd.s32 $0xFFFFC000  }
0x56: {  	[tilespmem:s12], [sflag:$0x1] =	stream.indirect.gather [hbm4b:s11+s8], $0x80, s21, s8, $0xb8;
	[tilespmem:$0xCB00] =	vst v63  }
0x57: {  	_ =	swait.ge [sflag:s13], $0x4000  }
0x58: {  	[sflag:s13] =	ssyncset.done $0x0  }
0x59: {  	s22 =	simm.s32 $0x880;
	[sflag:s13] =	ssyncadd.s32 $0xFFFFC000  }
0x5a: {  	[spmem:s3] =	stream.indirect.scatter.add.f32 [tilespmem:s12], [sflag:$0x2], $0x80, s22, s8, $0xb8;
	[tilespmem:$0xCB00] =	vst v63  }
0x5b: {  	_ =	swait.ge [sflag:s6], $0x4000  }
0x5c: {  	[sflag:s6] =	ssyncset.done $0x0  }
0x5d: {  	s23 =	simm.s32 $0x400;
	[sflag:s6] =	ssyncadd.s32 $0xFFFFC000  }
0x5e: {  	[tilespmem:s12], [sflag:$0x1] =	stream.indirect.gather [hbm4b:s11+s8], $0x80, s23, s8, $0xb8;
	[tilespmem:$0xCB00] =	vst v63  }
0x5f: {  	_ =	swait.ge [sflag:s13], $0x4000  }
0x60: {  	[sflag:s13] =	ssyncset.done $0x0  }
0x61: {  	s24 =	simm.s32 $0x900;
	[sflag:s13] =	ssyncadd.s32 $0xFFFFC000  }
0x62: {  	[spmem:s3] =	stream.indirect.scatter.add.f32 [tilespmem:s12], [sflag:$0x2], $0x80, s24, s8, $0xb8;
	[tilespmem:$0xCB00] =	vst v63  }
0x63: {  	_ =	swait.ge [sflag:s6], $0x4000  }
0x64: {  	[sflag:s6] =	ssyncset.done $0x0  }
0x65: {  	s25 =	simm.s32 $0x480;
	[sflag:s6] =	ssyncadd.s32 $0xFFFFC000  }
0x66: {  	[tilespmem:s12], [sflag:$0x1] =	stream.indirect.gather [hbm4b:s11+s8], $0x80, s25, s8, $0xb8;
	[tilespmem:$0xCB00] =	vst v63  }
0x67: {  	_ =	swait.ge [sflag:s13], $0x4000  }
0x68: {  	[sflag:s13] =	ssyncset.done $0x0  }
0x69: {  	s26 =	simm.s32 $0x980;
	[sflag:s13] =	ssyncadd.s32 $0xFFFFC000  }
0x6a: {  	[spmem:s3] =	stream.indirect.scatter.add.f32 [tilespmem:s12], [sflag:$0x2], $0x80, s26, s8, $0xb8;
	[tilespmem:$0xCB00] =	vst v63  }
0x6b: {  	_ =	swait.ge [sflag:s6], $0x4000  }
0x6c: {  	[sflag:s6] =	ssyncset.done $0x0  }
0x6d: {  	s28 =	simm.s32 $0x500;
	[sflag:s6] =	ssyncadd.s32 $0xFFFFC000  }
0x6e: {  	[tilespmem:s12], [sflag:$0x1] =	stream.indirect.gather [hbm4b:s11+s8], $0x80, s28, s8, $0xb8;
	[tilespmem:$0xCB00] =	vst v63  }
0x6f: {  	_ =	swait.ge [sflag:s13], $0x4000  }
0x70: {  	[sflag:s13] =	ssyncset.done $0x0  }
0x71: {  	s29 =	simm.s32 $0xA00;
	[sflag:s13] =	ssyncadd.s32 $0xFFFFC000  }
0x72: {  	[spmem:s3] =	stream.indirect.scatter.add.f32 [tilespmem:s12], [sflag:$0x2], $0x80, s29, s8, $0xb8;
	[tilespmem:$0xCB00] =	vst v63  }
0x73: {  	_ =	swait.ge [sflag:s6], $0x4000  }
0x74: {  	[sflag:s6] =	ssyncset.done $0x0  }
0x75: {  	s30 =	simm.s32 $0x580;
	[sflag:s6] =	ssyncadd.s32 $0xFFFFC000  }
0x76: {  	[tilespmem:s12], [sflag:$0x1] =	stream.indirect.gather [hbm4b:s11+s8], $0x80, s30, s8, $0xb8;
	[tilespmem:$0xCB00] =	vst v63  }
0x77: {  	_ =	swait.ge [sflag:s13], $0x4000  }
0x78: {  	[sflag:s13] =	ssyncset.done $0x0  }
0x79: {  	s31 =	simm.s32 $0xA80;
	[sflag:s13] =	ssyncadd.s32 $0xFFFFC000  }
0x7a: {  	[spmem:s3] =	stream.indirect.scatter.add.f32 [tilespmem:s12], [sflag:$0x2], $0x80, s31, s8, $0xb8;
	[tilespmem:$0xCB00] =	vst v63  }
0x7b: {  	_ =	swait.ge [sflag:s6], $0x4000  }
0x7c: {  	[sflag:s6] =	ssyncset.done $0x0  }
0x7d: {  	[sflag:s6] =	ssyncadd.s32 $0xFFFFC000  }
0x7e: {  	[tilespmem:s12], [sflag:$0x1] =	stream.indirect.gather [hbm4b:s11+s8], $0x80, s4, s8, $0xb8;
	[tilespmem:$0xCB00] =	vst v63  }
0x7f: {  	_ =	swait.ge [sflag:s13], $0x4000  }
0x80: {  	[sflag:s13] =	ssyncset.done $0x0  }
0x81: {  	s2 =	rddreg [dreg:$0xf];
	[sflag:s13] =	ssyncadd.s32 $0xFFFFC000  }
0x82: {  	[hbm4b:s2+s4] =	stream.linear.scatter [tilespmem:s12], [sflag:$0x2], $0x4000, $0x38;
	[tilespmem:$0xCB00] =	vst v63  }
0x83: {  	_ =	swait.ge [sflag:s6], $0x4000  }
0x84: {  	[sflag:s6] =	ssyncset.done $0x0  }
0x85: {  	[sflag:s6] =	ssyncadd.s32 $0xFFFFC000  }
0x86: {  	[tilespmem:s12], [sflag:$0x1] =	stream.indirect.gather [hbm4b:s11+s8], $0x80, s8, s8, $0xb8;
	[tilespmem:$0xCB00] =	vst v63  }
0x87: {  	_ =	swait.ge [sflag:s13], $0x4000  }
0x88: {  	[sflag:s13] =	ssyncset.done $0x0  }
0x89: {  	s2 =	rddreg [dreg:$0x10];
	[sflag:s13] =	ssyncadd.s32 $0xFFFFC000  }
0x8a: {  	[hbm4b:s2+s4] =	stream.linear.scatter [tilespmem:s12], [sflag:$0x2], $0x4000, $0x38;
	[tilespmem:$0xCB00] =	vst v63  }
0x8b: {  	_ =	swait.ge [sflag:s6], $0x4000  }
0x8c: {  	[sflag:s6] =	ssyncset.done $0x0  }
0x8d: {  	[sflag:s6] =	ssyncadd.s32 $0xFFFFC000  }
0x8e: {  	[tilespmem:s12], [sflag:$0x1] =	stream.indirect.gather [hbm4b:s1+s8], $0x80, s4, s8, $0xb8;
	[tilespmem:$0xCB00] =	vst v63  }
0x8f: {  	_ =	swait.ge [sflag:s13], $0x4000  }
0x90: {  	[sflag:s13] =	ssyncset.done $0x0  }
0x91: {  	s2 =	rddreg [dreg:$0x11];
	[sflag:s13] =	ssyncadd.s32 $0xFFFFC000  }
0x92: {  	[hbm4b:s2+s4] =	stream.linear.scatter [tilespmem:s12], [sflag:$0x2], $0x4000, $0x38;
	[tilespmem:$0xCB00] =	vst v63  }
0x93: {  	_ =	swait.ge [sflag:s6], $0x4000  }
0x94: {  	[sflag:s6] =	ssyncset.done $0x0  }
0x95: {  	[sflag:s6] =	ssyncadd.s32 $0xFFFFC000  }
0x96: {  	[tilespmem:s12], [sflag:$0x1] =	stream.indirect.gather [hbm4b:s1+s8], $0x80, s8, s8, $0xb8;
	[tilespmem:$0xCB00] =	vst v63  }
0x97: {  	_ =	swait.ge [sflag:s13], $0x4000  }
0x98: {  	[sflag:s13] =	ssyncset.done $0x0  }
0x99: {  	s2 =	rddreg [dreg:$0x12];
	[sflag:s13] =	ssyncadd.s32 $0xFFFFC000  }
0x9a: {  	[hbm4b:s2+s4] =	stream.linear.scatter [tilespmem:s12], [sflag:$0x2], $0x4000, $0x38;
	[tilespmem:$0xCB00] =	vst v63  }
0x9b: {  	_ =	swait.ge [sflag:s6], $0x4000  }
0x9c: {  	[sflag:s6] =	ssyncset.done $0x0  }
0x9d: {  	[sflag:s6] =	ssyncadd.s32 $0xFFFFC000  }
0x9e: {  	[bflag:$0x0] =	sbarrier.arrive $0xFFFF  }
0x9f: {  	s0 =	ssub.s32 $0x2, s0;
	s2 =	rddreg [dreg:$0x13]  }
0xa0: {  	[dreg:$0x15] =	wrdreg s2;
	s2 =	sshrl.u32 s0, $0x1  }
0xa1: {  	s0 =	ssub.s32 s0, s2  }
0xa2: {  	s0 =	smax.u32 s0, $0x1  }
0xa3: {  	p0 =	sne.s32 s0, $0x1  }
.Ltmp0:
0xa4: {  	_ = 	snop;
	(pc) =	sbr.rel @!p0 .LBB2_2-.Ltmp0, $4  }
0xa5: {  	_ = 	snop  }
0xa6: {  	s2 =	rddreg [dreg:$0x15]  }
0xa7: {  	[hbm:s2], [sflag:s5] =	dma.local [spmem:s7], $0x1000  }
0xa8: {  	s0 =	sadd.s32 $0xFFFFFFFF, s0;
	_ =	swait.ge [sflag:s6], $0x1000  }
.LBB2_1:
0xa9: {  	[sflag:s6] =	ssyncset.done $0x0  }
0xaa: {  	s2 =	rddreg [dreg:$0xa];
	[sflag:s6] =	ssyncadd.s32 $0xFFFFF000  }
0xab: {  	[spmem:s7], [sflag:s5] =	dma.local [hbm:s2], $0x1000  }
0xac: {  	_ =	swait.ge [sflag:s6], $0x1000  }
0xad: {  	[sflag:s6] =	ssyncset.done $0x0  }
0xae: {  	s2 =	rddreg [dreg:$0xb];
	[sflag:s6] =	ssyncadd.s32 $0xFFFFF000  }
0xaf: {  	[tilespmem:s4], [sflag:$0x2] =	stream.linear.gather [hbm4b:s2+s4], $0x80, $0x38;
	[tilespmem:$0xCB00] =	vst v63  }
0xb0: {  	_ =	swait.ge [sflag:s6], $0x80  }
0xb1: {  	[sflag:s6] =	ssyncset.done $0x0  }
0xb2: {  	s2 =	rddreg [dreg:$0xc];
	[sflag:s6] =	ssyncadd.s32 $0xFFFFFF80  }
0xb3: {  	[tilespmem:s8], [sflag:$0x2] =	stream.linear.gather [hbm4b:s2+s4], $0x80, $0x38;
	[tilespmem:$0xCB00] =	vst v63  }
0xb4: {  	_ =	swait.ge [sflag:s6], $0x80  }
0xb5: {  	[sflag:s6] =	ssyncset.done $0x0  }
0xb6: {  	s2 =	rddreg [dreg:$0xd];
	[sflag:s6] =	ssyncadd.s32 $0xFFFFFF80  }
0xb7: {  	[tilespmem:s9], [sflag:$0x2] =	stream.linear.gather [hbm4b:s2+s4], $0x500, $0x38;
	[tilespmem:$0xCB00] =	vst v63  }
0xb8: {  	_ =	swait.ge [sflag:s6], $0x500  }
0xb9: {  	[sflag:s6] =	ssyncset.done $0x0  }
0xba: {  	s2 =	rddreg [dreg:$0xe];
	[sflag:s6] =	ssyncadd.s32 $0xFFFFFB00  }
0xbb: {  	[tilespmem:s10], [sflag:$0x2] =	stream.linear.gather [hbm4b:s2+s4], $0x500, $0x38;
	[tilespmem:$0xCB00] =	vst v63  }
0xbc: {  	_ =	swait.ge [sflag:s6], $0x500  }
0xbd: {  	[sflag:s6] =	ssyncset.done $0x0  }
0xbe: {  	[sflag:s6] =	ssyncadd.s32 $0xFFFFFB00  }
0xbf: {  	[bflag:$0x0] =	sbarrier.arrive $0xFFFF  }
0xc0: {  	[tilespmem:s12], [sflag:$0x1] =	stream.indirect.gather [hbm4b:s11+s8], $0x80, s9, s8, $0xb8;
	[tilespmem:$0xCB00] =	vst v63  }
0xc1: {  	_ =	swait.ge [sflag:s13], $0x4000  }
0xc2: {  	[sflag:s13] =	ssyncset.done $0x0  }
0xc3: {  	[sflag:s13] =	ssyncadd.s32 $0xFFFFC000  }
0xc4: {  	[spmem:s3] =	stream.indirect.scatter.add.f32 [tilespmem:s12], [sflag:$0x2], $0x80, s10, s8, $0xb8;
	[tilespmem:$0xCB00] =	vst v63  }
0xc5: {  	_ =	swait.ge [sflag:s6], $0x4000  }
0xc6: {  	[sflag:s6] =	ssyncset.done $0x0  }
0xc7: {  	s2 =	rddreg [dreg:$0x14];
	[sflag:s6] =	ssyncadd.s32 $0xFFFFC000  }
0xc8: {  	[tilespmem:s12], [sflag:$0x1] =	stream.indirect.gather [hbm4b:s11+s8], $0x80, s2, s8, $0xb8;
	[tilespmem:$0xCB00] =	vst v63  }
0xc9: {  	_ =	swait.ge [sflag:s13], $0x4000  }
0xca: {  	[sflag:s13] =	ssyncset.done $0x0  }
0xcb: {  	[sflag:s13] =	ssyncadd.s32 $0xFFFFC000  }
0xcc: {  	[spmem:s3] =	stream.indirect.scatter.add.f32 [tilespmem:s12], [sflag:$0x2], $0x80, s14, s8, $0xb8;
	[tilespmem:$0xCB00] =	vst v63  }
0xcd: {  	_ =	swait.ge [sflag:s6], $0x4000  }
0xce: {  	[sflag:s6] =	ssyncset.done $0x0  }
0xcf: {  	[sflag:s6] =	ssyncadd.s32 $0xFFFFC000  }
0xd0: {  	[tilespmem:s12], [sflag:$0x1] =	stream.indirect.gather [hbm4b:s11+s8], $0x80, s15, s8, $0xb8;
	[tilespmem:$0xCB00] =	vst v63  }
0xd1: {  	_ =	swait.ge [sflag:s13], $0x4000  }
0xd2: {  	[sflag:s13] =	ssyncset.done $0x0  }
0xd3: {  	[sflag:s13] =	ssyncadd.s32 $0xFFFFC000  }
0xd4: {  	[spmem:s3] =	stream.indirect.scatter.add.f32 [tilespmem:s12], [sflag:$0x2], $0x80, s16, s8, $0xb8;
	[tilespmem:$0xCB00] =	vst v63  }
0xd5: {  	_ =	swait.ge [sflag:s6], $0x4000  }
0xd6: {  	[sflag:s6] =	ssyncset.done $0x0  }
0xd7: {  	[sflag:s6] =	ssyncadd.s32 $0xFFFFC000  }
0xd8: {  	[tilespmem:s12], [sflag:$0x1] =	stream.indirect.gather [hbm4b:s11+s8], $0x80, s17, s8, $0xb8;
	[tilespmem:$0xCB00] =	vst v63  }
0xd9: {  	_ =	swait.ge [sflag:s13], $0x4000  }
0xda: {  	[sflag:s13] =	ssyncset.done $0x0  }
0xdb: {  	[sflag:s13] =	ssyncadd.s32 $0xFFFFC000  }
0xdc: {  	[spmem:s3] =	stream.indirect.scatter.add.f32 [tilespmem:s12], [sflag:$0x2], $0x80, s18, s8, $0xb8;
	[tilespmem:$0xCB00] =	vst v63  }
0xdd: {  	_ =	swait.ge [sflag:s6], $0x4000  }
0xde: {  	[sflag:s6] =	ssyncset.done $0x0  }
0xdf: {  	[sflag:s6] =	ssyncadd.s32 $0xFFFFC000  }
0xe0: {  	[tilespmem:s12], [sflag:$0x1] =	stream.indirect.gather [hbm4b:s11+s8], $0x80, s19, s8, $0xb8;
	[tilespmem:$0xCB00] =	vst v63  }
0xe1: {  	_ =	swait.ge [sflag:s13], $0x4000  }
0xe2: {  	[sflag:s13] =	ssyncset.done $0x0  }
0xe3: {  	[sflag:s13] =	ssyncadd.s32 $0xFFFFC000  }
0xe4: {  	[spmem:s3] =	stream.indirect.scatter.add.f32 [tilespmem:s12], [sflag:$0x2], $0x80, s20, s8, $0xb8;
	[tilespmem:$0xCB00] =	vst v63  }
0xe5: {  	_ =	swait.ge [sflag:s6], $0x4000  }
0xe6: {  	[sflag:s6] =	ssyncset.done $0x0  }
0xe7: {  	[sflag:s6] =	ssyncadd.s32 $0xFFFFC000  }
0xe8: {  	[tilespmem:s12], [sflag:$0x1] =	stream.indirect.gather [hbm4b:s11+s8], $0x80, s21, s8, $0xb8;
	[tilespmem:$0xCB00] =	vst v63  }
0xe9: {  	_ =	swait.ge [sflag:s13], $0x4000  }
0xea: {  	[sflag:s13] =	ssyncset.done $0x0  }
0xeb: {  	[sflag:s13] =	ssyncadd.s32 $0xFFFFC000  }
0xec: {  	[spmem:s3] =	stream.indirect.scatter.add.f32 [tilespmem:s12], [sflag:$0x2], $0x80, s22, s8, $0xb8;
	[tilespmem:$0xCB00] =	vst v63  }
0xed: {  	_ =	swait.ge [sflag:s6], $0x4000  }
0xee: {  	[sflag:s6] =	ssyncset.done $0x0  }
0xef: {  	[sflag:s6] =	ssyncadd.s32 $0xFFFFC000  }
0xf0: {  	[tilespmem:s12], [sflag:$0x1] =	stream.indirect.gather [hbm4b:s11+s8], $0x80, s23, s8, $0xb8;
	[tilespmem:$0xCB00] =	vst v63  }
0xf1: {  	_ =	swait.ge [sflag:s13], $0x4000  }
0xf2: {  	[sflag:s13] =	ssyncset.done $0x0  }
0xf3: {  	[sflag:s13] =	ssyncadd.s32 $0xFFFFC000  }
0xf4: {  	[spmem:s3] =	stream.indirect.scatter.add.f32 [tilespmem:s12], [sflag:$0x2], $0x80, s24, s8, $0xb8;
	[tilespmem:$0xCB00] =	vst v63  }
0xf5: {  	_ =	swait.ge [sflag:s6], $0x4000  }
0xf6: {  	[sflag:s6] =	ssyncset.done $0x0  }
0xf7: {  	[sflag:s6] =	ssyncadd.s32 $0xFFFFC000  }
0xf8: {  	[tilespmem:s12], [sflag:$0x1] =	stream.indirect.gather [hbm4b:s11+s8], $0x80, s25, s8, $0xb8;
	[tilespmem:$0xCB00] =	vst v63  }
0xf9: {  	_ =	swait.ge [sflag:s13], $0x4000  }
0xfa: {  	[sflag:s13] =	ssyncset.done $0x0  }
0xfb: {  	[sflag:s13] =	ssyncadd.s32 $0xFFFFC000  }
0xfc: {  	[spmem:s3] =	stream.indirect.scatter.add.f32 [tilespmem:s12], [sflag:$0x2], $0x80, s26, s8, $0xb8;
	[tilespmem:$0xCB00] =	vst v63  }
0xfd: {  	_ =	swait.ge [sflag:s6], $0x4000  }
0xfe: {  	[sflag:s6] =	ssyncset.done $0x0  }
0xff: {  	[sflag:s6] =	ssyncadd.s32 $0xFFFFC000  }
0x100: {  	[tilespmem:s12], [sflag:$0x1] =	stream.indirect.gather [hbm4b:s11+s8], $0x80, s28, s8, $0xb8;
	[tilespmem:$0xCB00] =	vst v63  }
0x101: {  	_ =	swait.ge [sflag:s13], $0x4000  }
0x102: {  	[sflag:s13] =	ssyncset.done $0x0  }
0x103: {  	[sflag:s13] =	ssyncadd.s32 $0xFFFFC000  }
0x104: {  	[spmem:s3] =	stream.indirect.scatter.add.f32 [tilespmem:s12], [sflag:$0x2], $0x80, s29, s8, $0xb8;
	[tilespmem:$0xCB00] =	vst v63  }
0x105: {  	_ =	swait.ge [sflag:s6], $0x4000  }
0x106: {  	[sflag:s6] =	ssyncset.done $0x0  }
0x107: {  	[sflag:s6] =	ssyncadd.s32 $0xFFFFC000  }
0x108: {  	[tilespmem:s12], [sflag:$0x1] =	stream.indirect.gather [hbm4b:s11+s8], $0x80, s30, s8, $0xb8;
	[tilespmem:$0xCB00] =	vst v63  }
0x109: {  	_ =	swait.ge [sflag:s13], $0x4000  }
0x10a: {  	[sflag:s13] =	ssyncset.done $0x0  }
0x10b: {  	[sflag:s13] =	ssyncadd.s32 $0xFFFFC000  }
0x10c: {  	[spmem:s3] =	stream.indirect.scatter.add.f32 [tilespmem:s12], [sflag:$0x2], $0x80, s31, s8, $0xb8;
	[tilespmem:$0xCB00] =	vst v63  }
0x10d: {  	_ =	swait.ge [sflag:s6], $0x4000  }
0x10e: {  	[sflag:s6] =	ssyncset.done $0x0  }
0x10f: {  	[sflag:s6] =	ssyncadd.s32 $0xFFFFC000  }
0x110: {  	[tilespmem:s12], [sflag:$0x1] =	stream.indirect.gather [hbm4b:s11+s8], $0x80, s4, s8, $0xb8;
	[tilespmem:$0xCB00] =	vst v63  }
0x111: {  	_ =	swait.ge [sflag:s13], $0x4000  }
0x112: {  	[sflag:s13] =	ssyncset.done $0x0  }
0x113: {  	s2 =	rddreg [dreg:$0xf];
	[sflag:s13] =	ssyncadd.s32 $0xFFFFC000  }
0x114: {  	[hbm4b:s2+s4] =	stream.linear.scatter [tilespmem:s12], [sflag:$0x2], $0x4000, $0x38;
	[tilespmem:$0xCB00] =	vst v63  }
0x115: {  	_ =	swait.ge [sflag:s6], $0x4000  }
0x116: {  	[sflag:s6] =	ssyncset.done $0x0  }
0x117: {  	[sflag:s6] =	ssyncadd.s32 $0xFFFFC000  }
0x118: {  	[tilespmem:s12], [sflag:$0x1] =	stream.indirect.gather [hbm4b:s11+s8], $0x80, s8, s8, $0xb8;
	[tilespmem:$0xCB00] =	vst v63  }
0x119: {  	_ =	swait.ge [sflag:s13], $0x4000  }
0x11a: {  	[sflag:s13] =	ssyncset.done $0x0  }
0x11b: {  	s2 =	rddreg [dreg:$0x10];
	[sflag:s13] =	ssyncadd.s32 $0xFFFFC000  }
0x11c: {  	[hbm4b:s2+s4] =	stream.linear.scatter [tilespmem:s12], [sflag:$0x2], $0x4000, $0x38;
	[tilespmem:$0xCB00] =	vst v63  }
0x11d: {  	_ =	swait.ge [sflag:s6], $0x4000  }
0x11e: {  	[sflag:s6] =	ssyncset.done $0x0  }
0x11f: {  	[sflag:s6] =	ssyncadd.s32 $0xFFFFC000  }
0x120: {  	[tilespmem:s12], [sflag:$0x1] =	stream.indirect.gather [hbm4b:s1+s8], $0x80, s4, s8, $0xb8;
	[tilespmem:$0xCB00] =	vst v63  }
0x121: {  	_ =	swait.ge [sflag:s13], $0x4000  }
0x122: {  	[sflag:s13] =	ssyncset.done $0x0  }
0x123: {  	s2 =	rddreg [dreg:$0x11];
	[sflag:s13] =	ssyncadd.s32 $0xFFFFC000  }
0x124: {  	[hbm4b:s2+s4] =	stream.linear.scatter [tilespmem:s12], [sflag:$0x2], $0x4000, $0x38;
	[tilespmem:$0xCB00] =	vst v63  }
0x125: {  	_ =	swait.ge [sflag:s6], $0x4000  }
0x126: {  	[sflag:s6] =	ssyncset.done $0x0  }
0x127: {  	[sflag:s6] =	ssyncadd.s32 $0xFFFFC000  }
0x128: {  	[tilespmem:s12], [sflag:$0x1] =	stream.indirect.gather [hbm4b:s1+s8], $0x80, s8, s8, $0xb8;
	[tilespmem:$0xCB00] =	vst v63  }
0x129: {  	_ =	swait.ge [sflag:s13], $0x4000  }
0x12a: {  	[sflag:s13] =	ssyncset.done $0x0  }
0x12b: {  	s2 =	rddreg [dreg:$0x12];
	[sflag:s13] =	ssyncadd.s32 $0xFFFFC000  }
0x12c: {  	[hbm4b:s2+s4] =	stream.linear.scatter [tilespmem:s12], [sflag:$0x2], $0x4000, $0x38;
	[tilespmem:$0xCB00] =	vst v63  }
0x12d: {  	_ =	swait.ge [sflag:s6], $0x4000  }
0x12e: {  	p0 =	sne.s32 s0, $0x1;
	[sflag:s6] =	ssyncset.done $0x0  }
.Ltmp1:
0x12f: {  	[sflag:s6] =	ssyncadd.s32 $0xFFFFC000;
	(pc) =	sbr.rel @p0 .LBB2_1-.Ltmp1, $4  }
0x130: {  	[bflag:$0x0] =	sbarrier.arrive $0xFFFF  }
0x131: {  	s2 =	rddreg [dreg:$0x13]  }
0x132: {  	[hbm:s2], [sflag:s5] =	dma.local [spmem:s7], $0x1000  }
0x133: {  	s0 =	sadd.s32 $0xFFFFFFFF, s0;
	_ =	swait.ge [sflag:s6], $0x1000  }
.LBB2_2:
0x134: {  	[sflag:s6] =	ssyncset.done $0x0  }
0x135: {  	[sflag:s6] =	ssyncadd.s32 $0xFFFFF000  }
0x136: {  	_ =	sfence.sel $0x180000  }
0x137: {  	[bflag:$0x0] =	sbarrier.arrive $0xFFFF  }
0x138: {  	_ =	strace $0x90000053  }
0x139: {  	s0 =	stileid.u32;
	[bflag:$0x2] =	sbarrier.arrive $0xFFFF  }
0x13a: {  	p0 =	sne.s32 s0, $0x0;
	s0 =	rddreg [dreg:$0x9]  }
0x13b: {  	s0 =	sadd.s32 @!p0 $0x100000, s0  }
0x13c: {  	[sflag:s0] =	ssyncadd.tile.s32 @!p0 $0x1;
	_ =	shalt  }
.Lfunc_end2:
_tile_overlayer_lowered:
.L_overlay_start_2:
0x13d: {  	(tag) =	ssettag $0x2  }
0x13e: {  	s0 =	rddreg [dreg:$0x0];
	s2 =	stileid.u32  }
0x13f: {  	s1 =	rddreg [dreg:$0x1];
	p0 =	sne.s32 s2, $0x0  }
0x140: {  	s3 =	rddreg [dreg:$0x2];
	[bflag:$0x3] =	sbarrier.arrive $0xFFFF;
	s2 =	simm.s32 @!p0 $0x1C02  }
0x141: {  	[timem:s3], [sflag:s2] =	dma.local @!p0 [hbm:s0], s1  }
0x142: {  	s0 =	simm.s32 @!p0 $0x2  }
0x143: {  	_ =	swait.ge @!p0 [sflag:s0], s1  }
0x144: {  	s1 =	ssub.s32 @!p0 $0x0, s1;
	[sflag:s0] =	ssyncset.done @!p0 $0x0  }
0x145: {  	[sflag:s0] =	ssyncadd.s32 @!p0 s1  }
0x146: {  	[bflag:$0x3] =	sbarrier.arrive $0xFFFF  }
0x147: {  	_ =	shalt  }

// kernel: kernel.9.cloned.1.call-start
scs
__scs_entry_jumppad:
0x0: {  	(pc) =	sbr.rel $0x88, $3  }
0x1: {  	(tag) =	ssettag $0x0;
	lr =	simm.s32 $0x1  }
0x2: {  	[smem:$0x3F89] =	sst lr;
	_ =	strace $0xD0000000  }
0x3: {  	_ = 	snop  }
0x4: {  	_ = 	snop  }
0x5: {  	_ = 	snop  }
0x6: {  	_ = 	snop  }
0x7: {  	_ = 	snop  }
__scs_overlays_trampoline_lowered:
0x8: {  	[smem:$0x3F98] =	sst s0  }
0x9: {  	[smem:$0x3F99] =	sst s1  }
0xa: {  	[smem:$0x3F9A] =	sst s2  }
0xb: {  	[smem:$0x3F9B] =	sst s3  }
0xc: {  	[smem:$0x3F9C] =	sst s4  }
0xd: {  	[smem:$0x3F9D] =	sst s5  }
0xe: {  	[smem:$0x3F9E] =	sst s6  }
0xf: {  	[smem:$0x3F9F] =	sst s7  }
0x10: {  	[smem:$0x3FA0] =	sst s8  }
0x11: {  	[smem:$0x3FA1] =	sst s9;
	s0 =	simm.s32 @!p0 $0x0  }
0x12: {  	s1 =	sld [smem:$0x3F87];
	s0 =	simm.s32 @p0 $0x1  }
0x13: {  	[smem:$0x3FA2] =	sst s0;
	s0 =	simm.s32 @!p1 $0x0  }
0x14: {  	s2 =	sld [smem:$0x3F86];
	s0 =	simm.s32 @p1 $0x1  }
0x15: {  	[smem:$0x3FA3] =	sst s0;
	s0 =	simm.s32 @!p2 $0x0  }
0x16: {  	s3 =	sld [smem:$0x3FDB];
	s0 =	simm.s32 @p2 $0x1  }
0x17: {  	s4 =	simm.s32 $0x1BF5;
	[smem:$0x3FA5] =	sst s0  }
0x18: {  	s0 =	sld [smem:$0x3F88];
	_ =	swait.ge [sflag:s4], $0x0  }
0x19: {  	s7 =	sld [smem:$0x3F89]  }
0x1a: {  	s8 =	sadd.s32 $0xFFFFE003, lr  }
0x1b: {  	s9 =	sadd.s32 $0xFFFFFEF7, lr;
	s5 =	simm.s32 $0xFFFFFFFF;
	p2 =	slt.u32 s8, $0xFFFFF086  }
0x1c: {  	p1 =	slt.u32 s9, $0xF7A;
	s5 =	simm.s32 @!p2 $0x0  }
0x1d: {  	s5 =	simm.s32 @p1 $0x1;
	p0 =	seq.s32 s7, s2  }
0x1e: {  	s7 =	smul.u32 @!p0 $0xF7A, s2;
	p2 =	seq.s32 @!p0 s5, $0x0  }
0x1f: {  	s9 =	smul.u32 $0xF7A, s1;
	s8 =	simm.s32 @!p0 $0x1BF5;
	p2 =	por !p2, p0  }
0x20: {  	[sflag:s8] =	ssyncset.s32 @!p0 $0xFFFFF086;
	s6 =	sadd.s32 @!p0 s3, s7;
	s7 =	simm.s32 @!p0 $0x108  }
0x21: {  	s3 =	sadd.s32 s3, s9;
	s6 =	sadd.s32 @!p0 $0x88, s6;
	s7 =	simm.s32 @p2 $0x1082  }
0x22: {  	[simem:s7], [sflag:s8] =	dma.local @!p0 [hbm:s6], $0xF7A  }
0x23: {  	s9 =	sor.u32 $0xD0000000, s2;
	s6 =	simm.s32 $0x108;
	_ =	swait.ge @!p0 [sflag:s8], $0x0  }
0x24: {  	s3 =	sadd.s32 $0x88, s3;
	s6 =	simm.s32 @!p1 $0x1082;
	[sflag:s4] =	ssyncset.s32 $0xFFFFF086  }
0x25: {  	[simem:s6], [sflag:s4] =	dma.local [hbm:s3], $0xF7A  }
0x26: {  	[smem:$0x3F89] =	sst s1;
	(tag) =	ssettag s2;
	_ =	strace s9  }
0x27: {  	s1 =	sld [smem:$0x3F99]  }
0x28: {  	s2 =	sld [smem:$0x3F9A]  }
0x29: {  	s4 =	sld [smem:$0x3F9C]  }
0x2a: {  	p0 =	seq.s32 s5, $0x0;
	s5 =	sld [smem:$0x3F9D]  }
0x2b: {  	s6 =	sld [smem:$0x3F9E]  }
0x2c: {  	s7 =	sld [smem:$0x3F9F]  }
0x2d: {  	s3 =	simm.s32 $0x108;
	s8 =	sld [smem:$0x3FA0]  }
0x2e: {  	s3 =	simm.s32 @!p0 $0x1082;
	s9 =	sld [smem:$0x3FA1]  }
0x2f: {  	lr =	sadd.s32 s0, s3;
	s0 =	sld [smem:$0x3F98]  }
0x30: {  	s3 =	sld [smem:$0x3F9B]  }
0x31: {  	[smem:$0x3FA4] =	sst s10  }
0x32: {  	s10 =	sld [smem:$0x3FA2];
	_ =	sdelay $0x3  }
0x33: {  	p0 =	seq.s32 s10, $0x1;
	s10 =	sld [smem:$0x3FA4];
	_ =	sdelay $0x3  }
0x34: {  	[smem:$0x3FA4] =	sst s10  }
0x35: {  	s10 =	sld [smem:$0x3FA3];
	_ =	sdelay $0x3  }
0x36: {  	p1 =	seq.s32 s10, $0x1;
	s10 =	sld [smem:$0x3FA4];
	_ =	sdelay $0x3  }
0x37: {  	[smem:$0x3FA4] =	sst s10  }
0x38: {  	s10 =	sld [smem:$0x3FA5]  }
0x39: {  	_ = 	snop;
	(pc) =	sbr.ind lr, $3  }
0x3a: {  	_ = 	snop  }
0x3b: {  	_ = 	snop  }
0x3c: {  	p2 =	seq.s32 s10, $0x1;
	s10 =	sld [smem:$0x3FA4]  }
0x3d: {  	_ =	shalt  }
0x3e: {  	_ =	shalt  }
0x3f: {  	_ =	shalt  }
0x40: {  	_ =	shalt  }
0x41: {  	_ =	shalt  }
0x42: {  	_ =	shalt  }
0x43: {  	_ =	shalt  }
0x44: {  	_ =	shalt  }
0x45: {  	_ =	shalt  }
0x46: {  	_ =	shalt  }
0x47: {  	_ =	shalt  }
0x48: {  	_ =	shalt  }
0x49: {  	_ =	shalt  }
0x4a: {  	_ =	shalt  }
0x4b: {  	_ =	shalt  }
0x4c: {  	_ =	shalt  }
0x4d: {  	_ =	shalt  }
0x4e: {  	_ =	shalt  }
0x4f: {  	_ =	shalt  }
0x50: {  	_ =	shalt  }
0x51: {  	_ =	shalt  }
0x52: {  	_ =	shalt  }
0x53: {  	_ =	shalt  }
0x54: {  	_ =	shalt  }
0x55: {  	_ =	shalt  }
0x56: {  	_ =	shalt  }
0x57: {  	_ =	shalt  }
0x58: {  	_ =	shalt  }
0x59: {  	_ =	shalt  }
0x5a: {  	_ =	shalt  }
0x5b: {  	_ =	shalt  }
0x5c: {  	_ =	shalt  }
0x5d: {  	_ =	shalt  }
0x5e: {  	_ =	shalt  }
0x5f: {  	_ =	shalt  }
0x60: {  	_ =	shalt  }
0x61: {  	_ =	shalt  }
0x62: {  	_ =	shalt  }
0x63: {  	_ =	shalt  }
0x64: {  	_ =	shalt  }
0x65: {  	_ =	shalt  }
0x66: {  	_ =	shalt  }
0x67: {  	_ =	shalt  }
0x68: {  	_ =	shalt  }
0x69: {  	_ =	shalt  }
0x6a: {  	_ =	shalt  }
0x6b: {  	_ =	shalt  }
0x6c: {  	_ =	shalt  }
0x6d: {  	_ =	shalt  }
0x6e: {  	_ =	shalt  }
0x6f: {  	_ =	shalt  }
0x70: {  	_ =	shalt  }
0x71: {  	_ =	shalt  }
0x72: {  	_ =	shalt  }
0x73: {  	_ =	shalt  }
0x74: {  	_ =	shalt  }
0x75: {  	_ =	shalt  }
0x76: {  	_ =	shalt  }
0x77: {  	_ =	shalt  }
0x78: {  	_ =	shalt  }
0x79: {  	_ =	shalt  }
0x7a: {  	_ =	shalt  }
0x7b: {  	_ =	shalt  }
0x7c: {  	_ =	shalt  }
0x7d: {  	_ =	shalt  }
0x7e: {  	_ =	shalt  }
0x7f: {  	_ =	shalt  }
0x80: {  	_ =	shalt  }
0x81: {  	_ =	shalt  }
0x82: {  	_ =	shalt  }
0x83: {  	_ =	shalt  }
0x84: {  	_ =	shalt  }
0x85: {  	_ =	shalt  }
0x86: {  	_ =	shalt  }
0x87: {  	_ =	shalt  }
.Lfunc_end0:
.L_simem_size_0:
called_computation.2_lowered:
.L_overlay_start_0:
0x88: {  	s2 =	sld [smem:$0x3FD9]  }
0x89: {  	s3 =	sld [smem:$0x3FFE];
	_ =	sdelay $0x1  }
0x8a: {  	s1 =	srdreg.scid  }
0x8b: {  	s0 =	sand.u32 $0x1, s1  }
0x8c: {  	s14 =	sshll.u32 s0, $0xA;
	s2 =	sadd.s32 s3, s2  }
0x8d: {  	s2 =	sadd.s32 s2, s14  }
0x8e: {  	[smem:$0x3FB0] =	sst s2  }
0x8f: {  	_ = 	snop  }
0x90: {  	s2 =	sld [smem:$0x3FD0];
	_ =	sdelay $0x2  }
0x91: {  	s15 =	simm.s32 $0xA;
	s4 =	simm.s32 $0x10  }
0x92: {  	[smem:s4], [sflag:s15] =	dma.local [hbm:s2], $0x1  }
0x93: {  	_ =	swait.eq [sflag:s15], $0x1  }
0x94: {  	s16 =	sld [smem:$0x10];
	[sflag:s15] =	ssyncset.done $0x0  }
0x95: {  	s17 =	sld [smem:$0x13];
	[sflag:s15] =	ssyncadd.s32 $0xFFFFFFFF  }
0x96: {  	s18 =	sld [smem:$0x14];
	(tm) =	ssettm $0x1  }
0x97: {  	s5 =	sld [smem:$0x3FFB];
	_ =	sdelay $0x3  }
0x98: {  	_ =	strace s5  }
0x99: {  	s5 =	sld [smem:$0x3FFC];
	_ =	sdelay $0x3  }
0x9a: {  	_ =	strace s5  }
0x9b: {  	s5 =	sld [smem:$0x3FFD];
	_ =	sdelay $0x3  }
0x9c: {  	_ =	strace s5  }
0x9d: {  	_ =	strace $0x8FFFFFFF  }
0x9e: {  	s19 =	sld [smem:$0x3FDB];
	_ =	sdelay $0x1  }
0x9f: {  	s6 =	simm.s32 $_scs_section_size  }
0xa0: {  	s7 =	simm.s32 $_size__tile_overlayer_lowered;
	s8 =	simm.s32 $_tile_overlayer_lowered  }
0xa1: {  	s22 =	simm.s32 $0x1BFF;
	s21 =	sshll.u32 s8, $0x1;
	s5 =	sadd.s32 s6, s19  }
0xa2: {  	s9 =	simm.s32 $0x0;
	s20 =	sshll.u32 s7, $0x1;
	s7 =	sadd.s32 s21, s5  }
0xa3: {  	[timem:s9], [sflag:s22] =	dma.local [hbm:s7], s20  }
0xa4: {  	_ =	swait.ge [sflag:s22], s20  }
0xa5: {  	s6 =	ssub.s32 $0x0, s20;
	[sflag:s22] =	ssyncset.done $0x0  }
0xa6: {  	[sflag:s22] =	ssyncadd.s32 s6;
	_ =	sdelay $0x1  }
0xa7: {  	s23 =	simm.s32 $0x1B8B  }
0xa8: {  	_ =	swait.ge [sflag:s23], $0x1  }
0xa9: {  	[sflag:s23] =	ssyncset.done $0x0  }
0xaa: {  	s25 =	simm.s32 $0x1B8E;
	s24 =	sld [smem:$0x3FFE];
	[sflag:s23] =	ssyncadd.s32 $0xFFFFFFFF  }
0xab: {  	s26 =	simm.s32 $execute0_lowered;
	[smem:$0x3FD2] =	sst s25  }
0xac: {  	s7 =	sshll.u32 s26, $0x1;
	_ =	strace $0x80000049;
	[dreg:$0x1] =	wrdreg $0xFFFFFFFF  }
0xad: {  	s28 =	simm.s32 $_size_execute0_lowered;
	s5 =	sadd.s32 s5, s7;
	[dreg:$0x0] =	wrdreg $0x0  }
0xae: {  	s7 =	sshll.u32 s28, $0x1;
	[dreg:$0x2] =	wrdreg s5  }
0xaf: {  	[dreg:$0x3] =	wrdreg s7  }
0xb0: {  	[dreg:$0x4] =	wrdreg $0xC0  }
0xb1: {  	_ =	task [dreg:s9], $0x5FFFF  }
0xb2: {  	[dreg:$0x1] =	wrdreg $0xFFFFFFFF  }
0xb3: {  	[dreg:$0x0] =	wrdreg $0x60  }
0xb4: {  	[dreg:$0x2] =	wrdreg s24  }
0xb5: {  	[dreg:$0x3] =	wrdreg s17  }
0xb6: {  	[dreg:$0x4] =	wrdreg s16  }
0xb7: {  	[dreg:$0x5] =	wrdreg s18  }
0xb8: {  	[dreg:$0x6] =	wrdreg $0xBD000  }
0xb9: {  	[dreg:$0x7] =	wrdreg $0x163000  }
0xba: {  	[dreg:$0x8] =	wrdreg $0x9  }
0xbb: {  	_ =	task.clear_ibuf [dreg:s9], $0x9FFFF;
	_ =	strace $0x90000049  }
0xbc: {  	s29 =	simm.s32 $0x9;
	_ =	strace $0x8000004B  }
0xbd: {  	_ =	swait.ge [sflag:s29], $0x1  }
0xbe: {  	[sflag:s29] =	ssyncadd.s32 $0xFFFFFFFF  }
0xbf: {  	_ =	strace $0x9000004B  }
0xc0: {  	_ =	sfence  }
0xc1: {  	s30 =	sld [smem:$0x0];
	_ =	sdelay $0x2  }
0xc2: {  	s31 =	sshll.u32 s1, $0xD;
	s1 =	sshrl.u32 s1, $0x2  }
0xc3: {  	s3 =	sand.u32 $0x4000, s31;
	s1 =	sadd.s32 s1, s30  }
0xc4: {  	s0 =	sor.u32 s3, s0;
	s1 =	sshll.u32 s1, $0x11  }
0xc5: {  	s0 =	sor.u32 s1, s0  }
0xc6: {  	s0 =	sadd.s32 $0x8F2B, s0  }
0xc7: {  	[sflag:s0] =	ssyncadd.remote.s32 $0x1  }
0xc8: {  	_ =	sfence.sel $0xFFFF  }
0xc9: {  	[dreg:$0x0] =	wrdreg $0xFFFFFFFF;
	(pc) =	sbr.abs _section_cstart, $3  }
0xca: {  	[dreg:$0x1] =	wrdreg $0xFFFFFFFF  }
0xcb: {  	_ =	task.clear_ibuf [dreg:s9], $0x2FFFF;
	_ =	strace $0x9FFFFFFF  }
0xcc: {  	(tm) =	ssettm $0x7FFFFFFF  }
0xcd: {  	_ =	shalt  }
tec
execute0_lowered:
.L_overlay_start_1:
0x0: {  	(tag) =	ssettag $0x1  }
0x1: {  	s7 =	rddreg [dreg:$0x0]  }
0x2: {  	s9 =	rddreg [dreg:$0x1]  }
0x3: {  	s1 =	rddreg [dreg:$0x2]  }
0x4: {  	s13 =	rddreg [dreg:$0x3]  }
0x5: {  	s2 =	srdreg.scid;
	s3 =	rddreg [dreg:$0x4]  }
0x6: {  	s0 =	stileid.u32;
	s4 =	rddreg [dreg:$0x5]  }
0x7: {  	s5 =	simm.s32 $0x0;
	s20 =	simm.s32 $0x80;
	s21 =	simm.s32 $0x9D00  }
0x8: {  	s22 =	simm.s32 $0x1;
	s23 =	simm.s32 $0x0;
	s11 =	smul.u32 $0x9E00, s0  }
0x9: {  	s8 =	sand.u32 $0x1, s2;
	s25 =	sshll.u32 s0, $0x1;
	s28 =	smul.u32 $0x2780, s0  }
0xa: {  	[smem:$0x7FF] =	sst s5;
	s6 =	sadd.s32 $0x13E800, s7;
	s12 =	smul.u32 $0x9E000, s8  }
0xb: {  	s29 =	sshll.u32 s0, $0x6;
	s2 =	sor.u32 s8, s25;
	s18 =	smul.u32 $0x27800, s8  }
0xc: {  	s15 =	ssub.s32 $0x2, s8;
	s8 =	sor.u32 $0x1C02, s29;
	s10 =	smul.u32 $0x9D0, s2  }
0xd: {  	s2 =	rddreg [dreg:$0x6];
	_ =	strace $0x8000004A;
	s26 =	sshrl.u32 s11, $0x3  }
0xe: {  	s16 =	sshrl.u32 s15, $0x1;
	s17 =	sadd.s32 s11, s3;
	s30 =	sshrl.u32 s28, $0x3  }
0xf: {  	s19 =	sadd.s32 s28, s4;
	s12 =	sadd.s32 s11, s12;
	s15 =	ssub.s32 s15, s16  }
0x10: {  	s9 =	sadd.s32 s9, s30;
	s16 =	sadd.s32 s28, s18;
	s18 =	simm.s32 $0x15B00  }
0x11: {  	s14 =	sadd.s32 s10, s7;
	s10 =	sadd.s32 s26, s7;
	s12 =	sshrl.u32 s12, $0x3  }
0x12: {  	s31 =	sshrl.u32 s16, $0x3;
	s16 =	simm.s32 $0x2;
	s12 =	sadd.s32 s12, s7  }
0x13: {  	s7 =	sadd.s32 $0x6000, s10;
	s10 =	sadd.s32 $0x28AA00, s14;
	s11 =	sadd.s32 $0x277000, s14  }
0x14: {  	s13 =	sadd.s32 s13, s31;
	s14 =	smax.u32 s15, $0x1;
	s15 =	sshrl.u32 s17, $0x3  }
0x15: {  	s17 =	sshrl.u32 s19, $0x3;
	s19 =	simm.s32 $0x4E80;
	s12 =	sadd.s32 $0x19C00, s12  }
.LBB2_1:
0x16: {  	[spmem:s15], [sflag:s8] =	dma.local [hbm:s7], $0x13C0  }
0x17: {  	_ =	swait.ge [sflag:s16], $0x13C0  }
0x18: {  	[sflag:s16] =	ssyncset.done $0x0  }
0x19: {  	[sflag:s16] =	ssyncadd.s32 $0xFFFFEC40  }
0x1a: {  	[spmem:s17], [sflag:s8] =	dma.local [hbm:s9], $0x4F0  }
0x1b: {  	_ =	swait.ge [sflag:s16], $0x4F0  }
0x1c: {  	[sflag:s16] =	ssyncset.done $0x0  }
0x1d: {  	[sflag:s16] =	ssyncadd.s32 $0xFFFFFB10  }
0x1e: {  	[tilespmem:s18], [sflag:$0x2] =	stream.linear.gather [hbm4b:s1+s5], $0x800, $0x38;
	[tilespmem:$0x18A80] =	vst v63  }
0x1f: {  	_ =	swait.ge [sflag:s16], $0x800  }
0x20: {  	[sflag:s16] =	ssyncset.done $0x0  }
0x21: {  	[sflag:s16] =	ssyncadd.s32 $0xFFFFF800  }
0x22: {  	[tilespmem:s5], [sflag:$0x2] =	stream.linear.gather [hbm4b:s10+s5], $0x4E80, $0x38;
	[tilespmem:$0x18A80] =	vst v63  }
0x23: {  	_ =	swait.ge [sflag:s16], $0x4E80  }
0x24: {  	[sflag:s16] =	ssyncset.done $0x0  }
0x25: {  	[sflag:s16] =	ssyncadd.s32 $0xFFFFB180  }
0x26: {  	[tilespmem:s19], [sflag:$0x2] =	stream.linear.gather [hbm4b:s11+s5], $0x4E80, $0x38;
	[tilespmem:$0x18A80] =	vst v63  }
0x27: {  	_ =	swait.ge [sflag:s16], $0x4E80  }
0x28: {  	[sflag:s16] =	ssyncset.done $0x0  }
0x29: {  	[sflag:s16] =	ssyncadd.s32 $0xFFFFB180  }
0x2a: {  	s24 =	simm.s32 $0x0;
	[bflag:$0x0] =	sbarrier.arrive $0xFFFF  }
0x2b: {  	[tilespmem:s21], [sflag:$0x1] =	stream.indirect.gather [hbm4b:s6+s20], $0x40, s24, s20, $0xb8;
	[tilespmem:$0x18A80] =	vst v63  }
0x2c: {  	_ =	swait.ge [sflag:s22], $0x2000  }
0x2d: {  	[sflag:s22] =	ssyncset.done $0x0  }
0x2e: {  	s31 =	simm.s32 $0x4E80;
	[sflag:s22] =	ssyncadd.s32 $0xFFFFE000  }
0x2f: {  	[spmem:s3] =	stream.indirect.scatter.add.f32 [tilespmem:s21], [sflag:$0x2], $0x40, s31, s20, $0xb8;
	[tilespmem:$0x18A80] =	vst v63  }
0x30: {  	_ =	swait.ge [sflag:s16], $0x2000  }
0x31: {  	[sflag:s16] =	ssyncset.done $0x0  }
0x32: {  	[sflag:s16] =	ssyncadd.s32 $0xFFFFE000  }
0x33: {  	[spmem:s4] =	stream.indirect.scatter.add.f32 [tilespmem:s18], [sflag:$0x2], $0x10, s31, s20, $0xb8;
	[tilespmem:$0x18A80] =	vst v63  }
0x34: {  	_ =	swait.ge [sflag:s16], $0x800  }
0x35: {  	s25 =	simm.s32 $0x400;
	s24 =	simm.s32 $0x200;
	[sflag:s16] =	ssyncset.done $0x0  }
.LBB2_2:
0x36: {  	s26 =	sshra.s32 s24, $0x2  }
0x37: {  	[sflag:s16] =	ssyncadd.s32 $0xFFFFF800;
	s24 =	smov.u32 s25;
	s28 =	sadd.s32 $0x200, s25  }
0x38: {  	[tilespmem:s21], [sflag:$0x1] =	stream.indirect.gather [hbm4b:s6+s20], $0x40, s26, s20, $0xb8;
	[tilespmem:$0x18A80] =	vst v63  }
0x39: {  	p0 =	sne.s32 s25, $0x13800;
	_ =	swait.ge [sflag:s22], $0x2000  }
0x3a: {  	[sflag:s22] =	ssyncset.done $0x0  }
0x3b: {  	s25 =	sadd.s32 $0x4E80, s26;
	[sflag:s22] =	ssyncadd.s32 $0xFFFFE000  }
0x3c: {  	[spmem:s3] =	stream.indirect.scatter.add.f32 [tilespmem:s21], [sflag:$0x2], $0x40, s25, s20, $0xb8;
	[tilespmem:$0x18A80] =	vst v63  }
0x3d: {  	_ =	swait.ge [sflag:s16], $0x2000  }
.Ltmp0:
0x3e: {  	[sflag:s16] =	ssyncset.done $0x0;
	(pc) =	sbr.rel @p0 .LBB2_2-.Ltmp0, $4  }
0x3f: {  	[sflag:s16] =	ssyncadd.s32 $0xFFFFE000  }
0x40: {  	[spmem:s4] =	stream.indirect.scatter.add.f32 [tilespmem:s18], [sflag:$0x2], $0x10, s25, s20, $0xb8;
	[tilespmem:$0x18A80] =	vst v63  }
0x41: {  	_ =	swait.ge [sflag:s16], $0x800  }
0x42: {  	s25 =	smov.u32 s28;
	[sflag:s16] =	ssyncset.done $0x0  }
0x43: {  	s24 =	sshra.s32 s24, $0x2;
	[sflag:s16] =	ssyncadd.s32 $0xFFFFF800  }
0x44: {  	[tilespmem:s21], [sflag:$0x1] =	stream.indirect.gather [hbm4b:s6+s20], $0x40, s24, s20, $0xb8;
	[tilespmem:$0x18A80] =	vst v63  }
0x45: {  	_ =	swait.ge [sflag:s22], $0x2000  }
0x46: {  	[sflag:s22] =	ssyncset.done $0x0  }
0x47: {  	s24 =	sadd.s32 $0x4E80, s24;
	[sflag:s22] =	ssyncadd.s32 $0xFFFFE000  }
0x48: {  	[spmem:s3] =	stream.indirect.scatter.add.f32 [tilespmem:s21], [sflag:$0x2], $0x40, s24, s20, $0xb8;
	[tilespmem:$0x18A80] =	vst v63  }
0x49: {  	_ =	swait.ge [sflag:s16], $0x2000  }
0x4a: {  	[sflag:s16] =	ssyncset.done $0x0  }
0x4b: {  	[sflag:s16] =	ssyncadd.s32 $0xFFFFE000  }
0x4c: {  	[spmem:s4] =	stream.indirect.scatter.add.f32 [tilespmem:s18], [sflag:$0x2], $0x10, s24, s20, $0xb8;
	[tilespmem:$0x18A80] =	vst v63  }
0x4d: {  	_ =	swait.ge [sflag:s16], $0x800  }
0x4e: {  	[sflag:s16] =	ssyncset.done $0x0  }
0x4f: {  	[sflag:s16] =	ssyncadd.s32 $0xFFFFF800  }
0x50: {  	[bflag:$0x0] =	sbarrier.arrive $0xFFFF  }
0x51: {  	[hbm:s12], [sflag:s8] =	dma.local [spmem:s15], $0x13C0  }
0x52: {  	s23 =	sadd.s32 $0x1, s23;
	_ =	swait.ge [sflag:s16], $0x13C0  }
0x53: {  	p0 =	sne.s32 s23, s14;
	[sflag:s16] =	ssyncset.done $0x0  }
.Ltmp1:
0x54: {  	[sflag:s16] =	ssyncadd.s32 $0xFFFFEC40;
	(pc) =	sbr.rel @p0 .LBB2_1-.Ltmp1, $4  }
0x55: {  	[hbm:s13], [sflag:s8] =	dma.local [spmem:s17], $0x4F0  }
0x56: {  	_ =	swait.ge [sflag:s16], $0x4F0  }
0x57: {  	[sflag:s16] =	ssyncset.done $0x0  }
0x58: {  	[sflag:s16] =	ssyncadd.s32 $0xFFFFFB10  }
0x59: {  	_ =	sfence.sel $0x180000  }
0x5a: {  	[bflag:$0x0] =	sbarrier.arrive $0xFFFF  }
0x5b: {  	p0 =	sne.s32 s0, $0x0;
	_ =	strace $0x9000004A  }
0x5c: {  	s0 =	sadd.s32 @!p0 $0x100000, s2;
	[bflag:$0x2] =	sbarrier.arrive $0xFFFF  }
0x5d: {  	[sflag:s0] =	ssyncadd.tile.s32 @!p0 $0x1;
	_ =	shalt  }
.Lfunc_end2:
_tile_overlayer_lowered:
.L_overlay_start_2:
0x5e: {  	(tag) =	ssettag $0x2  }
0x5f: {  	s0 =	rddreg [dreg:$0x0];
	s2 =	stileid.u32  }
0x60: {  	s1 =	rddreg [dreg:$0x1];
	p0 =	sne.s32 s2, $0x0  }
0x61: {  	s3 =	rddreg [dreg:$0x2];
	[bflag:$0x3] =	sbarrier.arrive $0xFFFF;
	s2 =	simm.s32 @!p0 $0x1C02  }
0x62: {  	[timem:s3], [sflag:s2] =	dma.local @!p0 [hbm:s0], s1  }
0x63: {  	s0 =	simm.s32 @!p0 $0x2  }
0x64: {  	_ =	swait.ge @!p0 [sflag:s0], s1  }
0x65: {  	s1 =	ssub.s32 @!p0 $0x0, s1;
	[sflag:s0] =	ssyncset.done @!p0 $0x0  }
0x66: {  	[sflag:s0] =	ssyncadd.s32 @!p0 s1  }
0x67: {  	[bflag:$0x3] =	sbarrier.arrive $0xFFFF  }
0x68: {  	_ =	shalt  }

// kernel: sparse-core-data-format-call.1.cloned.1.call-start
scs
called_computation.1_lowered:
.L_overlay_start_0:
0x0: {  	s1 =	sld [smem:$0x3FD9]  }
0x1: {  	s2 =	sld [smem:$0x3FFE];
	_ =	sdelay $0x1  }
0x2: {  	s3 =	srdreg.scid  }
0x3: {  	s0 =	sand.u32 $0x1, s3  }
0x4: {  	s17 =	sshll.u32 s0, $0xA;
	s1 =	sadd.s32 s2, s1  }
0x5: {  	s1 =	sadd.s32 s1, s17  }
0x6: {  	[smem:$0x3FB0] =	sst s1  }
0x7: {  	_ = 	snop  }
0x8: {  	(tm) =	ssettm $0x1  }
0x9: {  	s18 =	sld [smem:$0x3FFB];
	_ =	sdelay $0x3  }
0xa: {  	_ =	strace s18  }
0xb: {  	s1 =	sld [smem:$0x3FFC];
	_ =	sdelay $0x3  }
0xc: {  	_ =	strace s1  }
0xd: {  	s1 =	sld [smem:$0x3FFD];
	_ =	sdelay $0x3  }
0xe: {  	_ =	strace s1  }
0xf: {  	_ =	strace $0x8FFFFFFF  }
0x10: {  	s19 =	sld [smem:$0x3FDB];
	_ =	sdelay $0x1  }
0x11: {  	s20 =	simm.s32 $_scs_section_size  }
0x12: {  	s4 =	simm.s32 $_size__tile_overlayer_lowered;
	s5 =	simm.s32 $_tile_overlayer_lowered  }
0x13: {  	s23 =	simm.s32 $0x1BFF;
	s22 =	sshll.u32 s5, $0x1;
	s1 =	sadd.s32 s20, s19  }
0x14: {  	s6 =	simm.s32 $0x0;
	s21 =	sshll.u32 s4, $0x1;
	s4 =	sadd.s32 s22, s1  }
0x15: {  	[timem:s6], [sflag:s23] =	dma.local [hbm:s4], s21  }
0x16: {  	_ =	swait.ge [sflag:s23], s21  }
0x17: {  	s2 =	ssub.s32 $0x0, s21;
	[sflag:s23] =	ssyncset.done $0x0  }
0x18: {  	[sflag:s23] =	ssyncadd.s32 s2;
	_ =	sdelay $0x1  }
0x19: {  	s24 =	simm.s32 $0x1B8B  }
0x1a: {  	_ =	swait.ge [sflag:s24], $0x1  }
0x1b: {  	[sflag:s24] =	ssyncset.done $0x0  }
0x1c: {  	s26 =	simm.s32 $0x1B8E;
	s25 =	sld [smem:$0x3FFE];
	[sflag:s24] =	ssyncadd.s32 $0xFFFFFFFF  }
0x1d: {  	s27 =	simm.s32 $execute0_lowered;
	[smem:$0x3FD2] =	sst s26  }
0x1e: {  	s4 =	sshll.u32 s27, $0x1;
	_ =	strace $0x80000046;
	[dreg:$0x1] =	wrdreg $0xFFFFFFFF  }
0x1f: {  	s28 =	simm.s32 $_size_execute0_lowered;
	s1 =	sadd.s32 s1, s4;
	[dreg:$0x0] =	wrdreg $0x0  }
0x20: {  	s4 =	sshll.u32 s28, $0x1;
	[dreg:$0x2] =	wrdreg s1  }
0x21: {  	[dreg:$0x3] =	wrdreg s4  }
0x22: {  	[dreg:$0x4] =	wrdreg $0xC0  }
0x23: {  	_ =	task [dreg:s6], $0x5FFFF  }
0x24: {  	[dreg:$0x1] =	wrdreg $0xFFFFFFFF  }
0x25: {  	[dreg:$0x0] =	wrdreg $0x60  }
0x26: {  	[dreg:$0x2] =	wrdreg s25  }
0x27: {  	[dreg:$0x3] =	wrdreg $0x9  }
0x28: {  	_ =	task.clear_ibuf [dreg:s6], $0x4FFFF;
	_ =	strace $0x90000046  }
0x29: {  	s29 =	simm.s32 $0x9;
	_ =	strace $0x80000048  }
0x2a: {  	_ =	swait.ge [sflag:s29], $0x1  }
0x2b: {  	[sflag:s29] =	ssyncadd.s32 $0xFFFFFFFF  }
0x2c: {  	_ =	strace $0x90000048  }
0x2d: {  	_ =	sfence  }
0x2e: {  	s30 =	sld [smem:$0x0];
	_ =	sdelay $0x2  }
0x2f: {  	s31 =	sshll.u32 s3, $0xD;
	s3 =	sshrl.u32 s3, $0x2  }
0x30: {  	s2 =	sand.u32 $0x4000, s31;
	s1 =	sadd.s32 s3, s30  }
0x31: {  	s0 =	sor.u32 s2, s0;
	s1 =	sshll.u32 s1, $0x11  }
0x32: {  	s0 =	sor.u32 s1, s0  }
0x33: {  	s0 =	sadd.s32 $0x8F2B, s0  }
0x34: {  	[sflag:s0] =	ssyncadd.remote.s32 $0x1  }
0x35: {  	_ =	sfence.sel $0xFFFF  }
0x36: {  	[dreg:$0x0] =	wrdreg $0xFFFFFFFF;
	(pc) =	sbr.abs _section_cstart, $3  }
0x37: {  	[dreg:$0x1] =	wrdreg $0xFFFFFFFF  }
0x38: {  	_ =	task.clear_ibuf [dreg:s6], $0x2FFFF;
	_ =	strace $0x9FFFFFFF  }
0x39: {  	(tm) =	ssettm $0x7FFFFFFF  }
tec
execute0_lowered:
.L_overlay_start_1:
0x0: {  	(tag) =	ssettag $0x1  }
0x1: {  	s0 =	srdreg.scid  }
0x2: {  	s1 =	sshll.u32 s0, $0x4  }
0x3: {  	s4 =	rddreg [dreg:$0x0];
	s0 =	stileid.u32;
	s1 =	sand.u32 $0x10, s1  }
0x4: {  	s7 =	simm.s32 $0x1;
	s8 =	simm.s32 $0x2;
	s1 =	sor.u32 s0, s1  }
0x5: {  	s9 =	simm.s32 $0x0;
	s12 =	simm.s32 $0x0;
	s2 =	sshll.u32 s1, $0x1  }
0x6: {  	s11 =	simm.s32 $0x0;
	s3 =	sadd.s32 $0x6000, s4;
	s6 =	ssub.s32 $0x4E2, s2  }
.Ltmp0:
0x7: {  	s4 =	sadd.s32 $0x13E800, s4;
	s5 =	sand.u32 $0x3E, s6;
	(pc) =	sbr.rel .LBB1_1-.Ltmp0, $4  }
0x8: {  	s1 =	rddreg [dreg:$0x1];
	_ =	strace $0x80000047;
	p0 =	sne.s32 s5, $0x0  }
0x9: {  	s6 =	sshrl.u32 s6, $0x6;
	s5 =	simm.s32 $0x1;
	s7 =	simm.s32 @!p0 $0x0  }
0xa: {  	s10 =	smov.u32 s2;
	[sflag:s5] =	ssyncpa.u1 $0x0;
	s6 =	sadd.s32 s7, s6  }
0xb: {  	[sflag:s8] =	ssyncpa.u1 $0x0;
	s8 =	simm.s32 $0x0;
	s7 =	sadd.s32 $0x1, s6  }
.LBB1_9:
0xc: {  	s14 =	sadd.s32 $0x40, s10  }
0xd: {  	p1 =	sgt.s32 s14, $0x4E1  }
0xe: {  	s14 =	smov.u32 @p1 s2;
	p1 =	sne.s32 s11, s7  }
.Ltmp1:
0xf: {  	p0 =	slt.u32 s11, $0x2;
	(pc) =	sbr.rel @!p1 .LBB1_10-.Ltmp1, $4  }
0x10: {  	s13 =	simm.s32 @!p0 $0x2  }
0x11: {  	s15 =	sadd.s32 $0x1, s11;
	_ =	swait.ge @!p0 [sflag:s13], $0x4000  }
0x12: {  	s12 =	smov.u32 s10;
	s9 =	sadd.s32 $0x4000, s9;
	[sflag:s13] =	ssyncset.done @!p0 $0x0  }
0x13: {  	s11 =	smov.u32 s15;
	s10 =	smov.u32 s14;
	[sflag:s13] =	ssyncadd.s32 @!p0 $0xFFFFC000  }
.LBB1_1:
0x14: {  	p0 =	sge.u32 s11, s6  }
0x15: {  	s13 =	sxor.u32 @!p0 $0xFFFFFFFF, s11  }
0x16: {  	s31 =	sadd.s32 $0xFFFFFFFF, s11;
	s14 =	sshll.u32 @!p0 s10, $0xA;
	s13 =	sshll.u32 @!p0 s13, $0xE  }
0x17: {  	s15 =	simm.s32 @!p0 $0x0;
	s14 =	sadd.s32 @!p0 s3, s14;
	s13 =	sand.u32 @!p0 $0x4000, s13  }
0x18: {  	[tilespmem:s13], [sflag:$0x1] =	stream.linear.gather @!p0 [hbm4b:s14+s15], $0x4000, $0x38;
	[tilespmem:$0x10000] =	vst v63  }
0x19: {  	p0 =	sge.u32 s31, s6  }
.Ltmp2:
0x1a: {  	_ = 	snop;
	(pc) =	sbr.rel @p0 .LBB1_9-.Ltmp2, $1  }
0x1b: {  	_ =	sdelay $0x3  }
0x1c: {  	s13 =	sshll.u32 s9, $0x2  }
0x1d: {  	_ =	swait.ge [sflag:s5], $0x4000;
	s14 =	sshll.u32 s11, $0xE;
	s16 =	simm.s32 $0x0  }
0x1e: {  	p1 =	por $0x1, $0x1;
	s13 =	sand.u32 $0x10000, s13;
	[sflag:s5] =	ssyncset.done $0x0  }
0x1f: {  	s14 =	sand.u32 $0x4000, s14;
	s15 =	sshrl.u32 s13, $0x2;
	[sflag:s5] =	ssyncadd.s32 $0xFFFFC000  }
0x20: {  	s13 =	sor.u32 $0x8000, s14;
	s14 =	sadd.s32 $0x8040, s15;
	s15 =	sadd.s32 $0x40, s15  }
.LBB1_3:
0x21: {  	s16 =	sshll.u32 s16, $0x2  }
0x22: {  	p0 =	por p1, p1;
	s17 =	sshra.s32 s16, $0x2  }
0x23: {  	s18 =	simm.s32 $0x0;
	s16 =	sadd.s32 s17, s14;
	s17 =	sadd.s32 s17, s15  }
.LBB1_4:
0x24: {  	v0 =	vmov s17;
	_ =	sdelay $0x3  }
0x25: {  	s20 =	simm.s32 $0x0  }
0x26: {  	v6 =	vld.idx.msk [tilespmem:v0+s20+$0x30 ss:$0x1], $0xffff  }
0x27: {  	v7 =	vld.idx.msk [tilespmem:v0+s20+$0xFFFFFFC0 ss:$0x1], $0xffff  }
0x28: {  	v5 =	vld.idx.msk [tilespmem:v0+s20+$0xFFFFFFD0 ss:$0x1], $0xffff  }
0x29: {  	v4 =	vld.idx.msk [tilespmem:v0+s20+$0xFFFFFFE0 ss:$0x1], $0xffff  }
0x2a: {  	v3 =	vld.idx.msk [tilespmem:v0+s20+$0xFFFFFFF0 ss:$0x1], $0xffff  }
0x2b: {  	v1 =	vld.idx.msk [tilespmem:v0+s20+$0x0 ss:$0x1], $0xffff  }
0x2c: {  	v2 =	vld.idx.msk [tilespmem:v0+s20+$0x10 ss:$0x1], $0xffff;
	[tilespmem:s16+$0x30] =	vst v6  }
0x2d: {  	s19 =	simm.s32 $0x80;
	s21 =	simm.s32 $0x400;
	[tilespmem:s16+$0xFFFFFFC0] =	vst v7;
	v6 =	vld.idx.msk [tilespmem:v0+s20+$0x20 ss:$0x1], $0xffff;
	s20 =	smov.u32 s16  }
.LBB1_5:
0x2e: {  	p1 =	sne.s32 s21, $0xE00;
	v7 =	vld.idx.msk [tilespmem:v0+s19+$0x30 ss:$0x1], $0xffff;
	[tilespmem:s20+$0xFFFFFFD0] =	vst v5  }
0x2f: {  	v8 =	vld.idx.msk [tilespmem:v0+s19+$0xFFFFFFC0 ss:$0x1], $0xffff;
	[tilespmem:s20+$0xFFFFFFE0] =	vst v4  }
0x30: {  	v5 =	vld.idx.msk [tilespmem:v0+s19+$0xFFFFFFD0 ss:$0x1], $0xffff;
	[tilespmem:s20+$0xFFFFFFF0] =	vst v3  }
.Ltmp3:
0x31: {  	v4 =	vld.idx.msk [tilespmem:v0+s19+$0xFFFFFFE0 ss:$0x1], $0xffff;
	[tilespmem:s20+$0x0] =	vst v1;
	(pc) =	sbr.rel @p1 .LBB1_5-.Ltmp3, $4  }
0x32: {  	v3 =	vld.idx.msk [tilespmem:v0+s19+$0xFFFFFFF0 ss:$0x1], $0xffff;
	[tilespmem:s20+$0x10] =	vst v2  }
0x33: {  	v1 =	vld.idx.msk [tilespmem:v0+s19+$0x0 ss:$0x1], $0xffff;
	[tilespmem:s20+$0x20] =	vst v6;
	s20 =	sadd.s32 $0x400, s20  }
0x34: {  	v2 =	vld.idx.msk [tilespmem:v0+s19+$0x10 ss:$0x1], $0xffff;
	[tilespmem:s20+$0x30] =	vst v7  }
0x35: {  	[tilespmem:s20+$0xFFFFFFC0] =	vst v8;
	v6 =	vld.idx.msk [tilespmem:v0+s19+$0x20 ss:$0x1], $0xffff;
	s19 =	sshra.s32 s21, $0x2;
	s21 =	sadd.s32 $0x200, s21  }
0x36: {  	_ =	sdelay $0x2  }
0x37: {  	[tilespmem:s20+$0xFFFFFFD0] =	vst v5  }
0x38: {  	v56 =	vld.idx.msk [tilespmem:v0+s19+$0x30 ss:$0x1], $0xffff;
	[tilespmem:s20+$0xFFFFFFE0] =	vst v4  }
0x39: {  	v57 =	vld.idx.msk [tilespmem:v0+s19+$0xFFFFFFC0 ss:$0x1], $0xffff;
	[tilespmem:s20+$0xFFFFFFF0] =	vst v3  }
0x3a: {  	v58 =	vld.idx.msk [tilespmem:v0+s19+$0xFFFFFFD0 ss:$0x1], $0xffff;
	[tilespmem:s20+$0x0] =	vst v1  }
0x3b: {  	v59 =	vld.idx.msk [tilespmem:v0+s19+$0xFFFFFFE0 ss:$0x1], $0xffff;
	[tilespmem:s20+$0x10] =	vst v2  }
0x3c: {  	v60 =	vld.idx.msk [tilespmem:v0+s19+$0xFFFFFFF0 ss:$0x1], $0xffff;
	s31 =	sadd.s32 $0x400, s20;
	[tilespmem:s20+$0x20] =	vst v6  }
0x3d: {  	v61 =	vld.idx.msk [tilespmem:v0+s19+$0x0 ss:$0x1], $0xffff;
	[tilespmem:s31+$0x30] =	vst v56  }
0x3e: {  	v62 =	vld.idx.msk [tilespmem:v0+s19+$0x10 ss:$0x1], $0xffff;
	s18 =	sadd.s32 $0x1, s18;
	[tilespmem:s31+$0xFFFFFFC0] =	vst v57  }
0x3f: {  	v63 =	vld.idx.msk [tilespmem:v0+s19+$0x20 ss:$0x1], $0xffff;
	p1 =	sne.s32 s18, $0x8;
	[tilespmem:s31+$0xFFFFFFD0] =	vst v58  }
.Ltmp4:
0x40: {  	[tilespmem:s31+$0xFFFFFFE0] =	vst v59;
	(pc) =	sbr.rel @p1 .LBB1_4-.Ltmp4, $4  }
0x41: {  	[tilespmem:s31+$0xFFFFFFF0] =	vst v60  }
0x42: {  	[tilespmem:s31+$0x0] =	vst v61  }
0x43: {  	[tilespmem:s31+$0x10] =	vst v62  }
0x44: {  	s16 =	sadd.s32 $0x80, s16;
	s17 =	sadd.s32 $0x400, s17;
	[tilespmem:s31+$0x20] =	vst v63  }
.Ltmp5:
0x45: {  	(pc) =	sbr.rel @p0 .LBB1_3-.Ltmp5, $2  }
0x46: {  	_ =	sdelay $0x2  }
0x47: {  	s16 =	simm.s32 $0x2000;
	p1 =	por $0x0, $0x0  }
.Ltmp6:
0x48: {  	(pc) =	sbr.rel .LBB1_9-.Ltmp6, $4  }
0x49: {  	_ = 	snop  }
0x4a: {  	s12 =	sshll.u32 s12, $0xA  }
0x4b: {  	s12 =	sadd.s32 s4, s12  }
0x4c: {  	[hbm4b:s12+s8] =	stream.linear.scatter [tilespmem:s13], [sflag:$0x2], $0x4000, $0x38;
	[tilespmem:$0x10000] =	vst v63  }
.LBB1_10:
0x4d: {  	_ =	sfence.sel $0x180000  }
0x4e: {  	s2 =	simm.s32 $0x1;
	[bflag:$0x0] =	sbarrier.arrive $0xFFFF  }
0x4f: {  	s31 =	simm.s32 $0x2;
	[sflag:s2] =	ssyncpa.u1 $0x1  }
0x50: {  	[sflag:s31] =	ssyncpa.u1 $0x1  }
0x51: {  	p0 =	sne.s32 s0, $0x0;
	_ =	strace $0x90000047  }
0x52: {  	s0 =	sadd.s32 @!p0 $0x100000, s1;
	[bflag:$0x2] =	sbarrier.arrive $0xFFFF  }
0x53: {  	[sflag:s0] =	ssyncadd.tile.s32 @!p0 $0x1;
	_ =	shalt  }
.Lfunc_end1:
_tile_overlayer_lowered:
.L_overlay_start_2:
0x54: {  	(tag) =	ssettag $0x2  }
0x55: {  	s0 =	rddreg [dreg:$0x0];
	s2 =	stileid.u32  }
0x56: {  	s1 =	rddreg [dreg:$0x1];
	p0 =	sne.s32 s2, $0x0  }
0x57: {  	s3 =	rddreg [dreg:$0x2];
	[bflag:$0x3] =	sbarrier.arrive $0xFFFF;
	s2 =	simm.s32 @!p0 $0x1C01  }
0x58: {  	[timem:s3], [sflag:s2] =	dma.local @!p0 [hbm:s0], s1  }
0x59: {  	s0 =	simm.s32 @!p0 $0x1  }
0x5a: {  	_ =	swait.ge @!p0 [sflag:s0], s1  }
0x5b: {  	s1 =	ssub.s32 @!p0 $0x0, s1;
	[sflag:s0] =	ssyncset.done @!p0 $0x0  }
0x5c: {  	[sflag:s0] =	ssyncadd.s32 @!p0 s1  }
0x5d: {  	[bflag:$0x3] =	sbarrier.arrive $0xFFFF  }
0x5e: {  	_ =	shalt  }

// kernel: sparse-core-data-format-call.cloned.1.call-start
scs
called_computation_lowered:
.L_overlay_start_0:
0x0: {  	s1 =	sld [smem:$0x3FD9]  }
0x1: {  	s2 =	sld [smem:$0x3FFE];
	_ =	sdelay $0x1  }
0x2: {  	s3 =	srdreg.scid  }
0x3: {  	s0 =	sand.u32 $0x1, s3  }
0x4: {  	s17 =	sshll.u32 s0, $0xA;
	s1 =	sadd.s32 s2, s1  }
0x5: {  	s1 =	sadd.s32 s1, s17  }
0x6: {  	[smem:$0x3FB0] =	sst s1  }
0x7: {  	_ = 	snop  }
0x8: {  	(tm) =	ssettm $0x1  }
0x9: {  	s18 =	sld [smem:$0x3FFB];
	_ =	sdelay $0x3  }
0xa: {  	_ =	strace s18  }
0xb: {  	s1 =	sld [smem:$0x3FFC];
	_ =	sdelay $0x3  }
0xc: {  	_ =	strace s1  }
0xd: {  	s1 =	sld [smem:$0x3FFD];
	_ =	sdelay $0x3  }
0xe: {  	_ =	strace s1  }
0xf: {  	_ =	strace $0x8FFFFFFF  }
0x10: {  	s19 =	sld [smem:$0x3FDB];
	_ =	sdelay $0x1  }
0x11: {  	s20 =	simm.s32 $_scs_section_size  }
0x12: {  	s4 =	simm.s32 $_size__tile_overlayer_lowered;
	s5 =	simm.s32 $_tile_overlayer_lowered  }
0x13: {  	s23 =	simm.s32 $0x1BFF;
	s22 =	sshll.u32 s5, $0x1;
	s1 =	sadd.s32 s20, s19  }
0x14: {  	s6 =	simm.s32 $0x0;
	s21 =	sshll.u32 s4, $0x1;
	s4 =	sadd.s32 s22, s1  }
0x15: {  	[timem:s6], [sflag:s23] =	dma.local [hbm:s4], s21  }
0x16: {  	_ =	swait.ge [sflag:s23], s21  }
0x17: {  	s2 =	ssub.s32 $0x0, s21;
	[sflag:s23] =	ssyncset.done $0x0  }
0x18: {  	[sflag:s23] =	ssyncadd.s32 s2;
	_ =	sdelay $0x1  }
0x19: {  	s24 =	simm.s32 $0x1B8B  }
0x1a: {  	_ =	swait.ge [sflag:s24], $0x1  }
0x1b: {  	[sflag:s24] =	ssyncset.done $0x0  }
0x1c: {  	s26 =	simm.s32 $0x1B8E;
	s25 =	sld [smem:$0x3FFE];
	[sflag:s24] =	ssyncadd.s32 $0xFFFFFFFF  }
0x1d: {  	s27 =	simm.s32 $execute0_lowered;
	[smem:$0x3FD2] =	sst s26  }
0x1e: {  	s4 =	sshll.u32 s27, $0x1;
	_ =	strace $0x8000004C;
	[dreg:$0x1] =	wrdreg $0xFFFFFFFF  }
0x1f: {  	s28 =	simm.s32 $_size_execute0_lowered;
	s1 =	sadd.s32 s1, s4;
	[dreg:$0x0] =	wrdreg $0x0  }
0x20: {  	s4 =	sshll.u32 s28, $0x1;
	[dreg:$0x2] =	wrdreg s1  }
0x21: {  	[dreg:$0x3] =	wrdreg s4  }
0x22: {  	[dreg:$0x4] =	wrdreg $0xC0  }
0x23: {  	_ =	task [dreg:s6], $0x5FFFF  }
0x24: {  	[dreg:$0x1] =	wrdreg $0xFFFFFFFF  }
0x25: {  	[dreg:$0x0] =	wrdreg $0x60  }
0x26: {  	[dreg:$0x2] =	wrdreg s25  }
0x27: {  	[dreg:$0x3] =	wrdreg $0x9  }
0x28: {  	_ =	task.clear_ibuf [dreg:s6], $0x4FFFF;
	_ =	strace $0x9000004C  }
0x29: {  	s29 =	simm.s32 $0x9;
	_ =	strace $0x8000004E  }
0x2a: {  	_ =	swait.ge [sflag:s29], $0x1  }
0x2b: {  	[sflag:s29] =	ssyncadd.s32 $0xFFFFFFFF  }
0x2c: {  	_ =	strace $0x9000004E  }
0x2d: {  	_ =	sfence  }
0x2e: {  	s30 =	sld [smem:$0x0];
	_ =	sdelay $0x2  }
0x2f: {  	s31 =	sshll.u32 s3, $0xD;
	s3 =	sshrl.u32 s3, $0x2  }
0x30: {  	s2 =	sand.u32 $0x4000, s31;
	s1 =	sadd.s32 s3, s30  }
0x31: {  	s0 =	sor.u32 s2, s0;
	s1 =	sshll.u32 s1, $0x11  }
0x32: {  	s0 =	sor.u32 s1, s0  }
0x33: {  	s0 =	sadd.s32 $0x8F2B, s0  }
0x34: {  	[sflag:s0] =	ssyncadd.remote.s32 $0x1  }
0x35: {  	_ =	sfence.sel $0xFFFF  }
0x36: {  	[dreg:$0x0] =	wrdreg $0xFFFFFFFF;
	(pc) =	sbr.abs _section_cstart, $3  }
0x37: {  	[dreg:$0x1] =	wrdreg $0xFFFFFFFF  }
0x38: {  	_ =	task.clear_ibuf [dreg:s6], $0x2FFFF;
	_ =	strace $0x9FFFFFFF  }
0x39: {  	(tm) =	ssettm $0x7FFFFFFF  }
tec
execute0_lowered:
.L_overlay_start_1:
0x0: {  	(tag) =	ssettag $0x1  }
0x1: {  	s0 =	srdreg.scid  }
0x2: {  	s1 =	sshll.u32 s0, $0x4  }
0x3: {  	s4 =	rddreg [dreg:$0x0];
	s0 =	stileid.u32;
	s1 =	sand.u32 $0x10, s1  }
0x4: {  	s7 =	simm.s32 $0x1;
	s8 =	simm.s32 $0x2;
	s1 =	sor.u32 s0, s1  }
0x5: {  	s9 =	simm.s32 $0x0;
	s12 =	simm.s32 $0x0;
	s2 =	sshll.u32 s1, $0x1  }
0x6: {  	s11 =	simm.s32 $0x0;
	s3 =	sadd.s32 $0x90400, s4;
	s6 =	ssub.s32 $0x4E2, s2  }
.Ltmp0:
0x7: {  	s4 =	sadd.s32 $0x29E400, s4;
	s5 =	sand.u32 $0x3E, s6;
	(pc) =	sbr.rel .LBB1_1-.Ltmp0, $4  }
0x8: {  	s1 =	rddreg [dreg:$0x1];
	_ =	strace $0x8000004D;
	p0 =	sne.s32 s5, $0x0  }
0x9: {  	s6 =	sshrl.u32 s6, $0x6;
	s5 =	simm.s32 $0x1;
	s7 =	simm.s32 @!p0 $0x0  }
0xa: {  	s10 =	smov.u32 s2;
	[sflag:s5] =	ssyncpa.u1 $0x0;
	s6 =	sadd.s32 s7, s6  }
0xb: {  	[sflag:s8] =	ssyncpa.u1 $0x0;
	s8 =	simm.s32 $0x0;
	s7 =	sadd.s32 $0x1, s6  }
.LBB1_9:
0xc: {  	s14 =	sadd.s32 $0x40, s10  }
0xd: {  	p1 =	sgt.s32 s14, $0x4E1  }
0xe: {  	s14 =	smov.u32 @p1 s2;
	p1 =	sne.s32 s11, s7  }
.Ltmp1:
0xf: {  	p0 =	slt.u32 s11, $0x2;
	(pc) =	sbr.rel @!p1 .LBB1_10-.Ltmp1, $4  }
0x10: {  	s13 =	simm.s32 @!p0 $0x2  }
0x11: {  	s15 =	sadd.s32 $0x1, s11;
	_ =	swait.ge @!p0 [sflag:s13], $0x4000  }
0x12: {  	s12 =	smov.u32 s10;
	s9 =	sadd.s32 $0x4000, s9;
	[sflag:s13] =	ssyncset.done @!p0 $0x0  }
0x13: {  	s11 =	smov.u32 s15;
	s10 =	smov.u32 s14;
	[sflag:s13] =	ssyncadd.s32 @!p0 $0xFFFFC000  }
.LBB1_1:
0x14: {  	p0 =	sge.u32 s11, s6  }
0x15: {  	s13 =	sxor.u32 @!p0 $0xFFFFFFFF, s11  }
0x16: {  	s31 =	sadd.s32 $0xFFFFFFFF, s11;
	s14 =	sshll.u32 @!p0 s10, $0xA;
	s13 =	sshll.u32 @!p0 s13, $0xE  }
0x17: {  	s15 =	simm.s32 @!p0 $0x0;
	s14 =	sadd.s32 @!p0 s3, s14;
	s13 =	sand.u32 @!p0 $0x4000, s13  }
0x18: {  	[tilespmem:s13], [sflag:$0x1] =	stream.linear.gather @!p0 [hbm4b:s14+s15], $0x4000, $0x38;
	[tilespmem:$0x10000] =	vst v63  }
0x19: {  	p0 =	sge.u32 s31, s6  }
.Ltmp2:
0x1a: {  	_ = 	snop;
	(pc) =	sbr.rel @p0 .LBB1_9-.Ltmp2, $1  }
0x1b: {  	_ =	sdelay $0x3  }
0x1c: {  	s13 =	sshll.u32 s9, $0x2  }
0x1d: {  	_ =	swait.ge [sflag:s5], $0x4000;
	s14 =	sshll.u32 s11, $0xE;
	s16 =	simm.s32 $0x0  }
0x1e: {  	p1 =	por $0x1, $0x1;
	s13 =	sand.u32 $0x10000, s13;
	[sflag:s5] =	ssyncset.done $0x0  }
0x1f: {  	s14 =	sand.u32 $0x4000, s14;
	s15 =	sshrl.u32 s13, $0x2;
	[sflag:s5] =	ssyncadd.s32 $0xFFFFC000  }
0x20: {  	s13 =	sor.u32 $0x8000, s14;
	s14 =	sadd.s32 $0x8040, s15;
	s15 =	sadd.s32 $0x40, s15  }
.LBB1_3:
0x21: {  	s16 =	sshll.u32 s16, $0x2  }
0x22: {  	p0 =	por p1, p1;
	s17 =	sshra.s32 s16, $0x2  }
0x23: {  	s18 =	simm.s32 $0x0;
	s16 =	sadd.s32 s17, s14;
	s17 =	sadd.s32 s17, s15  }
.LBB1_4:
0x24: {  	v0 =	vmov s17;
	_ =	sdelay $0x3  }
0x25: {  	s20 =	simm.s32 $0x0  }
0x26: {  	v6 =	vld.idx.msk [tilespmem:v0+s20+$0x30 ss:$0x1], $0xffff  }
0x27: {  	v7 =	vld.idx.msk [tilespmem:v0+s20+$0xFFFFFFC0 ss:$0x1], $0xffff  }
0x28: {  	v5 =	vld.idx.msk [tilespmem:v0+s20+$0xFFFFFFD0 ss:$0x1], $0xffff  }
0x29: {  	v4 =	vld.idx.msk [tilespmem:v0+s20+$0xFFFFFFE0 ss:$0x1], $0xffff  }
0x2a: {  	v3 =	vld.idx.msk [tilespmem:v0+s20+$0xFFFFFFF0 ss:$0x1], $0xffff  }
0x2b: {  	v1 =	vld.idx.msk [tilespmem:v0+s20+$0x0 ss:$0x1], $0xffff  }
0x2c: {  	v2 =	vld.idx.msk [tilespmem:v0+s20+$0x10 ss:$0x1], $0xffff;
	[tilespmem:s16+$0x30] =	vst v6  }
0x2d: {  	s19 =	simm.s32 $0x80;
	s21 =	simm.s32 $0x400;
	[tilespmem:s16+$0xFFFFFFC0] =	vst v7;
	v6 =	vld.idx.msk [tilespmem:v0+s20+$0x20 ss:$0x1], $0xffff;
	s20 =	smov.u32 s16  }
.LBB1_5:
0x2e: {  	p1 =	sne.s32 s21, $0xE00;
	v7 =	vld.idx.msk [tilespmem:v0+s19+$0x30 ss:$0x1], $0xffff;
	[tilespmem:s20+$0xFFFFFFD0] =	vst v5  }
0x2f: {  	v8 =	vld.idx.msk [tilespmem:v0+s19+$0xFFFFFFC0 ss:$0x1], $0xffff;
	[tilespmem:s20+$0xFFFFFFE0] =	vst v4  }
0x30: {  	v5 =	vld.idx.msk [tilespmem:v0+s19+$0xFFFFFFD0 ss:$0x1], $0xffff;
	[tilespmem:s20+$0xFFFFFFF0] =	vst v3  }
.Ltmp3:
0x31: {  	v4 =	vld.idx.msk [tilespmem:v0+s19+$0xFFFFFFE0 ss:$0x1], $0xffff;
	[tilespmem:s20+$0x0] =	vst v1;
	(pc) =	sbr.rel @p1 .LBB1_5-.Ltmp3, $4  }
0x32: {  	v3 =	vld.idx.msk [tilespmem:v0+s19+$0xFFFFFFF0 ss:$0x1], $0xffff;
	[tilespmem:s20+$0x10] =	vst v2  }
0x33: {  	v1 =	vld.idx.msk [tilespmem:v0+s19+$0x0 ss:$0x1], $0xffff;
	[tilespmem:s20+$0x20] =	vst v6;
	s20 =	sadd.s32 $0x400, s20  }
0x34: {  	v2 =	vld.idx.msk [tilespmem:v0+s19+$0x10 ss:$0x1], $0xffff;
	[tilespmem:s20+$0x30] =	vst v7  }
0x35: {  	[tilespmem:s20+$0xFFFFFFC0] =	vst v8;
	v6 =	vld.idx.msk [tilespmem:v0+s19+$0x20 ss:$0x1], $0xffff;
	s19 =	sshra.s32 s21, $0x2;
	s21 =	sadd.s32 $0x200, s21  }
0x36: {  	_ =	sdelay $0x2  }
0x37: {  	[tilespmem:s20+$0xFFFFFFD0] =	vst v5  }
0x38: {  	v56 =	vld.idx.msk [tilespmem:v0+s19+$0x30 ss:$0x1], $0xffff;
	[tilespmem:s20+$0xFFFFFFE0] =	vst v4  }
0x39: {  	v57 =	vld.idx.msk [tilespmem:v0+s19+$0xFFFFFFC0 ss:$0x1], $0xffff;
	[tilespmem:s20+$0xFFFFFFF0] =	vst v3  }
0x3a: {  	v58 =	vld.idx.msk [tilespmem:v0+s19+$0xFFFFFFD0 ss:$0x1], $0xffff;
	[tilespmem:s20+$0x0] =	vst v1  }
0x3b: {  	v59 =	vld.idx.msk [tilespmem:v0+s19+$0xFFFFFFE0 ss:$0x1], $0xffff;
	[tilespmem:s20+$0x10] =	vst v2  }
0x3c: {  	v60 =	vld.idx.msk [tilespmem:v0+s19+$0xFFFFFFF0 ss:$0x1], $0xffff;
	s31 =	sadd.s32 $0x400, s20;
	[tilespmem:s20+$0x20] =	vst v6  }
0x3d: {  	v61 =	vld.idx.msk [tilespmem:v0+s19+$0x0 ss:$0x1], $0xffff;
	[tilespmem:s31+$0x30] =	vst v56  }
0x3e: {  	v62 =	vld.idx.msk [tilespmem:v0+s19+$0x10 ss:$0x1], $0xffff;
	s18 =	sadd.s32 $0x1, s18;
	[tilespmem:s31+$0xFFFFFFC0] =	vst v57  }
0x3f: {  	v63 =	vld.idx.msk [tilespmem:v0+s19+$0x20 ss:$0x1], $0xffff;
	p1 =	sne.s32 s18, $0x8;
	[tilespmem:s31+$0xFFFFFFD0] =	vst v58  }
.Ltmp4:
0x40: {  	[tilespmem:s31+$0xFFFFFFE0] =	vst v59;
	(pc) =	sbr.rel @p1 .LBB1_4-.Ltmp4, $4  }
0x41: {  	[tilespmem:s31+$0xFFFFFFF0] =	vst v60  }
0x42: {  	[tilespmem:s31+$0x0] =	vst v61  }
0x43: {  	[tilespmem:s31+$0x10] =	vst v62  }
0x44: {  	s16 =	sadd.s32 $0x80, s16;
	s17 =	sadd.s32 $0x400, s17;
	[tilespmem:s31+$0x20] =	vst v63  }
.Ltmp5:
0x45: {  	(pc) =	sbr.rel @p0 .LBB1_3-.Ltmp5, $2  }
0x46: {  	_ =	sdelay $0x2  }
0x47: {  	s16 =	simm.s32 $0x2000;
	p1 =	por $0x0, $0x0  }
.Ltmp6:
0x48: {  	(pc) =	sbr.rel .LBB1_9-.Ltmp6, $4  }
0x49: {  	_ = 	snop  }
0x4a: {  	s12 =	sshll.u32 s12, $0xA  }
0x4b: {  	s12 =	sadd.s32 s4, s12  }
0x4c: {  	[hbm4b:s12+s8] =	stream.linear.scatter [tilespmem:s13], [sflag:$0x2], $0x4000, $0x38;
	[tilespmem:$0x10000] =	vst v63  }
.LBB1_10:
0x4d: {  	_ =	sfence.sel $0x180000  }
0x4e: {  	s2 =	simm.s32 $0x1;
	[bflag:$0x0] =	sbarrier.arrive $0xFFFF  }
0x4f: {  	s31 =	simm.s32 $0x2;
	[sflag:s2] =	ssyncpa.u1 $0x1  }
0x50: {  	[sflag:s31] =	ssyncpa.u1 $0x1  }
0x51: {  	p0 =	sne.s32 s0, $0x0;
	_ =	strace $0x9000004D  }
0x52: {  	s0 =	sadd.s32 @!p0 $0x100000, s1;
	[bflag:$0x2] =	sbarrier.arrive $0xFFFF  }
0x53: {  	[sflag:s0] =	ssyncadd.tile.s32 @!p0 $0x1;
	_ =	shalt  }
.Lfunc_end1:
_tile_overlayer_lowered:
.L_overlay_start_2:
0x54: {  	(tag) =	ssettag $0x2  }
0x55: {  	s0 =	rddreg [dreg:$0x0];
	s2 =	stileid.u32  }
0x56: {  	s1 =	rddreg [dreg:$0x1];
	p0 =	sne.s32 s2, $0x0  }
0x57: {  	s3 =	rddreg [dreg:$0x2];
	[bflag:$0x3] =	sbarrier.arrive $0xFFFF;
	s2 =	simm.s32 @!p0 $0x1C01  }
0x58: {  	[timem:s3], [sflag:s2] =	dma.local @!p0 [hbm:s0], s1  }
0x59: {  	s0 =	simm.s32 @!p0 $0x1  }
0x5a: {  	_ =	swait.ge @!p0 [sflag:s0], s1  }
0x5b: {  	s1 =	ssub.s32 @!p0 $0x0, s1;
	[sflag:s0] =	ssyncset.done @!p0 $0x0  }
0x5c: {  	[sflag:s0] =	ssyncadd.s32 @!p0 s1  }
0x5d: {  	[bflag:$0x3] =	sbarrier.arrive $0xFFFF  }
0x5e: {  	_ =	shalt  }

</sc_bundles>
